<compile_context>
chip_gen: v7x
topology: tpu7x:2x2x1
jax: 0.10.2.dev20260603
libtpu: 0.0.44.dev20260713+nightly
codegen_flags: <defaults>
</compile_context>

<pallas_src>
import functools

import jax
import jax.numpy as jnp
from jax import lax
from jax.experimental import pallas as pl
from jax.experimental.pallas import tpu as pltpu
from jax.experimental.pallas import tpu_sc as plsc

N = 10000
E = 320000
D = 128
EPS = 1e-7

NC = 2
NS = 16
NW = NC * NS
RPT = 632
NPAD = NS * RPT

BE = 2000
CHUNK = 40
SPLITS = (125 * NW * CHUNK, 125 * NW * CHUNK)


def _lane_mask(shape):
    return lax.broadcasted_iota(jnp.int32, shape, len(shape) - 1) >= 1


def _arccosh(z):
    return jnp.log(z + jnp.sqrt((z - 1.0) * (z + 1.0)))


def _cosh_sinh(t):
    e = jnp.exp(t)
    ei = 1.0 / e
    return 0.5 * (e + ei), 0.5 * (e - ei)



def _node_linear_body(h_ref, w_ref, b_ref, x_ref):
    h = h_ref[...]
    sp = _lane_mask(h.shape)
    h0 = h[:, 0:1]
    d = _arccosh(jnp.maximum(h0, 1.0 + EPS))
    n = jnp.maximum(
        jnp.sqrt(jnp.sum(jnp.where(sp, h * h, 0.0), axis=1, keepdims=True)), 1e-8)
    lm = jnp.where(sp, h * (d / n), 0.0)
    xt = jnp.dot(lm, w_ref[...], preferred_element_type=jnp.float32)
    n2 = jnp.maximum(
        jnp.sqrt(jnp.sum(jnp.where(sp, xt * xt, 0.0), axis=1, keepdims=True)), 1e-8)
    c2, s2 = _cosh_sinh(n2)
    x = jnp.where(sp, xt * (s2 / n2), c2)
    bf = b_ref[...]
    ip = jnp.sum(jnp.where(sp, x * bf, 0.0), axis=1, keepdims=True)
    coef = ip / (1.0 + x[:, 0:1])
    bias = jnp.where(sp, bf + coef * x, ip)
    linn = jnp.sum(jnp.where(sp, bias * bias, -(bias * bias)), axis=1, keepdims=True)
    nrm = jnp.sqrt(jnp.maximum(linn, 1e-12))
    c3, s3 = _cosh_sinh(nrm)
    x_ref[...] = c3 * x + (s3 / nrm) * bias


def _stage_a(h, w, b):
    return pl.pallas_call(
        _node_linear_body,
        out_shape=jax.ShapeDtypeStruct((N, D), jnp.float32),
    )(h, w, b)



def _sc_gather(x, row1, col1):
    e_tot = row1.shape[0]
    ept = e_tot // NW
    nchunk = ept // CHUNK

    def body(x_hbm, row_hbm, col_hbm, xr_hbm, xc_hbm,
             ridx_a, cidx_a, rbuf_a, cbuf_a,
             ridx_b, cidx_b, rbuf_b, cbuf_b, sem_a, sem_b):
        wid = lax.axis_index("s") * NC + lax.axis_index("c")
        base = wid * ept

        def issue(c, ridx, cidx, rbuf, cbuf, sem):
            off = base + c * CHUNK
            pltpu.sync_copy(row_hbm.at[pl.ds(off, CHUNK)], ridx)
            pltpu.sync_copy(col_hbm.at[pl.ds(off, CHUNK)], cidx)
            pltpu.async_copy(x_hbm.at[ridx], rbuf, sem)
            pltpu.async_copy(x_hbm.at[cidx], cbuf, sem)

        def drain_store(c, ridx, cidx, rbuf, cbuf, sem):
            pltpu.make_async_copy(x_hbm.at[ridx], rbuf, sem).wait()
            pltpu.make_async_copy(x_hbm.at[cidx], cbuf, sem).wait()
            off = base + c * CHUNK
            pltpu.sync_copy(rbuf, xr_hbm.at[pl.ds(off, CHUNK)])
            pltpu.sync_copy(cbuf, xc_hbm.at[pl.ds(off, CHUNK)])

        issue(0, ridx_a, cidx_a, rbuf_a, cbuf_a, sem_a)

        def loop(p, carry):
            c = 2 * p
            issue(c + 1, ridx_b, cidx_b, rbuf_b, cbuf_b, sem_b)
            drain_store(c, ridx_a, cidx_a, rbuf_a, cbuf_a, sem_a)
            issue(c + 2, ridx_a, cidx_a, rbuf_a, cbuf_a, sem_a)
            drain_store(c + 1, ridx_b, cidx_b, rbuf_b, cbuf_b, sem_b)
            return carry

        lax.fori_loop(0, (nchunk - 1) // 2, loop, 0)
        drain_store(nchunk - 1, ridx_a, cidx_a, rbuf_a, cbuf_a, sem_a)

    fn = functools.partial(
        pl.kernel,
        out_type=[jax.ShapeDtypeStruct((e_tot, D), jnp.float32),
                  jax.ShapeDtypeStruct((e_tot, D), jnp.float32)],
        mesh=plsc.VectorSubcoreMesh(core_axis_name="c", subcore_axis_name="s"),
        scratch_types=[
            pltpu.VMEM((CHUNK,), jnp.int32),
            pltpu.VMEM((CHUNK,), jnp.int32),
            pltpu.VMEM((CHUNK, D), jnp.float32),
            pltpu.VMEM((CHUNK, D), jnp.float32),
            pltpu.VMEM((CHUNK,), jnp.int32),
            pltpu.VMEM((CHUNK,), jnp.int32),
            pltpu.VMEM((CHUNK, D), jnp.float32),
            pltpu.VMEM((CHUNK, D), jnp.float32),
            pltpu.SemaphoreType.DMA,
            pltpu.SemaphoreType.DMA,
        ],
    )(body)
    return fn(x, row1, col1)



def _edge_body(xr_ref, xc_ref, ea_ref, em_ref,
               w1r_ref, w1c_ref, w1e_ref, b1_ref, w2_ref, b2_ref, agg_ref):
    gr = xr_ref[...]
    gc = xc_ref[...]

    def tan_scale(g0):
        g0c = jnp.maximum(g0, 1.0 + EPS)
        n = jnp.sqrt((g0c - 1.0) * (g0c + 1.0))
        return jnp.log(g0c + n) / jnp.maximum(n, 1e-8)

    tr = gr * tan_scale(gr[:, 0:1])
    tcv = gc * tan_scale(gc[:, 0:1])
    s = jnp.dot(tr, w1r_ref[...], preferred_element_type=jnp.float32)
    s = s + jnp.dot(tcv, w1c_ref[...], preferred_element_type=jnp.float32)
    s = s + jnp.dot(ea_ref[...], w1e_ref[...], preferred_element_type=jnp.float32)
    s = s + b1_ref[...]
    hid = s / (1.0 + jnp.exp(-s))
    logit = jnp.sum(hid * w2_ref[...], axis=1, keepdims=True) + b2_ref[...][:, 0:1]
    att = em_ref[...] / (1.0 + jnp.exp(-logit))
    alpha = jnp.maximum(
        2.0 * gr[:, 0:1] * gc[:, 0:1] - jnp.sum(gr * gc, axis=1, keepdims=True),
        1.0 + EPS)
    ssq = jnp.sqrt((alpha - 1.0) * (alpha + 1.0))
    dd = jnp.log(alpha + ssq)
    agg_ref[...] = (att * dd / ssq) * (gc - alpha * gr)


def _edge_stage(xr, xc, ea_pad, edge_mask, w1r, w1c, w1e, b1, w2row, b2row):
    e_tot = xr.shape[0]
    grid = (e_tot // BE,)
    return pl.pallas_call(
        _edge_body,
        grid=grid,
        in_specs=[
            pl.BlockSpec((BE, D), lambda i: (i, 0)),
            pl.BlockSpec((BE, D), lambda i: (i, 0)),
            pl.BlockSpec((BE, 8), lambda i: (i, 0)),
            pl.BlockSpec((BE, 1), lambda i: (i, 0)),
            pl.BlockSpec((D, D), lambda i: (0, 0)),
            pl.BlockSpec((D, D), lambda i: (0, 0)),
            pl.BlockSpec((8, D), lambda i: (0, 0)),
            pl.BlockSpec((1, D), lambda i: (0, 0)),
            pl.BlockSpec((1, D), lambda i: (0, 0)),
            pl.BlockSpec((1, D), lambda i: (0, 0)),
        ],
        out_specs=pl.BlockSpec((BE, D), lambda i: (i, 0)),
        out_shape=jax.ShapeDtypeStruct((e_tot, D), jnp.float32),
    )(xr, xc, ea_pad, edge_mask, w1r, w1c, w1e, b1, w2row, b2row)



def _sc_scatter(agg, row1, zeros_tile):
    e_tot = row1.shape[0]
    ept = e_tot // NW
    nchunk = ept // CHUNK

    def body(agg_hbm, row_hbm, z_hbm, out_hbm,
             idx_a, val_a, idx_b, val_b, acc_sh, sem_a, sem_b):
        c = lax.axis_index("c")
        s = lax.axis_index("s")
        wid = s * NC + c
        rbase = s * RPT
        pltpu.sync_copy(z_hbm, acc_sh.at[pl.ds(rbase, RPT)])
        plsc.subcore_barrier()

        def issue(j, idx, val, sem):
            off = wid * ept + j * CHUNK
            pltpu.async_copy(row_hbm.at[pl.ds(off, CHUNK)], idx, sem)
            pltpu.async_copy(agg_hbm.at[pl.ds(off, CHUNK)], val, sem)

        def drain_scatter(j, idx, val, sem):
            off = wid * ept + j * CHUNK
            pltpu.make_async_copy(row_hbm.at[pl.ds(off, CHUNK)], idx, sem).wait()
            pltpu.make_async_copy(agg_hbm.at[pl.ds(off, CHUNK)], val, sem).wait()
            pltpu.sync_copy(val, acc_sh.at[idx], add=True)

        issue(0, idx_a, val_a, sem_a)

        def loop(p, carry):
            j = 2 * p
            issue(j + 1, idx_b, val_b, sem_b)
            drain_scatter(j, idx_a, val_a, sem_a)
            issue(j + 2, idx_a, val_a, sem_a)
            drain_scatter(j + 1, idx_b, val_b, sem_b)
            return carry

        lax.fori_loop(0, (nchunk - 1) // 2, loop, 0)
        drain_scatter(nchunk - 1, idx_a, val_a, sem_a)
        plsc.subcore_barrier()
        pltpu.sync_copy(acc_sh.at[pl.ds(rbase, RPT)],
                        out_hbm.at[c, pl.ds(rbase, RPT)])

    fn = functools.partial(
        pl.kernel,
        out_type=jax.ShapeDtypeStruct((NC, NPAD, D), jnp.float32),
        mesh=plsc.VectorSubcoreMesh(core_axis_name="c", subcore_axis_name="s"),
        scratch_types=[
            pltpu.VMEM((CHUNK,), jnp.int32),
            pltpu.VMEM((CHUNK, D), jnp.float32),
            pltpu.VMEM((CHUNK,), jnp.int32),
            pltpu.VMEM((CHUNK, D), jnp.float32),
            pltpu.VMEM_SHARED((NPAD, D), jnp.float32),
            pltpu.SemaphoreType.DMA,
            pltpu.SemaphoreType.DMA,
        ],
    )(body)
    return fn(agg, row1, zeros_tile)



def _final_body(x_ref, *refs):
    p_refs = refs[:-3]
    gam_ref, bet_ref, out_ref = refs[-3:]
    x = x_ref[...]
    sp = _lane_mask(x.shape)
    agg = p_refs[0][...]
    for p_ref in p_refs[1:]:
        agg = agg + p_ref[...]
    li = jnp.sum(jnp.where(sp, x * agg, -(x * agg)), axis=1, keepdims=True)
    u = agg + li * x
    linn = jnp.sum(jnp.where(sp, u * u, -(u * u)), axis=1, keepdims=True)
    nrm = jnp.sqrt(jnp.maximum(linn, 1e-12))
    ch, sh = _cosh_sinh(nrm)
    x2 = ch * x + (sh / nrm) * u
    d = _arccosh(jnp.maximum(x2[:, 0:1], 1.0 + EPS))
    n = jnp.maximum(
        jnp.sqrt(jnp.sum(jnp.where(sp, x2 * x2, 0.0), axis=1, keepdims=True)), 1e-8)
    ht = jnp.where(sp, x2 * (d / n), 0.0)
    mu = jnp.sum(ht, axis=1, keepdims=True) / 127.0
    dsp = jnp.where(sp, ht - mu, 0.0)
    var = jnp.sum(dsp * dsp, axis=1, keepdims=True) / 127.0
    spn = dsp / jnp.sqrt(var + 1e-5) * gam_ref[...] + bet_ref[...]
    n3 = jnp.maximum(
        jnp.sqrt(jnp.sum(jnp.where(sp, spn * spn, 0.0), axis=1, keepdims=True)),
        1e-8)
    c3, s3 = _cosh_sinh(n3)
    x3 = jnp.where(sp, spn * (s3 / n3), c3)
    d4 = _arccosh(jnp.maximum(x3[:, 0:1], 1.0 + EPS))
    n4 = jnp.maximum(
        jnp.sqrt(jnp.sum(jnp.where(sp, x3 * x3, 0.0), axis=1, keepdims=True)), 1e-8)
    r = jnp.maximum(jnp.where(sp, x3 * (d4 / n4), 0.0), 0.0)
    n5 = jnp.maximum(jnp.sqrt(jnp.sum(r * r, axis=1, keepdims=True)), 1e-8)
    c5, s5 = _cosh_sinh(n5)
    out_ref[...] = jnp.where(sp, r * (s5 / n5), c5)


def _final_stage(x, partials, gam, bet):
    return pl.pallas_call(
        _final_body,
        out_shape=jax.ShapeDtypeStruct((N, D), jnp.float32),
    )(x, *partials, gam, bet)



def kernel(h, edge_attr, edges, node_mask, edge_mask, W, b, gamma, beta,
           aW1, ab1, aW2, ab2):
    del node_mask
    row = edges[0].astype(jnp.int32)
    col = edges[1].astype(jnp.int32)

    x = _stage_a(h, W, b)

    ea_pad = jnp.concatenate(
        [edge_attr, jnp.zeros((E, 8 - edge_attr.shape[1]), jnp.float32)], axis=1)
    lane0 = jnp.arange(D)[:, None] > 0
    w1r = aW1[:D] * lane0
    w1c = aW1[D:2 * D] * lane0
    w1e = jnp.concatenate(
        [aW1[2 * D:], jnp.zeros((8 - (aW1.shape[0] - 2 * D), D), jnp.float32)],
        axis=0)
    b1 = ab1.reshape(1, D)
    w2row = aW2.reshape(1, D)
    b2row = jnp.broadcast_to(ab2.reshape(1, 1), (1, D))
    zeros_tile = jnp.zeros((RPT, D), jnp.float32)

    partials = []
    start = 0
    for eh in SPLITS:
        sl = slice(start, start + eh)
        start += eh
        r_h, c_h = row[sl], col[sl]
        xr, xc = _sc_gather(x, r_h, c_h)
        agg = _edge_stage(xr, xc, ea_pad[sl], edge_mask[sl], w1r, w1c, w1e,
                          b1, w2row, b2row)
        part = _sc_scatter(agg, r_h, zeros_tile)
        partials.extend([part[0, :N], part[1, :N]])

    gam = jnp.concatenate([jnp.ones((1,), jnp.float32), gamma]).reshape(1, D)
    bet = jnp.concatenate([jnp.zeros((1,), jnp.float32), beta]).reshape(1, D)
    return _final_stage(x, partials, gam, bet)

# --- scband reference (transcript-rebuilt; emitter-appended) ---
"""Pipeline reference for scband-hgcl-27960237097056 (READ-ONLY COPY).

The authoritative reference and input builder live on the scoring server;
editing this copy changes nothing except your own understanding.
"""

import jax, jax.numpy as jnp
import numpy as np

N = 10000
E = 320000
D = 128
ED = 4
EPS = 1e-7

# ---- Lorentz manifold (curvature k=1, geoopt-style) ----

def l_inner(x, y):
    return -x[..., :1] * y[..., :1] + jnp.sum(x[..., 1:] * y[..., 1:], axis=-1, keepdims=True)

def proj_tan0(u):
    return jnp.concatenate([jnp.zeros_like(u[..., :1]), u[..., 1:]], axis=-1)

def expmap0(u):
    sp = u[..., 1:]
    n = jnp.maximum(jnp.linalg.norm(sp, axis=-1, keepdims=True), 1e-8)
    return jnp.concatenate([jnp.cosh(n), jnp.sinh(n) * sp / n], axis=-1)

def logmap0(x):
    d = jnp.arccosh(jnp.clip(x[..., :1], 1.0 + EPS, None))
    sp = x[..., 1:]
    n = jnp.maximum(jnp.linalg.norm(sp, axis=-1, keepdims=True), 1e-8)
    return jnp.concatenate([jnp.zeros_like(d), d * sp / n], axis=-1)

def expmap(x, u):
    nrm = jnp.sqrt(jnp.clip(l_inner(u, u), 1e-12, None))
    return jnp.cosh(nrm) * x + jnp.sinh(nrm) * u / nrm

def logmap(x, y):
    alpha = jnp.clip(-l_inner(x, y), 1.0 + EPS, None)
    d = jnp.arccosh(alpha)
    denom = jnp.sqrt(jnp.clip(alpha * alpha - 1.0, 1e-12, None))
    return d * (y - alpha * x) / denom

def proju(x, u):
    return u + l_inner(x, u) * x

def transp0(x, v):
    o = jnp.zeros_like(x).at[..., 0].set(1.0)
    return v + l_inner(x, v) / (1.0 + x[..., :1]) * (o + x)


def setup_inputs(seed: int = 0):
    key = jax.random.key(seed)
    ks = jax.random.split(key, 8)
    u0 = 0.1 * jax.random.normal(ks[0], (N, D), dtype=jnp.float32)
    h = expmap0(proj_tan0(u0))  # valid points on the hyperboloid
    edge_attr = jax.random.normal(ks[1], (E, ED), dtype=jnp.float32)
    edges = jax.random.randint(ks[2], (2, E), 0, N)
    node_mask = jnp.ones((N, 1), dtype=jnp.float32)
    edge_mask = jnp.ones((E, 1), dtype=jnp.float32)
    W = jax.random.normal(ks[3], (D, D), dtype=jnp.float32) / np.sqrt(D)
    b = 0.01 * jax.random.normal(ks[4], (1, D), dtype=jnp.float32)
    gamma = jnp.ones((D - 1,), dtype=jnp.float32)
    beta = jnp.zeros((D - 1,), dtype=jnp.float32)
    aW1 = jax.random.normal(ks[5], (2 * D + ED, D), dtype=jnp.float32) / np.sqrt(2 * D + ED)
    ab1 = jnp.zeros((D,), dtype=jnp.float32)
    aW2 = jax.random.normal(ks[6], (D, 1), dtype=jnp.float32) / np.sqrt(D)
    ab2 = jnp.zeros((1,), dtype=jnp.float32)
    return {"h": h, "edge_attr": edge_attr, "edges": edges, "node_mask": node_mask,
            "edge_mask": edge_mask, "W": W, "b": b, "gamma": gamma, "beta": beta,
            "aW1": aW1, "ab1": ab1, "aW2": aW2, "ab2": ab2}


def reference(h, edge_attr, edges, node_mask, edge_mask, W, b, gamma, beta, aW1, ab1, aW2, ab2):
    # ---- HypLinear ----
    xt = logmap0(h) @ W
    x = expmap0(proj_tan0(xt))
    bias = transp0(x, proj_tan0(b))
    x = expmap(x, bias)
    # ---- HypAgg ----
    x_tan = logmap0(x)
    row = edges[0]
    col = edges[1]
    cat = jnp.concatenate([x_tan[row], x_tan[col], edge_attr], axis=-1)
    hid = jax.nn.silu(cat @ aW1 + ab1)
    att = jax.nn.sigmoid(hid @ aW2 + ab2) * edge_mask
    xl = logmap(x[row], x[col])
    agg = xl * att
    out = jax.ops.segment_sum(agg, row, num_segments=N)  # normalization_factor=1, 'sum'
    x = expmap(x, proju(x, out))
    # ---- HNorm (LayerNorm over spatial coords for Lorentz) ----
    ht = logmap0(x)
    sp = ht[:, 1:]
    mu = jnp.mean(sp, axis=-1, keepdims=True)
    var = jnp.var(sp, axis=-1, keepdims=True)
    spn = (sp - mu) / jnp.sqrt(var + 1e-5) * gamma + beta
    x = expmap0(jnp.concatenate([ht[:, :1], spn], axis=-1))
    # ---- HypAct ----
    x = expmap0(proj_tan0(jax.nn.relu(logmap0(x))))
    return x

if __name__ == "__main__":
    import jax
    _d = setup_inputs()
    print(jax.jit(kernel)(*tuple(_d.values())))

</pallas_src>

<mosaic_0001>
#map = affine_map<(d0, d1) -> (0, 0)>
#map1 = affine_map<(d0, d1) -> (0)>
module attributes {stable_mosaic.version = 14 : i64} {
  func.func @body(%arg0: i32, %arg1: i32, %arg2: memref<10000x128xf32, #tpu.memory_space<hbm>>, %arg3: memref<160000xi32, #tpu.memory_space<hbm>>, %arg4: memref<160000xi32, #tpu.memory_space<hbm>>, %arg5: memref<160000x128xf32, #tpu.memory_space<hbm>>, %arg6: memref<160000x128xf32, #tpu.memory_space<hbm>>, %arg7: memref<40xi32, #tpu.memory_space<vmem>>, %arg8: memref<40xi32, #tpu.memory_space<vmem>>, %arg9: memref<40x128xf32, #tpu.memory_space<vmem>>, %arg10: memref<40x128xf32, #tpu.memory_space<vmem>>, %arg11: memref<40xi32, #tpu.memory_space<vmem>>, %arg12: memref<40xi32, #tpu.memory_space<vmem>>, %arg13: memref<40x128xf32, #tpu.memory_space<vmem>>, %arg14: memref<40x128xf32, #tpu.memory_space<vmem>>, %arg15: memref<!tpu.dma_semaphore, #tpu.memory_space<semaphore_mem>>, %arg16: memref<!tpu.dma_semaphore, #tpu.memory_space<semaphore_mem>>) attributes {dimension_semantics = [#tpu.dimension_semantics<core_parallel>, #tpu.dimension_semantics<subcore_parallel>], iteration_bounds = array<i64: 2, 16>, scalar_prefetch = 0 : i64, scratch_operands = 10 : i64, tpu.core_type = #tpu.core_type<sc_vector_subcore>, window_params = [{transform_indices = #map}, {transform_indices = #map1}, {transform_indices = #map1}, {transform_indices = #map}, {transform_indices = #map}]} {
    %mul3A = arith.constant 2 : i32
    %mul3A_0 = arith.muli %arg1, %mul3A : i32
    %add3A = arith.addi %mul3A_0, %arg0 : i32
    %mul3A_1 = arith.constant 5000 : i32
    %mul3A_2 = arith.muli %add3A, %mul3A_1 : i32
    %add3A_3 = arith.constant 0 : i32
    %add3A_4 = arith.addi %mul3A_2, %add3A_3 : i32
    "tpu.region"() ({
      %run_scoped3A = tpu.sem_alloc : memref<!tpu.dma_semaphore, #tpu.memory_space<semaphore_mem>>
      %dma_start3A_22 = tpu.memref_slice %arg3[%add3A_4] : memref<160000xi32, #tpu.memory_space<hbm>> -> memref<40xi32, #tpu.memory_space<hbm>>
      %dma_start3A_23 = tpu.memref_slice %arg3[%add3A_4] : memref<160000xi32, #tpu.memory_space<hbm>> -> memref<40xi32, #tpu.memory_space<hbm>>
      tpu.enqueue_dma source(%dma_start3A_23 : memref<40xi32, #tpu.memory_space<hbm>>) target(%arg7 : memref<40xi32, #tpu.memory_space<vmem>>) target_semaphore(%run_scoped3A : memref<!tpu.dma_semaphore, #tpu.memory_space<semaphore_mem>>)
      %dma_wait3A_24 = tpu.memref_slice %arg3[%add3A_4] : memref<160000xi32, #tpu.memory_space<hbm>> -> memref<40xi32, #tpu.memory_space<hbm>>
      %dma_wait3A_25 = tpu.memref_slice %arg3[%add3A_4] : memref<160000xi32, #tpu.memory_space<hbm>> -> memref<40xi32, #tpu.memory_space<hbm>>
      tpu.wait_dma2 semaphore(%run_scoped3A : memref<!tpu.dma_semaphore, #tpu.memory_space<semaphore_mem>>) src(%dma_wait3A_25 : memref<40xi32, #tpu.memory_space<hbm>>) dst(%arg7 : memref<40xi32, #tpu.memory_space<vmem>>)
      tpu.yield
    }) : () -> ()
    "tpu.region"() ({
      %run_scoped3A = tpu.sem_alloc : memref<!tpu.dma_semaphore, #tpu.memory_space<semaphore_mem>>
      %dma_start3A_22 = tpu.memref_slice %arg4[%add3A_4] : memref<160000xi32, #tpu.memory_space<hbm>> -> memref<40xi32, #tpu.memory_space<hbm>>
      %dma_start3A_23 = tpu.memref_slice %arg4[%add3A_4] : memref<160000xi32, #tpu.memory_space<hbm>> -> memref<40xi32, #tpu.memory_space<hbm>>
      tpu.enqueue_dma source(%dma_start3A_23 : memref<40xi32, #tpu.memory_space<hbm>>) target(%arg8 : memref<40xi32, #tpu.memory_space<vmem>>) target_semaphore(%run_scoped3A : memref<!tpu.dma_semaphore, #tpu.memory_space<semaphore_mem>>)
      %dma_wait3A_24 = tpu.memref_slice %arg4[%add3A_4] : memref<160000xi32, #tpu.memory_space<hbm>> -> memref<40xi32, #tpu.memory_space<hbm>>
      %dma_wait3A_25 = tpu.memref_slice %arg4[%add3A_4] : memref<160000xi32, #tpu.memory_space<hbm>> -> memref<40xi32, #tpu.memory_space<hbm>>
      tpu.wait_dma2 semaphore(%run_scoped3A : memref<!tpu.dma_semaphore, #tpu.memory_space<semaphore_mem>>) src(%dma_wait3A_25 : memref<40xi32, #tpu.memory_space<hbm>>) dst(%arg8 : memref<40xi32, #tpu.memory_space<vmem>>)
      tpu.yield
    }) : () -> ()
    %dma_start3A = arith.constant 0 : i32
    %dma_start3A_5 = arith.constant 0 : i32
    %dma_start3A_6 = tpu.memref_slice %arg2[%dma_start3A, %dma_start3A_5] : memref<10000x128xf32, #tpu.memory_space<hbm>> -> memref<10000x128xf32, #tpu.memory_space<hbm>>
    tpu.enqueue_indirect_dma source(%dma_start3A_6 : memref<10000x128xf32, #tpu.memory_space<hbm>>) target(%arg9 : memref<40x128xf32, #tpu.memory_space<vmem>>) offsets(%arg7 : memref<40xi32, #tpu.memory_space<vmem>>) semaphore(%arg15 : memref<!tpu.dma_semaphore, #tpu.memory_space<semaphore_mem>>)
    %dma_start3A_7 = arith.constant 0 : i32
    %dma_start3A_8 = arith.constant 0 : i32
    %dma_start3A_9 = tpu.memref_slice %arg2[%dma_start3A_7, %dma_start3A_8] : memref<10000x128xf32, #tpu.memory_space<hbm>> -> memref<10000x128xf32, #tpu.memory_space<hbm>>
    tpu.enqueue_indirect_dma source(%dma_start3A_9 : memref<10000x128xf32, #tpu.memory_space<hbm>>) target(%arg10 : memref<40x128xf32, #tpu.memory_space<vmem>>) offsets(%arg8 : memref<40xi32, #tpu.memory_space<vmem>>) semaphore(%arg15 : memref<!tpu.dma_semaphore, #tpu.memory_space<semaphore_mem>>)
    %scan3A = arith.constant 0 : i32
    %scan3A_10 = arith.constant 0 : i32
    %scan3A_11 = arith.constant 62 : i32
    %scan3A_12 = arith.addi %scan3A_10, %scan3A_11 : i32
    %scan3A_13 = arith.constant 1 : i32
    scf.for %scan3A_22 = %scan3A_10 to %scan3A_12 step %scan3A_13  : i32 {
      %mul3A_23 = arith.constant 2 : i32
      %mul3A_24 = arith.muli %mul3A_23, %scan3A_22 : i32
      %add3A_25 = arith.constant 1 : i32
      %add3A_26 = arith.addi %mul3A_24, %add3A_25 : i32
      %mul3A_27 = arith.constant 40 : i32
      %mul3A_28 = arith.muli %add3A_26, %mul3A_27 : i32
      %add3A_29 = arith.addi %mul3A_2, %mul3A_28 : i32
      "tpu.region"() ({
        %run_scoped3A = tpu.sem_alloc : memref<!tpu.dma_semaphore, #tpu.memory_space<semaphore_mem>>
        %dma_start3A_67 = tpu.memref_slice %arg3[%add3A_29] : memref<160000xi32, #tpu.memory_space<hbm>> -> memref<40xi32, #tpu.memory_space<hbm>>
        %dma_start3A_68 = tpu.memref_slice %arg3[%add3A_29] : memref<160000xi32, #tpu.memory_space<hbm>> -> memref<40xi32, #tpu.memory_space<hbm>>
        tpu.enqueue_dma source(%dma_start3A_68 : memref<40xi32, #tpu.memory_space<hbm>>) target(%arg11 : memref<40xi32, #tpu.memory_space<vmem>>) target_semaphore(%run_scoped3A : memref<!tpu.dma_semaphore, #tpu.memory_space<semaphore_mem>>)
        %dma_wait3A_69 = tpu.memref_slice %arg3[%add3A_29] : memref<160000xi32, #tpu.memory_space<hbm>> -> memref<40xi32, #tpu.memory_space<hbm>>
        %dma_wait3A_70 = tpu.memref_slice %arg3[%add3A_29] : memref<160000xi32, #tpu.memory_space<hbm>> -> memref<40xi32, #tpu.memory_space<hbm>>
        tpu.wait_dma2 semaphore(%run_scoped3A : memref<!tpu.dma_semaphore, #tpu.memory_space<semaphore_mem>>) src(%dma_wait3A_70 : memref<40xi32, #tpu.memory_space<hbm>>) dst(%arg11 : memref<40xi32, #tpu.memory_space<vmem>>)
        tpu.yield
      }) : () -> ()
      "tpu.region"() ({
        %run_scoped3A = tpu.sem_alloc : memref<!tpu.dma_semaphore, #tpu.memory_space<semaphore_mem>>
        %dma_start3A_67 = tpu.memref_slice %arg4[%add3A_29] : memref<160000xi32, #tpu.memory_space<hbm>> -> memref<40xi32, #tpu.memory_space<hbm>>
        %dma_start3A_68 = tpu.memref_slice %arg4[%add3A_29] : memref<160000xi32, #tpu.memory_space<hbm>> -> memref<40xi32, #tpu.memory_space<hbm>>
        tpu.enqueue_dma source(%dma_start3A_68 : memref<40xi32, #tpu.memory_space<hbm>>) target(%arg12 : memref<40xi32, #tpu.memory_space<vmem>>) target_semaphore(%run_scoped3A : memref<!tpu.dma_semaphore, #tpu.memory_space<semaphore_mem>>)
        %dma_wait3A_69 = tpu.memref_slice %arg4[%add3A_29] : memref<160000xi32, #tpu.memory_space<hbm>> -> memref<40xi32, #tpu.memory_space<hbm>>
        %dma_wait3A_70 = tpu.memref_slice %arg4[%add3A_29] : memref<160000xi32, #tpu.memory_space<hbm>> -> memref<40xi32, #tpu.memory_space<hbm>>
        tpu.wait_dma2 semaphore(%run_scoped3A : memref<!tpu.dma_semaphore, #tpu.memory_space<semaphore_mem>>) src(%dma_wait3A_70 : memref<40xi32, #tpu.memory_space<hbm>>) dst(%arg12 : memref<40xi32, #tpu.memory_space<vmem>>)
        tpu.yield
      }) : () -> ()
      %dma_start3A_30 = arith.constant 0 : i32
      %dma_start3A_31 = arith.constant 0 : i32
      %dma_start3A_32 = tpu.memref_slice %arg2[%dma_start3A_30, %dma_start3A_31] : memref<10000x128xf32, #tpu.memory_space<hbm>> -> memref<10000x128xf32, #tpu.memory_space<hbm>>
      tpu.enqueue_indirect_dma source(%dma_start3A_32 : memref<10000x128xf32, #tpu.memory_space<hbm>>) target(%arg13 : memref<40x128xf32, #tpu.memory_space<vmem>>) offsets(%arg11 : memref<40xi32, #tpu.memory_space<vmem>>) semaphore(%arg16 : memref<!tpu.dma_semaphore, #tpu.memory_space<semaphore_mem>>)
      %dma_start3A_33 = arith.constant 0 : i32
      %dma_start3A_34 = arith.constant 0 : i32
      %dma_start3A_35 = tpu.memref_slice %arg2[%dma_start3A_33, %dma_start3A_34] : memref<10000x128xf32, #tpu.memory_space<hbm>> -> memref<10000x128xf32, #tpu.memory_space<hbm>>
      tpu.enqueue_indirect_dma source(%dma_start3A_35 : memref<10000x128xf32, #tpu.memory_space<hbm>>) target(%arg14 : memref<40x128xf32, #tpu.memory_space<vmem>>) offsets(%arg12 : memref<40xi32, #tpu.memory_space<vmem>>) semaphore(%arg16 : memref<!tpu.dma_semaphore, #tpu.memory_space<semaphore_mem>>)
      %dma_wait3A_36 = arith.constant 0 : i32
      %dma_wait3A_37 = arith.constant 0 : i32
      %dma_wait3A_38 = tpu.memref_slice %arg2[%dma_wait3A_36, %dma_wait3A_37] : memref<10000x128xf32, #tpu.memory_space<hbm>> -> memref<10000x128xf32, #tpu.memory_space<hbm>>
      tpu.wait_indirect_dma semaphore(%arg15 : memref<!tpu.dma_semaphore, #tpu.memory_space<semaphore_mem>>) src(%dma_wait3A_38 : memref<10000x128xf32, #tpu.memory_space<hbm>>) dst(%arg9 : memref<40x128xf32, #tpu.memory_space<vmem>>)
      %dma_wait3A_39 = arith.constant 0 : i32
      %dma_wait3A_40 = arith.constant 0 : i32
      %dma_wait3A_41 = tpu.memref_slice %arg2[%dma_wait3A_39, %dma_wait3A_40] : memref<10000x128xf32, #tpu.memory_space<hbm>> -> memref<10000x128xf32, #tpu.memory_space<hbm>>
      tpu.wait_indirect_dma semaphore(%arg15 : memref<!tpu.dma_semaphore, #tpu.memory_space<semaphore_mem>>) src(%dma_wait3A_41 : memref<10000x128xf32, #tpu.memory_space<hbm>>) dst(%arg10 : memref<40x128xf32, #tpu.memory_space<vmem>>)
      %mul3A_42 = arith.constant 40 : i32
      %mul3A_43 = arith.muli %mul3A_24, %mul3A_42 : i32
      %add3A_44 = arith.addi %mul3A_2, %mul3A_43 : i32
      "tpu.region"() ({
        %run_scoped3A = tpu.sem_alloc : memref<!tpu.dma_semaphore, #tpu.memory_space<semaphore_mem>>
        %dma_start3A_67 = arith.constant 0 : i32
        %dma_start3A_68 = tpu.memref_slice %arg5[%add3A_44, %dma_start3A_67] : memref<160000x128xf32, #tpu.memory_space<hbm>> -> memref<40x128xf32, #tpu.memory_space<hbm>>
        %dma_start3A_69 = arith.constant 0 : i32
        %dma_start3A_70 = tpu.memref_slice %arg5[%add3A_44, %dma_start3A_69] : memref<160000x128xf32, #tpu.memory_space<hbm>> -> memref<40x128xf32, #tpu.memory_space<hbm>>
        tpu.enqueue_dma source(%arg9 : memref<40x128xf32, #tpu.memory_space<vmem>>) target(%dma_start3A_70 : memref<40x128xf32, #tpu.memory_space<hbm>>) target_semaphore(%run_scoped3A : memref<!tpu.dma_semaphore, #tpu.memory_space<semaphore_mem>>)
        %dma_wait3A_71 = arith.constant 0 : i32
        %dma_wait3A_72 = tpu.memref_slice %arg5[%add3A_44, %dma_wait3A_71] : memref<160000x128xf32, #tpu.memory_space<hbm>> -> memref<40x128xf32, #tpu.memory_space<hbm>>
        %dma_wait3A_73 = arith.constant 0 : i32
        %dma_wait3A_74 = tpu.memref_slice %arg5[%add3A_44, %dma_wait3A_73] : memref<160000x128xf32, #tpu.memory_space<hbm>> -> memref<40x128xf32, #tpu.memory_space<hbm>>
        tpu.wait_dma2 semaphore(%run_scoped3A : memref<!tpu.dma_semaphore, #tpu.memory_space<semaphore_mem>>) src(%arg9 : memref<40x128xf32, #tpu.memory_space<vmem>>) dst(%dma_wait3A_74 : memref<40x128xf32, #tpu.memory_space<hbm>>)
        tpu.yield
      }) : () -> ()
      "tpu.region"() ({
        %run_scoped3A = tpu.sem_alloc : memref<!tpu.dma_semaphore, #tpu.memory_space<semaphore_mem>>
        %dma_start3A_67 = arith.constant 0 : i32
        %dma_start3A_68 = tpu.memref_slice %arg6[%add3A_44, %dma_start3A_67] : memref<160000x128xf32, #tpu.memory_space<hbm>> -> memref<40x128xf32, #tpu.memory_space<hbm>>
        %dma_start3A_69 = arith.constant 0 : i32
        %dma_start3A_70 = tpu.memref_slice %arg6[%add3A_44, %dma_start3A_69] : memref<160000x128xf32, #tpu.memory_space<hbm>> -> memref<40x128xf32, #tpu.memory_space<hbm>>
        tpu.enqueue_dma source(%arg10 : memref<40x128xf32, #tpu.memory_space<vmem>>) target(%dma_start3A_70 : memref<40x128xf32, #tpu.memory_space<hbm>>) target_semaphore(%run_scoped3A : memref<!tpu.dma_semaphore, #tpu.memory_space<semaphore_mem>>)
        %dma_wait3A_71 = arith.constant 0 : i32
        %dma_wait3A_72 = tpu.memref_slice %arg6[%add3A_44, %dma_wait3A_71] : memref<160000x128xf32, #tpu.memory_space<hbm>> -> memref<40x128xf32, #tpu.memory_space<hbm>>
        %dma_wait3A_73 = arith.constant 0 : i32
        %dma_wait3A_74 = tpu.memref_slice %arg6[%add3A_44, %dma_wait3A_73] : memref<160000x128xf32, #tpu.memory_space<hbm>> -> memref<40x128xf32, #tpu.memory_space<hbm>>
        tpu.wait_dma2 semaphore(%run_scoped3A : memref<!tpu.dma_semaphore, #tpu.memory_space<semaphore_mem>>) src(%arg10 : memref<40x128xf32, #tpu.memory_space<vmem>>) dst(%dma_wait3A_74 : memref<40x128xf32, #tpu.memory_space<hbm>>)
        tpu.yield
      }) : () -> ()
      %add3A_45 = arith.constant 2 : i32
      %add3A_46 = arith.addi %mul3A_24, %add3A_45 : i32
      %mul3A_47 = arith.constant 40 : i32
      %mul3A_48 = arith.muli %add3A_46, %mul3A_47 : i32
      %add3A_49 = arith.addi %mul3A_2, %mul3A_48 : i32
      "tpu.region"() ({
        %run_scoped3A = tpu.sem_alloc : memref<!tpu.dma_semaphore, #tpu.memory_space<semaphore_mem>>
        %dma_start3A_67 = tpu.memref_slice %arg3[%add3A_49] : memref<160000xi32, #tpu.memory_space<hbm>> -> memref<40xi32, #tpu.memory_space<hbm>>
        %dma_start3A_68 = tpu.memref_slice %arg3[%add3A_49] : memref<160000xi32, #tpu.memory_space<hbm>> -> memref<40xi32, #tpu.memory_space<hbm>>
        tpu.enqueue_dma source(%dma_start3A_68 : memref<40xi32, #tpu.memory_space<hbm>>) target(%arg7 : memref<40xi32, #tpu.memory_space<vmem>>) target_semaphore(%run_scoped3A : memref<!tpu.dma_semaphore, #tpu.memory_space<semaphore_mem>>)
        %dma_wait3A_69 = tpu.memref_slice %arg3[%add3A_49] : memref<160000xi32, #tpu.memory_space<hbm>> -> memref<40xi32, #tpu.memory_space<hbm>>
        %dma_wait3A_70 = tpu.memref_slice %arg3[%add3A_49] : memref<160000xi32, #tpu.memory_space<hbm>> -> memref<40xi32, #tpu.memory_space<hbm>>
        tpu.wait_dma2 semaphore(%run_scoped3A : memref<!tpu.dma_semaphore, #tpu.memory_space<semaphore_mem>>) src(%dma_wait3A_70 : memref<40xi32, #tpu.memory_space<hbm>>) dst(%arg7 : memref<40xi32, #tpu.memory_space<vmem>>)
        tpu.yield
      }) : () -> ()
      "tpu.region"() ({
        %run_scoped3A = tpu.sem_alloc : memref<!tpu.dma_semaphore, #tpu.memory_space<semaphore_mem>>
        %dma_start3A_67 = tpu.memref_slice %arg4[%add3A_49] : memref<160000xi32, #tpu.memory_space<hbm>> -> memref<40xi32, #tpu.memory_space<hbm>>
        %dma_start3A_68 = tpu.memref_slice %arg4[%add3A_49] : memref<160000xi32, #tpu.memory_space<hbm>> -> memref<40xi32, #tpu.memory_space<hbm>>
        tpu.enqueue_dma source(%dma_start3A_68 : memref<40xi32, #tpu.memory_space<hbm>>) target(%arg8 : memref<40xi32, #tpu.memory_space<vmem>>) target_semaphore(%run_scoped3A : memref<!tpu.dma_semaphore, #tpu.memory_space<semaphore_mem>>)
        %dma_wait3A_69 = tpu.memref_slice %arg4[%add3A_49] : memref<160000xi32, #tpu.memory_space<hbm>> -> memref<40xi32, #tpu.memory_space<hbm>>
        %dma_wait3A_70 = tpu.memref_slice %arg4[%add3A_49] : memref<160000xi32, #tpu.memory_space<hbm>> -> memref<40xi32, #tpu.memory_space<hbm>>
        tpu.wait_dma2 semaphore(%run_scoped3A : memref<!tpu.dma_semaphore, #tpu.memory_space<semaphore_mem>>) src(%dma_wait3A_70 : memref<40xi32, #tpu.memory_space<hbm>>) dst(%arg8 : memref<40xi32, #tpu.memory_space<vmem>>)
        tpu.yield
      }) : () -> ()
      %dma_start3A_50 = arith.constant 0 : i32
      %dma_start3A_51 = arith.constant 0 : i32
      %dma_start3A_52 = tpu.memref_slice %arg2[%dma_start3A_50, %dma_start3A_51] : memref<10000x128xf32, #tpu.memory_space<hbm>> -> memref<10000x128xf32, #tpu.memory_space<hbm>>
      tpu.enqueue_indirect_dma source(%dma_start3A_52 : memref<10000x128xf32, #tpu.memory_space<hbm>>) target(%arg9 : memref<40x128xf32, #tpu.memory_space<vmem>>) offsets(%arg7 : memref<40xi32, #tpu.memory_space<vmem>>) semaphore(%arg15 : memref<!tpu.dma_semaphore, #tpu.memory_space<semaphore_mem>>)
      %dma_start3A_53 = arith.constant 0 : i32
      %dma_start3A_54 = arith.constant 0 : i32
      %dma_start3A_55 = tpu.memref_slice %arg2[%dma_start3A_53, %dma_start3A_54] : memref<10000x128xf32, #tpu.memory_space<hbm>> -> memref<10000x128xf32, #tpu.memory_space<hbm>>
      tpu.enqueue_indirect_dma source(%dma_start3A_55 : memref<10000x128xf32, #tpu.memory_space<hbm>>) target(%arg10 : memref<40x128xf32, #tpu.memory_space<vmem>>) offsets(%arg8 : memref<40xi32, #tpu.memory_space<vmem>>) semaphore(%arg15 : memref<!tpu.dma_semaphore, #tpu.memory_space<semaphore_mem>>)
      %add3A_56 = arith.constant 1 : i32
      %add3A_57 = arith.addi %mul3A_24, %add3A_56 : i32
      %dma_wait3A_58 = arith.constant 0 : i32
      %dma_wait3A_59 = arith.constant 0 : i32
      %dma_wait3A_60 = tpu.memref_slice %arg2[%dma_wait3A_58, %dma_wait3A_59] : memref<10000x128xf32, #tpu.memory_space<hbm>> -> memref<10000x128xf32, #tpu.memory_space<hbm>>
      tpu.wait_indirect_dma semaphore(%arg16 : memref<!tpu.dma_semaphore, #tpu.memory_space<semaphore_mem>>) src(%dma_wait3A_60 : memref<10000x128xf32, #tpu.memory_space<hbm>>) dst(%arg13 : memref<40x128xf32, #tpu.memory_space<vmem>>)
      %dma_wait3A_61 = arith.constant 0 : i32
      %dma_wait3A_62 = arith.constant 0 : i32
      %dma_wait3A_63 = tpu.memref_slice %arg2[%dma_wait3A_61, %dma_wait3A_62] : memref<10000x128xf32, #tpu.memory_space<hbm>> -> memref<10000x128xf32, #tpu.memory_space<hbm>>
      tpu.wait_indirect_dma semaphore(%arg16 : memref<!tpu.dma_semaphore, #tpu.memory_space<semaphore_mem>>) src(%dma_wait3A_63 : memref<10000x128xf32, #tpu.memory_space<hbm>>) dst(%arg14 : memref<40x128xf32, #tpu.memory_space<vmem>>)
      %mul3A_64 = arith.constant 40 : i32
      %mul3A_65 = arith.muli %add3A_57, %mul3A_64 : i32
      %add3A_66 = arith.addi %mul3A_2, %mul3A_65 : i32
      "tpu.region"() ({
        %run_scoped3A = tpu.sem_alloc : memref<!tpu.dma_semaphore, #tpu.memory_space<semaphore_mem>>
        %dma_start3A_67 = arith.constant 0 : i32
        %dma_start3A_68 = tpu.memref_slice %arg5[%add3A_66, %dma_start3A_67] : memref<160000x128xf32, #tpu.memory_space<hbm>> -> memref<40x128xf32, #tpu.memory_space<hbm>>
        %dma_start3A_69 = arith.constant 0 : i32
        %dma_start3A_70 = tpu.memref_slice %arg5[%add3A_66, %dma_start3A_69] : memref<160000x128xf32, #tpu.memory_space<hbm>> -> memref<40x128xf32, #tpu.memory_space<hbm>>
        tpu.enqueue_dma source(%arg13 : memref<40x128xf32, #tpu.memory_space<vmem>>) target(%dma_start3A_70 : memref<40x128xf32, #tpu.memory_space<hbm>>) target_semaphore(%run_scoped3A : memref<!tpu.dma_semaphore, #tpu.memory_space<semaphore_mem>>)
        %dma_wait3A_71 = arith.constant 0 : i32
        %dma_wait3A_72 = tpu.memref_slice %arg5[%add3A_66, %dma_wait3A_71] : memref<160000x128xf32, #tpu.memory_space<hbm>> -> memref<40x128xf32, #tpu.memory_space<hbm>>
        %dma_wait3A_73 = arith.constant 0 : i32
        %dma_wait3A_74 = tpu.memref_slice %arg5[%add3A_66, %dma_wait3A_73] : memref<160000x128xf32, #tpu.memory_space<hbm>> -> memref<40x128xf32, #tpu.memory_space<hbm>>
        tpu.wait_dma2 semaphore(%run_scoped3A : memref<!tpu.dma_semaphore, #tpu.memory_space<semaphore_mem>>) src(%arg13 : memref<40x128xf32, #tpu.memory_space<vmem>>) dst(%dma_wait3A_74 : memref<40x128xf32, #tpu.memory_space<hbm>>)
        tpu.yield
      }) : () -> ()
      "tpu.region"() ({
        %run_scoped3A = tpu.sem_alloc : memref<!tpu.dma_semaphore, #tpu.memory_space<semaphore_mem>>
        %dma_start3A_67 = arith.constant 0 : i32
        %dma_start3A_68 = tpu.memref_slice %arg6[%add3A_66, %dma_start3A_67] : memref<160000x128xf32, #tpu.memory_space<hbm>> -> memref<40x128xf32, #tpu.memory_space<hbm>>
        %dma_start3A_69 = arith.constant 0 : i32
        %dma_start3A_70 = tpu.memref_slice %arg6[%add3A_66, %dma_start3A_69] : memref<160000x128xf32, #tpu.memory_space<hbm>> -> memref<40x128xf32, #tpu.memory_space<hbm>>
        tpu.enqueue_dma source(%arg14 : memref<40x128xf32, #tpu.memory_space<vmem>>) target(%dma_start3A_70 : memref<40x128xf32, #tpu.memory_space<hbm>>) target_semaphore(%run_scoped3A : memref<!tpu.dma_semaphore, #tpu.memory_space<semaphore_mem>>)
        %dma_wait3A_71 = arith.constant 0 : i32
        %dma_wait3A_72 = tpu.memref_slice %arg6[%add3A_66, %dma_wait3A_71] : memref<160000x128xf32, #tpu.memory_space<hbm>> -> memref<40x128xf32, #tpu.memory_space<hbm>>
        %dma_wait3A_73 = arith.constant 0 : i32
        %dma_wait3A_74 = tpu.memref_slice %arg6[%add3A_66, %dma_wait3A_73] : memref<160000x128xf32, #tpu.memory_space<hbm>> -> memref<40x128xf32, #tpu.memory_space<hbm>>
        tpu.wait_dma2 semaphore(%run_scoped3A : memref<!tpu.dma_semaphore, #tpu.memory_space<semaphore_mem>>) src(%arg14 : memref<40x128xf32, #tpu.memory_space<vmem>>) dst(%dma_wait3A_74 : memref<40x128xf32, #tpu.memory_space<hbm>>)
        tpu.yield
      }) : () -> ()
    }
    %scan3A_14 = arith.constant 62 : i32
    %dma_wait3A = arith.constant 0 : i32
    %dma_wait3A_15 = arith.constant 0 : i32
    %dma_wait3A_16 = tpu.memref_slice %arg2[%dma_wait3A, %dma_wait3A_15] : memref<10000x128xf32, #tpu.memory_space<hbm>> -> memref<10000x128xf32, #tpu.memory_space<hbm>>
    tpu.wait_indirect_dma semaphore(%arg15 : memref<!tpu.dma_semaphore, #tpu.memory_space<semaphore_mem>>) src(%dma_wait3A_16 : memref<10000x128xf32, #tpu.memory_space<hbm>>) dst(%arg9 : memref<40x128xf32, #tpu.memory_space<vmem>>)
    %dma_wait3A_17 = arith.constant 0 : i32
    %dma_wait3A_18 = arith.constant 0 : i32
    %dma_wait3A_19 = tpu.memref_slice %arg2[%dma_wait3A_17, %dma_wait3A_18] : memref<10000x128xf32, #tpu.memory_space<hbm>> -> memref<10000x128xf32, #tpu.memory_space<hbm>>
    tpu.wait_indirect_dma semaphore(%arg15 : memref<!tpu.dma_semaphore, #tpu.memory_space<semaphore_mem>>) src(%dma_wait3A_19 : memref<10000x128xf32, #tpu.memory_space<hbm>>) dst(%arg10 : memref<40x128xf32, #tpu.memory_space<vmem>>)
    %add3A_20 = arith.constant 4960 : i32
    %add3A_21 = arith.addi %mul3A_2, %add3A_20 : i32
    "tpu.region"() ({
      %run_scoped3A = tpu.sem_alloc : memref<!tpu.dma_semaphore, #tpu.memory_space<semaphore_mem>>
      %dma_start3A_22 = arith.constant 0 : i32
      %dma_start3A_23 = tpu.memref_slice %arg5[%add3A_21, %dma_start3A_22] : memref<160000x128xf32, #tpu.memory_space<hbm>> -> memref<40x128xf32, #tpu.memory_space<hbm>>
      %dma_start3A_24 = arith.constant 0 : i32
      %dma_start3A_25 = tpu.memref_slice %arg5[%add3A_21, %dma_start3A_24] : memref<160000x128xf32, #tpu.memory_space<hbm>> -> memref<40x128xf32, #tpu.memory_space<hbm>>
      tpu.enqueue_dma source(%arg9 : memref<40x128xf32, #tpu.memory_space<vmem>>) target(%dma_start3A_25 : memref<40x128xf32, #tpu.memory_space<hbm>>) target_semaphore(%run_scoped3A : memref<!tpu.dma_semaphore, #tpu.memory_space<semaphore_mem>>)
      %dma_wait3A_26 = arith.constant 0 : i32
      %dma_wait3A_27 = tpu.memref_slice %arg5[%add3A_21, %dma_wait3A_26] : memref<160000x128xf32, #tpu.memory_space<hbm>> -> memref<40x128xf32, #tpu.memory_space<hbm>>
      %dma_wait3A_28 = arith.constant 0 : i32
      %dma_wait3A_29 = tpu.memref_slice %arg5[%add3A_21, %dma_wait3A_28] : memref<160000x128xf32, #tpu.memory_space<hbm>> -> memref<40x128xf32, #tpu.memory_space<hbm>>
      tpu.wait_dma2 semaphore(%run_scoped3A : memref<!tpu.dma_semaphore, #tpu.memory_space<semaphore_mem>>) src(%arg9 : memref<40x128xf32, #tpu.memory_space<vmem>>) dst(%dma_wait3A_29 : memref<40x128xf32, #tpu.memory_space<hbm>>)
      tpu.yield
    }) : () -> ()
    "tpu.region"() ({
      %run_scoped3A = tpu.sem_alloc : memref<!tpu.dma_semaphore, #tpu.memory_space<semaphore_mem>>
      %dma_start3A_22 = arith.constant 0 : i32
      %dma_start3A_23 = tpu.memref_slice %arg6[%add3A_21, %dma_start3A_22] : memref<160000x128xf32, #tpu.memory_space<hbm>> -> memref<40x128xf32, #tpu.memory_space<hbm>>
      %dma_start3A_24 = arith.constant 0 : i32
      %dma_start3A_25 = tpu.memref_slice %arg6[%add3A_21, %dma_start3A_24] : memref<160000x128xf32, #tpu.memory_space<hbm>> -> memref<40x128xf32, #tpu.memory_space<hbm>>
      tpu.enqueue_dma source(%arg10 : memref<40x128xf32, #tpu.memory_space<vmem>>) target(%dma_start3A_25 : memref<40x128xf32, #tpu.memory_space<hbm>>) target_semaphore(%run_scoped3A : memref<!tpu.dma_semaphore, #tpu.memory_space<semaphore_mem>>)
      %dma_wait3A_26 = arith.constant 0 : i32
      %dma_wait3A_27 = tpu.memref_slice %arg6[%add3A_21, %dma_wait3A_26] : memref<160000x128xf32, #tpu.memory_space<hbm>> -> memref<40x128xf32, #tpu.memory_space<hbm>>
      %dma_wait3A_28 = arith.constant 0 : i32
      %dma_wait3A_29 = tpu.memref_slice %arg6[%add3A_21, %dma_wait3A_28] : memref<160000x128xf32, #tpu.memory_space<hbm>> -> memref<40x128xf32, #tpu.memory_space<hbm>>
      tpu.wait_dma2 semaphore(%run_scoped3A : memref<!tpu.dma_semaphore, #tpu.memory_space<semaphore_mem>>) src(%arg10 : memref<40x128xf32, #tpu.memory_space<vmem>>) dst(%dma_wait3A_29 : memref<40x128xf32, #tpu.memory_space<hbm>>)
      tpu.yield
    }) : () -> ()
    return
  }
}

#map = affine_map<(d0, d1) -> (0, 0)>
#map1 = affine_map<(d0, d1) -> (0)>
#map2 = affine_map<(d0, d1) -> (0, 0, 0)>
module attributes {stable_mosaic.version = 14 : i64} {
  func.func @body(%arg0: i32, %arg1: i32, %arg2: memref<160000x128xf32, #tpu.memory_space<hbm>>, %arg3: memref<160000xi32, #tpu.memory_space<hbm>>, %arg4: memref<632x128xf32, #tpu.memory_space<hbm>>, %arg5: memref<2x10112x128xf32, #tpu.memory_space<hbm>>, %arg6: memref<40xi32, #tpu.memory_space<vmem>>, %arg7: memref<40x128xf32, #tpu.memory_space<vmem>>, %arg8: memref<40xi32, #tpu.memory_space<vmem>>, %arg9: memref<40x128xf32, #tpu.memory_space<vmem>>, %arg10: memref<10112x128xf32, #tpu.memory_space<vmem_shared>>, %arg11: memref<!tpu.dma_semaphore, #tpu.memory_space<semaphore_mem>>, %arg12: memref<!tpu.dma_semaphore, #tpu.memory_space<semaphore_mem>>) attributes {dimension_semantics = [#tpu.dimension_semantics<core_parallel>, #tpu.dimension_semantics<subcore_parallel>], iteration_bounds = array<i64: 2, 16>, scalar_prefetch = 0 : i64, scratch_operands = 7 : i64, tpu.core_type = #tpu.core_type<sc_vector_subcore>, window_params = [{transform_indices = #map}, {transform_indices = #map1}, {transform_indices = #map}, {transform_indices = #map2}]} {
    %mul3A = arith.constant 2 : i32
    %mul3A_0 = arith.muli %arg1, %mul3A : i32
    %add3A = arith.addi %mul3A_0, %arg0 : i32
    %mul3A_1 = arith.constant 632 : i32
    %mul3A_2 = arith.muli %arg1, %mul3A_1 : i32
    "tpu.region"() ({
      %run_scoped3A = tpu.sem_alloc : memref<!tpu.dma_semaphore, #tpu.memory_space<semaphore_mem>>
      %dma_start3A_27 = arith.constant 0 : i32
      %dma_start3A_28 = tpu.memref_slice %arg10[%mul3A_2, %dma_start3A_27] : memref<10112x128xf32, #tpu.memory_space<vmem_shared>> -> memref<632x128xf32, #tpu.memory_space<vmem_shared>>
      tpu.enqueue_dma source(%arg4 : memref<632x128xf32, #tpu.memory_space<hbm>>) target(%dma_start3A_28 : memref<632x128xf32, #tpu.memory_space<vmem_shared>>) target_semaphore(%run_scoped3A : memref<!tpu.dma_semaphore, #tpu.memory_space<semaphore_mem>>)
      %dma_wait3A_29 = arith.constant 0 : i32
      %dma_wait3A_30 = tpu.memref_slice %arg10[%mul3A_2, %dma_wait3A_29] : memref<10112x128xf32, #tpu.memory_space<vmem_shared>> -> memref<632x128xf32, #tpu.memory_space<vmem_shared>>
      tpu.wait_dma2 semaphore(%run_scoped3A : memref<!tpu.dma_semaphore, #tpu.memory_space<semaphore_mem>>) src(%arg4 : memref<632x128xf32, #tpu.memory_space<hbm>>) dst(%dma_wait3A_30 : memref<632x128xf32, #tpu.memory_space<vmem_shared>>)
      tpu.yield
    }) : () -> ()
    %barrier3A = arith.constant 0 : index
    tpu.barrier barrier_id(%barrier3A)
    %mul3A_3 = arith.constant 5000 : i32
    %mul3A_4 = arith.muli %add3A, %mul3A_3 : i32
    %add3A_5 = arith.constant 0 : i32
    %add3A_6 = arith.addi %mul3A_4, %add3A_5 : i32
    %dma_start3A = tpu.memref_slice %arg3[%add3A_6] : memref<160000xi32, #tpu.memory_space<hbm>> -> memref<40xi32, #tpu.memory_space<hbm>>
    %dma_start3A_7 = tpu.memref_slice %arg3[%add3A_6] : memref<160000xi32, #tpu.memory_space<hbm>> -> memref<40xi32, #tpu.memory_space<hbm>>
    tpu.enqueue_dma source(%dma_start3A_7 : memref<40xi32, #tpu.memory_space<hbm>>) target(%arg6 : memref<40xi32, #tpu.memory_space<vmem>>) target_semaphore(%arg11 : memref<!tpu.dma_semaphore, #tpu.memory_space<semaphore_mem>>)
    %dma_start3A_8 = arith.constant 0 : i32
    %dma_start3A_9 = tpu.memref_slice %arg2[%add3A_6, %dma_start3A_8] : memref<160000x128xf32, #tpu.memory_space<hbm>> -> memref<40x128xf32, #tpu.memory_space<hbm>>
    %dma_start3A_10 = arith.constant 0 : i32
    %dma_start3A_11 = tpu.memref_slice %arg2[%add3A_6, %dma_start3A_10] : memref<160000x128xf32, #tpu.memory_space<hbm>> -> memref<40x128xf32, #tpu.memory_space<hbm>>
    tpu.enqueue_dma source(%dma_start3A_11 : memref<40x128xf32, #tpu.memory_space<hbm>>) target(%arg7 : memref<40x128xf32, #tpu.memory_space<vmem>>) target_semaphore(%arg11 : memref<!tpu.dma_semaphore, #tpu.memory_space<semaphore_mem>>)
    %scan3A = arith.constant 0 : i32
    %scan3A_12 = arith.constant 0 : i32
    %scan3A_13 = arith.constant 62 : i32
    %scan3A_14 = arith.addi %scan3A_12, %scan3A_13 : i32
    %scan3A_15 = arith.constant 1 : i32
    scf.for %scan3A_27 = %scan3A_12 to %scan3A_14 step %scan3A_15  : i32 {
      %mul3A_28 = arith.constant 2 : i32
      %mul3A_29 = arith.muli %mul3A_28, %scan3A_27 : i32
      %add3A_30 = arith.constant 1 : i32
      %add3A_31 = arith.addi %mul3A_29, %add3A_30 : i32
      %mul3A_32 = arith.constant 5000 : i32
      %mul3A_33 = arith.muli %add3A, %mul3A_32 : i32
      %mul3A_34 = arith.constant 40 : i32
      %mul3A_35 = arith.muli %add3A_31, %mul3A_34 : i32
      %add3A_36 = arith.addi %mul3A_33, %mul3A_35 : i32
      %dma_start3A_37 = tpu.memref_slice %arg3[%add3A_36] : memref<160000xi32, #tpu.memory_space<hbm>> -> memref<40xi32, #tpu.memory_space<hbm>>
      %dma_start3A_38 = tpu.memref_slice %arg3[%add3A_36] : memref<160000xi32, #tpu.memory_space<hbm>> -> memref<40xi32, #tpu.memory_space<hbm>>
      tpu.enqueue_dma source(%dma_start3A_38 : memref<40xi32, #tpu.memory_space<hbm>>) target(%arg8 : memref<40xi32, #tpu.memory_space<vmem>>) target_semaphore(%arg12 : memref<!tpu.dma_semaphore, #tpu.memory_space<semaphore_mem>>)
      %dma_start3A_39 = arith.constant 0 : i32
      %dma_start3A_40 = tpu.memref_slice %arg2[%add3A_36, %dma_start3A_39] : memref<160000x128xf32, #tpu.memory_space<hbm>> -> memref<40x128xf32, #tpu.memory_space<hbm>>
      %dma_start3A_41 = arith.constant 0 : i32
      %dma_start3A_42 = tpu.memref_slice %arg2[%add3A_36, %dma_start3A_41] : memref<160000x128xf32, #tpu.memory_space<hbm>> -> memref<40x128xf32, #tpu.memory_space<hbm>>
      tpu.enqueue_dma source(%dma_start3A_42 : memref<40x128xf32, #tpu.memory_space<hbm>>) target(%arg9 : memref<40x128xf32, #tpu.memory_space<vmem>>) target_semaphore(%arg12 : memref<!tpu.dma_semaphore, #tpu.memory_space<semaphore_mem>>)
      %mul3A_43 = arith.constant 5000 : i32
      %mul3A_44 = arith.muli %add3A, %mul3A_43 : i32
      %mul3A_45 = arith.constant 40 : i32
      %mul3A_46 = arith.muli %mul3A_29, %mul3A_45 : i32
      %add3A_47 = arith.addi %mul3A_44, %mul3A_46 : i32
      %dma_wait3A_48 = tpu.memref_slice %arg3[%add3A_47] : memref<160000xi32, #tpu.memory_space<hbm>> -> memref<40xi32, #tpu.memory_space<hbm>>
      %dma_wait3A_49 = tpu.memref_slice %arg3[%add3A_47] : memref<160000xi32, #tpu.memory_space<hbm>> -> memref<40xi32, #tpu.memory_space<hbm>>
      tpu.wait_dma2 semaphore(%arg11 : memref<!tpu.dma_semaphore, #tpu.memory_space<semaphore_mem>>) src(%dma_wait3A_49 : memref<40xi32, #tpu.memory_space<hbm>>) dst(%arg6 : memref<40xi32, #tpu.memory_space<vmem>>)
      %dma_wait3A_50 = arith.constant 0 : i32
      %dma_wait3A_51 = tpu.memref_slice %arg2[%add3A_47, %dma_wait3A_50] : memref<160000x128xf32, #tpu.memory_space<hbm>> -> memref<40x128xf32, #tpu.memory_space<hbm>>
      %dma_wait3A_52 = arith.constant 0 : i32
      %dma_wait3A_53 = tpu.memref_slice %arg2[%add3A_47, %dma_wait3A_52] : memref<160000x128xf32, #tpu.memory_space<hbm>> -> memref<40x128xf32, #tpu.memory_space<hbm>>
      tpu.wait_dma2 semaphore(%arg11 : memref<!tpu.dma_semaphore, #tpu.memory_space<semaphore_mem>>) src(%dma_wait3A_53 : memref<40x128xf32, #tpu.memory_space<hbm>>) dst(%arg7 : memref<40x128xf32, #tpu.memory_space<vmem>>)
      "tpu.region"() ({
        %run_scoped3A = tpu.sem_alloc : memref<!tpu.dma_semaphore, #tpu.memory_space<semaphore_mem>>
        %dma_start3A_80 = arith.constant 0 : i32
        %dma_start3A_81 = arith.constant 0 : i32
        %dma_start3A_82 = tpu.memref_slice %arg10[%dma_start3A_80, %dma_start3A_81] : memref<10112x128xf32, #tpu.memory_space<vmem_shared>> -> memref<10112x128xf32, #tpu.memory_space<vmem_shared>>
        tpu.enqueue_indirect_dma source(%arg7 : memref<40x128xf32, #tpu.memory_space<vmem>>) target(%dma_start3A_82 : memref<10112x128xf32, #tpu.memory_space<vmem_shared>>) offsets(%arg6 : memref<40xi32, #tpu.memory_space<vmem>>) semaphore(%run_scoped3A : memref<!tpu.dma_semaphore, #tpu.memory_space<semaphore_mem>>) {add = true}
        %dma_wait3A_83 = arith.constant 0 : i32
        %dma_wait3A_84 = arith.constant 0 : i32
        %dma_wait3A_85 = tpu.memref_slice %arg10[%dma_wait3A_83, %dma_wait3A_84] : memref<10112x128xf32, #tpu.memory_space<vmem_shared>> -> memref<10112x128xf32, #tpu.memory_space<vmem_shared>>
        tpu.wait_indirect_dma semaphore(%run_scoped3A : memref<!tpu.dma_semaphore, #tpu.memory_space<semaphore_mem>>) src(%arg7 : memref<40x128xf32, #tpu.memory_space<vmem>>) dst(%dma_wait3A_85 : memref<10112x128xf32, #tpu.memory_space<vmem_shared>>)
        tpu.yield
      }) : () -> ()
      %add3A_54 = arith.constant 2 : i32
      %add3A_55 = arith.addi %mul3A_29, %add3A_54 : i32
      %mul3A_56 = arith.constant 5000 : i32
      %mul3A_57 = arith.muli %add3A, %mul3A_56 : i32
      %mul3A_58 = arith.constant 40 : i32
      %mul3A_59 = arith.muli %add3A_55, %mul3A_58 : i32
      %add3A_60 = arith.addi %mul3A_57, %mul3A_59 : i32
      %dma_start3A_61 = tpu.memref_slice %arg3[%add3A_60] : memref<160000xi32, #tpu.memory_space<hbm>> -> memref<40xi32, #tpu.memory_space<hbm>>
      %dma_start3A_62 = tpu.memref_slice %arg3[%add3A_60] : memref<160000xi32, #tpu.memory_space<hbm>> -> memref<40xi32, #tpu.memory_space<hbm>>
      tpu.enqueue_dma source(%dma_start3A_62 : memref<40xi32, #tpu.memory_space<hbm>>) target(%arg6 : memref<40xi32, #tpu.memory_space<vmem>>) target_semaphore(%arg11 : memref<!tpu.dma_semaphore, #tpu.memory_space<semaphore_mem>>)
      %dma_start3A_63 = arith.constant 0 : i32
      %dma_start3A_64 = tpu.memref_slice %arg2[%add3A_60, %dma_start3A_63] : memref<160000x128xf32, #tpu.memory_space<hbm>> -> memref<40x128xf32, #tpu.memory_space<hbm>>
      %dma_start3A_65 = arith.constant 0 : i32
      %dma_start3A_66 = tpu.memref_slice %arg2[%add3A_60, %dma_start3A_65] : memref<160000x128xf32, #tpu.memory_space<hbm>> -> memref<40x128xf32, #tpu.memory_space<hbm>>
      tpu.enqueue_dma source(%dma_start3A_66 : memref<40x128xf32, #tpu.memory_space<hbm>>) target(%arg7 : memref<40x128xf32, #tpu.memory_space<vmem>>) target_semaphore(%arg11 : memref<!tpu.dma_semaphore, #tpu.memory_space<semaphore_mem>>)
      %add3A_67 = arith.constant 1 : i32
      %add3A_68 = arith.addi %mul3A_29, %add3A_67 : i32
      %mul3A_69 = arith.constant 5000 : i32
      %mul3A_70 = arith.muli %add3A, %mul3A_69 : i32
      %mul3A_71 = arith.constant 40 : i32
      %mul3A_72 = arith.muli %add3A_68, %mul3A_71 : i32
      %add3A_73 = arith.addi %mul3A_70, %mul3A_72 : i32
      %dma_wait3A_74 = tpu.memref_slice %arg3[%add3A_73] : memref<160000xi32, #tpu.memory_space<hbm>> -> memref<40xi32, #tpu.memory_space<hbm>>
      %dma_wait3A_75 = tpu.memref_slice %arg3[%add3A_73] : memref<160000xi32, #tpu.memory_space<hbm>> -> memref<40xi32, #tpu.memory_space<hbm>>
      tpu.wait_dma2 semaphore(%arg12 : memref<!tpu.dma_semaphore, #tpu.memory_space<semaphore_mem>>) src(%dma_wait3A_75 : memref<40xi32, #tpu.memory_space<hbm>>) dst(%arg8 : memref<40xi32, #tpu.memory_space<vmem>>)
      %dma_wait3A_76 = arith.constant 0 : i32
      %dma_wait3A_77 = tpu.memref_slice %arg2[%add3A_73, %dma_wait3A_76] : memref<160000x128xf32, #tpu.memory_space<hbm>> -> memref<40x128xf32, #tpu.memory_space<hbm>>
      %dma_wait3A_78 = arith.constant 0 : i32
      %dma_wait3A_79 = tpu.memref_slice %arg2[%add3A_73, %dma_wait3A_78] : memref<160000x128xf32, #tpu.memory_space<hbm>> -> memref<40x128xf32, #tpu.memory_space<hbm>>
      tpu.wait_dma2 semaphore(%arg12 : memref<!tpu.dma_semaphore, #tpu.memory_space<semaphore_mem>>) src(%dma_wait3A_79 : memref<40x128xf32, #tpu.memory_space<hbm>>) dst(%arg9 : memref<40x128xf32, #tpu.memory_space<vmem>>)
      "tpu.region"() ({
        %run_scoped3A = tpu.sem_alloc : memref<!tpu.dma_semaphore, #tpu.memory_space<semaphore_mem>>
        %dma_start3A_80 = arith.constant 0 : i32
        %dma_start3A_81 = arith.constant 0 : i32
        %dma_start3A_82 = tpu.memref_slice %arg10[%dma_start3A_80, %dma_start3A_81] : memref<10112x128xf32, #tpu.memory_space<vmem_shared>> -> memref<10112x128xf32, #tpu.memory_space<vmem_shared>>
        tpu.enqueue_indirect_dma source(%arg9 : memref<40x128xf32, #tpu.memory_space<vmem>>) target(%dma_start3A_82 : memref<10112x128xf32, #tpu.memory_space<vmem_shared>>) offsets(%arg8 : memref<40xi32, #tpu.memory_space<vmem>>) semaphore(%run_scoped3A : memref<!tpu.dma_semaphore, #tpu.memory_space<semaphore_mem>>) {add = true}
        %dma_wait3A_83 = arith.constant 0 : i32
        %dma_wait3A_84 = arith.constant 0 : i32
        %dma_wait3A_85 = tpu.memref_slice %arg10[%dma_wait3A_83, %dma_wait3A_84] : memref<10112x128xf32, #tpu.memory_space<vmem_shared>> -> memref<10112x128xf32, #tpu.memory_space<vmem_shared>>
        tpu.wait_indirect_dma semaphore(%run_scoped3A : memref<!tpu.dma_semaphore, #tpu.memory_space<semaphore_mem>>) src(%arg9 : memref<40x128xf32, #tpu.memory_space<vmem>>) dst(%dma_wait3A_85 : memref<10112x128xf32, #tpu.memory_space<vmem_shared>>)
        tpu.yield
      }) : () -> ()
    }
    %scan3A_16 = arith.constant 62 : i32
    %mul3A_17 = arith.constant 5000 : i32
    %mul3A_18 = arith.muli %add3A, %mul3A_17 : i32
    %add3A_19 = arith.constant 4960 : i32
    %add3A_20 = arith.addi %mul3A_18, %add3A_19 : i32
    %dma_wait3A = tpu.memref_slice %arg3[%add3A_20] : memref<160000xi32, #tpu.memory_space<hbm>> -> memref<40xi32, #tpu.memory_space<hbm>>
    %dma_wait3A_21 = tpu.memref_slice %arg3[%add3A_20] : memref<160000xi32, #tpu.memory_space<hbm>> -> memref<40xi32, #tpu.memory_space<hbm>>
    tpu.wait_dma2 semaphore(%arg11 : memref<!tpu.dma_semaphore, #tpu.memory_space<semaphore_mem>>) src(%dma_wait3A_21 : memref<40xi32, #tpu.memory_space<hbm>>) dst(%arg6 : memref<40xi32, #tpu.memory_space<vmem>>)
    %dma_wait3A_22 = arith.constant 0 : i32
    %dma_wait3A_23 = tpu.memref_slice %arg2[%add3A_20, %dma_wait3A_22] : memref<160000x128xf32, #tpu.memory_space<hbm>> -> memref<40x128xf32, #tpu.memory_space<hbm>>
    %dma_wait3A_24 = arith.constant 0 : i32
    %dma_wait3A_25 = tpu.memref_slice %arg2[%add3A_20, %dma_wait3A_24] : memref<160000x128xf32, #tpu.memory_space<hbm>> -> memref<40x128xf32, #tpu.memory_space<hbm>>
    tpu.wait_dma2 semaphore(%arg11 : memref<!tpu.dma_semaphore, #tpu.memory_space<semaphore_mem>>) src(%dma_wait3A_25 : memref<40x128xf32, #tpu.memory_space<hbm>>) dst(%arg7 : memref<40x128xf32, #tpu.memory_space<vmem>>)
    "tpu.region"() ({
      %run_scoped3A = tpu.sem_alloc : memref<!tpu.dma_semaphore, #tpu.memory_space<semaphore_mem>>
      %dma_start3A_27 = arith.constant 0 : i32
      %dma_start3A_28 = arith.constant 0 : i32
      %dma_start3A_29 = tpu.memref_slice %arg10[%dma_start3A_27, %dma_start3A_28] : memref<10112x128xf32, #tpu.memory_space<vmem_shared>> -> memref<10112x128xf32, #tpu.memory_space<vmem_shared>>
      tpu.enqueue_indirect_dma source(%arg7 : memref<40x128xf32, #tpu.memory_space<vmem>>) target(%dma_start3A_29 : memref<10112x128xf32, #tpu.memory_space<vmem_shared>>) offsets(%arg6 : memref<40xi32, #tpu.memory_space<vmem>>) semaphore(%run_scoped3A : memref<!tpu.dma_semaphore, #tpu.memory_space<semaphore_mem>>) {add = true}
      %dma_wait3A_30 = arith.constant 0 : i32
      %dma_wait3A_31 = arith.constant 0 : i32
      %dma_wait3A_32 = tpu.memref_slice %arg10[%dma_wait3A_30, %dma_wait3A_31] : memref<10112x128xf32, #tpu.memory_space<vmem_shared>> -> memref<10112x128xf32, #tpu.memory_space<vmem_shared>>
      tpu.wait_indirect_dma semaphore(%run_scoped3A : memref<!tpu.dma_semaphore, #tpu.memory_space<semaphore_mem>>) src(%arg7 : memref<40x128xf32, #tpu.memory_space<vmem>>) dst(%dma_wait3A_32 : memref<10112x128xf32, #tpu.memory_space<vmem_shared>>)
      tpu.yield
    }) : () -> ()
    %barrier3A_26 = arith.constant 0 : index
    tpu.barrier barrier_id(%barrier3A_26)
    "tpu.region"() ({
      %run_scoped3A = tpu.sem_alloc : memref<!tpu.dma_semaphore, #tpu.memory_space<semaphore_mem>>
      %dma_start3A_27 = arith.constant 0 : i32
      %dma_start3A_28 = tpu.memref_slice %arg5[%arg0, %mul3A_2, %dma_start3A_27] : memref<2x10112x128xf32, #tpu.memory_space<hbm>> -> memref<1x632x128xf32, #tpu.memory_space<hbm>>
      %dma_start3A_29 = tpu.memref_squeeze %dma_start3A_28 : memref<1x632x128xf32, #tpu.memory_space<hbm>> -> memref<632x128xf32, #tpu.memory_space<hbm>>
      %dma_start3A_30 = arith.constant 0 : i32
      %dma_start3A_31 = tpu.memref_slice %arg10[%mul3A_2, %dma_start3A_30] : memref<10112x128xf32, #tpu.memory_space<vmem_shared>> -> memref<632x128xf32, #tpu.memory_space<vmem_shared>>
      tpu.enqueue_dma source(%dma_start3A_31 : memref<632x128xf32, #tpu.memory_space<vmem_shared>>) target(%dma_start3A_29 : memref<632x128xf32, #tpu.memory_space<hbm>>) target_semaphore(%run_scoped3A : memref<!tpu.dma_semaphore, #tpu.memory_space<semaphore_mem>>)
      %dma_wait3A_32 = arith.constant 0 : i32
      %dma_wait3A_33 = tpu.memref_slice %arg5[%arg0, %mul3A_2, %dma_wait3A_32] : memref<2x10112x128xf32, #tpu.memory_space<hbm>> -> memref<1x632x128xf32, #tpu.memory_space<hbm>>
      %dma_wait3A_34 = tpu.memref_squeeze %dma_wait3A_33 : memref<1x632x128xf32, #tpu.memory_space<hbm>> -> memref<632x128xf32, #tpu.memory_space<hbm>>
      %dma_wait3A_35 = arith.constant 0 : i32
      %dma_wait3A_36 = tpu.memref_slice %arg10[%mul3A_2, %dma_wait3A_35] : memref<10112x128xf32, #tpu.memory_space<vmem_shared>> -> memref<632x128xf32, #tpu.memory_space<vmem_shared>>
      tpu.wait_dma2 semaphore(%run_scoped3A : memref<!tpu.dma_semaphore, #tpu.memory_space<semaphore_mem>>) src(%dma_wait3A_36 : memref<632x128xf32, #tpu.memory_space<vmem_shared>>) dst(%dma_wait3A_34 : memref<632x128xf32, #tpu.memory_space<hbm>>)
      tpu.yield
    }) : () -> ()
    return
  }
}

#map = affine_map<(d0, d1) -> (0, 0)>
#map1 = affine_map<(d0, d1) -> (0)>
#map2 = affine_map<(d0, d1) -> (0, 0, 0)>
module attributes {stable_mosaic.version = 14 : i64} {
  func.func @body(%arg0: i32, %arg1: i32, %arg2: memref<160000x128xf32, #tpu.memory_space<hbm>>, %arg3: memref<160000xi32, #tpu.memory_space<hbm>>, %arg4: memref<632x128xf32, #tpu.memory_space<hbm>>, %arg5: memref<2x10112x128xf32, #tpu.memory_space<hbm>>, %arg6: memref<40xi32, #tpu.memory_space<vmem>>, %arg7: memref<40x128xf32, #tpu.memory_space<vmem>>, %arg8: memref<40xi32, #tpu.memory_space<vmem>>, %arg9: memref<40x128xf32, #tpu.memory_space<vmem>>, %arg10: memref<10112x128xf32, #tpu.memory_space<vmem_shared>>, %arg11: memref<!tpu.dma_semaphore, #tpu.memory_space<semaphore_mem>>, %arg12: memref<!tpu.dma_semaphore, #tpu.memory_space<semaphore_mem>>) attributes {dimension_semantics = [#tpu.dimension_semantics<core_parallel>, #tpu.dimension_semantics<subcore_parallel>], iteration_bounds = array<i64: 2, 16>, scalar_prefetch = 0 : i64, scratch_operands = 7 : i64, tpu.core_type = #tpu.core_type<sc_vector_subcore>, window_params = [{transform_indices = #map}, {transform_indices = #map1}, {transform_indices = #map}, {transform_indices = #map2}]} {
    %mul3A = arith.constant 2 : i32
    %mul3A_0 = arith.muli %arg1, %mul3A : i32
    %add3A = arith.addi %mul3A_0, %arg0 : i32
    %mul3A_1 = arith.constant 632 : i32
    %mul3A_2 = arith.muli %arg1, %mul3A_1 : i32
    "tpu.region"() ({
      %run_scoped3A = tpu.sem_alloc : memref<!tpu.dma_semaphore, #tpu.memory_space<semaphore_mem>>
      %dma_start3A_27 = arith.constant 0 : i32
      %dma_start3A_28 = tpu.memref_slice %arg10[%mul3A_2, %dma_start3A_27] : memref<10112x128xf32, #tpu.memory_space<vmem_shared>> -> memref<632x128xf32, #tpu.memory_space<vmem_shared>>
      tpu.enqueue_dma source(%arg4 : memref<632x128xf32, #tpu.memory_space<hbm>>) target(%dma_start3A_28 : memref<632x128xf32, #tpu.memory_space<vmem_shared>>) target_semaphore(%run_scoped3A : memref<!tpu.dma_semaphore, #tpu.memory_space<semaphore_mem>>)
      %dma_wait3A_29 = arith.constant 0 : i32
      %dma_wait3A_30 = tpu.memref_slice %arg10[%mul3A_2, %dma_wait3A_29] : memref<10112x128xf32, #tpu.memory_space<vmem_shared>> -> memref<632x128xf32, #tpu.memory_space<vmem_shared>>
      tpu.wait_dma2 semaphore(%run_scoped3A : memref<!tpu.dma_semaphore, #tpu.memory_space<semaphore_mem>>) src(%arg4 : memref<632x128xf32, #tpu.memory_space<hbm>>) dst(%dma_wait3A_30 : memref<632x128xf32, #tpu.memory_space<vmem_shared>>)
      tpu.yield
    }) : () -> ()
    %barrier3A = arith.constant 0 : index
    tpu.barrier barrier_id(%barrier3A)
    %mul3A_3 = arith.constant 5000 : i32
    %mul3A_4 = arith.muli %add3A, %mul3A_3 : i32
    %add3A_5 = arith.constant 0 : i32
    %add3A_6 = arith.addi %mul3A_4, %add3A_5 : i32
    %dma_start3A = tpu.memref_slice %arg3[%add3A_6] : memref<160000xi32, #tpu.memory_space<hbm>> -> memref<40xi32, #tpu.memory_space<hbm>>
    %dma_start3A_7 = tpu.memref_slice %arg3[%add3A_6] : memref<160000xi32, #tpu.memory_space<hbm>> -> memref<40xi32, #tpu.memory_space<hbm>>
    tpu.enqueue_dma source(%dma_start3A_7 : memref<40xi32, #tpu.memory_space<hbm>>) target(%arg6 : memref<40xi32, #tpu.memory_space<vmem>>) target_semaphore(%arg11 : memref<!tpu.dma_semaphore, #tpu.memory_space<semaphore_mem>>)
    %dma_start3A_8 = arith.constant 0 : i32
    %dma_start3A_9 = tpu.memref_slice %arg2[%add3A_6, %dma_start3A_8] : memref<160000x128xf32, #tpu.memory_space<hbm>> -> memref<40x128xf32, #tpu.memory_space<hbm>>
    %dma_start3A_10 = arith.constant 0 : i32
    %dma_start3A_11 = tpu.memref_slice %arg2[%add3A_6, %dma_start3A_10] : memref<160000x128xf32, #tpu.memory_space<hbm>> -> memref<40x128xf32, #tpu.memory_space<hbm>>
    tpu.enqueue_dma source(%dma_start3A_11 : memref<40x128xf32, #tpu.memory_space<hbm>>) target(%arg7 : memref<40x128xf32, #tpu.memory_space<vmem>>) target_semaphore(%arg11 : memref<!tpu.dma_semaphore, #tpu.memory_space<semaphore_mem>>)
    %scan3A = arith.constant 0 : i32
    %scan3A_12 = arith.constant 0 : i32
    %scan3A_13 = arith.constant 62 : i32
    %scan3A_14 = arith.addi %scan3A_12, %scan3A_13 : i32
    %scan3A_15 = arith.constant 1 : i32
    scf.for %scan3A_27 = %scan3A_12 to %scan3A_14 step %scan3A_15  : i32 {
      %mul3A_28 = arith.constant 2 : i32
      %mul3A_29 = arith.muli %mul3A_28, %scan3A_27 : i32
      %add3A_30 = arith.constant 1 : i32
      %add3A_31 = arith.addi %mul3A_29, %add3A_30 : i32
      %mul3A_32 = arith.constant 5000 : i32
      %mul3A_33 = arith.muli %add3A, %mul3A_32 : i32
      %mul3A_34 = arith.constant 40 : i32
      %mul3A_35 = arith.muli %add3A_31, %mul3A_34 : i32
      %add3A_36 = arith.addi %mul3A_33, %mul3A_35 : i32
      %dma_start3A_37 = tpu.memref_slice %arg3[%add3A_36] : memref<160000xi32, #tpu.memory_space<hbm>> -> memref<40xi32, #tpu.memory_space<hbm>>
      %dma_start3A_38 = tpu.memref_slice %arg3[%add3A_36] : memref<160000xi32, #tpu.memory_space<hbm>> -> memref<40xi32, #tpu.memory_space<hbm>>
      tpu.enqueue_dma source(%dma_start3A_38 : memref<40xi32, #tpu.memory_space<hbm>>) target(%arg8 : memref<40xi32, #tpu.memory_space<vmem>>) target_semaphore(%arg12 : memref<!tpu.dma_semaphore, #tpu.memory_space<semaphore_mem>>)
      %dma_start3A_39 = arith.constant 0 : i32
      %dma_start3A_40 = tpu.memref_slice %arg2[%add3A_36, %dma_start3A_39] : memref<160000x128xf32, #tpu.memory_space<hbm>> -> memref<40x128xf32, #tpu.memory_space<hbm>>
      %dma_start3A_41 = arith.constant 0 : i32
      %dma_start3A_42 = tpu.memref_slice %arg2[%add3A_36, %dma_start3A_41] : memref<160000x128xf32, #tpu.memory_space<hbm>> -> memref<40x128xf32, #tpu.memory_space<hbm>>
      tpu.enqueue_dma source(%dma_start3A_42 : memref<40x128xf32, #tpu.memory_space<hbm>>) target(%arg9 : memref<40x128xf32, #tpu.memory_space<vmem>>) target_semaphore(%arg12 : memref<!tpu.dma_semaphore, #tpu.memory_space<semaphore_mem>>)
      %mul3A_43 = arith.constant 5000 : i32
      %mul3A_44 = arith.muli %add3A, %mul3A_43 : i32
      %mul3A_45 = arith.constant 40 : i32
      %mul3A_46 = arith.muli %mul3A_29, %mul3A_45 : i32
      %add3A_47 = arith.addi %mul3A_44, %mul3A_46 : i32
      %dma_wait3A_48 = tpu.memref_slice %arg3[%add3A_47] : memref<160000xi32, #tpu.memory_space<hbm>> -> memref<40xi32, #tpu.memory_space<hbm>>
      %dma_wait3A_49 = tpu.memref_slice %arg3[%add3A_47] : memref<160000xi32, #tpu.memory_space<hbm>> -> memref<40xi32, #tpu.memory_space<hbm>>
      tpu.wait_dma2 semaphore(%arg11 : memref<!tpu.dma_semaphore, #tpu.memory_space<semaphore_mem>>) src(%dma_wait3A_49 : memref<40xi32, #tpu.memory_space<hbm>>) dst(%arg6 : memref<40xi32, #tpu.memory_space<vmem>>)
      %dma_wait3A_50 = arith.constant 0 : i32
      %dma_wait3A_51 = tpu.memref_slice %arg2[%add3A_47, %dma_wait3A_50] : memref<160000x128xf32, #tpu.memory_space<hbm>> -> memref<40x128xf32, #tpu.memory_space<hbm>>
      %dma_wait3A_52 = arith.constant 0 : i32
      %dma_wait3A_53 = tpu.memref_slice %arg2[%add3A_47, %dma_wait3A_52] : memref<160000x128xf32, #tpu.memory_space<hbm>> -> memref<40x128xf32, #tpu.memory_space<hbm>>
      tpu.wait_dma2 semaphore(%arg11 : memref<!tpu.dma_semaphore, #tpu.memory_space<semaphore_mem>>) src(%dma_wait3A_53 : memref<40x128xf32, #tpu.memory_space<hbm>>) dst(%arg7 : memref<40x128xf32, #tpu.memory_space<vmem>>)
      "tpu.region"() ({
        %run_scoped3A = tpu.sem_alloc : memref<!tpu.dma_semaphore, #tpu.memory_space<semaphore_mem>>
        %dma_start3A_80 = arith.constant 0 : i32
        %dma_start3A_81 = arith.constant 0 : i32
        %dma_start3A_82 = tpu.memref_slice %arg10[%dma_start3A_80, %dma_start3A_81] : memref<10112x128xf32, #tpu.memory_space<vmem_shared>> -> memref<10112x128xf32, #tpu.memory_space<vmem_shared>>
        tpu.enqueue_indirect_dma source(%arg7 : memref<40x128xf32, #tpu.memory_space<vmem>>) target(%dma_start3A_82 : memref<10112x128xf32, #tpu.memory_space<vmem_shared>>) offsets(%arg6 : memref<40xi32, #tpu.memory_space<vmem>>) semaphore(%run_scoped3A : memref<!tpu.dma_semaphore, #tpu.memory_space<semaphore_mem>>) {add = true}
        %dma_wait3A_83 = arith.constant 0 : i32
        %dma_wait3A_84 = arith.constant 0 : i32
        %dma_wait3A_85 = tpu.memref_slice %arg10[%dma_wait3A_83, %dma_wait3A_84] : memref<10112x128xf32, #tpu.memory_space<vmem_shared>> -> memref<10112x128xf32, #tpu.memory_space<vmem_shared>>
        tpu.wait_indirect_dma semaphore(%run_scoped3A : memref<!tpu.dma_semaphore, #tpu.memory_space<semaphore_mem>>) src(%arg7 : memref<40x128xf32, #tpu.memory_space<vmem>>) dst(%dma_wait3A_85 : memref<10112x128xf32, #tpu.memory_space<vmem_shared>>)
        tpu.yield
      }) : () -> ()
      %add3A_54 = arith.constant 2 : i32
      %add3A_55 = arith.addi %mul3A_29, %add3A_54 : i32
      %mul3A_56 = arith.constant 5000 : i32
      %mul3A_57 = arith.muli %add3A, %mul3A_56 : i32
      %mul3A_58 = arith.constant 40 : i32
      %mul3A_59 = arith.muli %add3A_55, %mul3A_58 : i32
      %add3A_60 = arith.addi %mul3A_57, %mul3A_59 : i32
      %dma_start3A_61 = tpu.memref_slice %arg3[%add3A_60] : memref<160000xi32, #tpu.memory_space<hbm>> -> memref<40xi32, #tpu.memory_space<hbm>>
      %dma_start3A_62 = tpu.memref_slice %arg3[%add3A_60] : memref<160000xi32, #tpu.memory_space<hbm>> -> memref<40xi32, #tpu.memory_space<hbm>>
      tpu.enqueue_dma source(%dma_start3A_62 : memref<40xi32, #tpu.memory_space<hbm>>) target(%arg6 : memref<40xi32, #tpu.memory_space<vmem>>) target_semaphore(%arg11 : memref<!tpu.dma_semaphore, #tpu.memory_space<semaphore_mem>>)
      %dma_start3A_63 = arith.constant 0 : i32
      %dma_start3A_64 = tpu.memref_slice %arg2[%add3A_60, %dma_start3A_63] : memref<160000x128xf32, #tpu.memory_space<hbm>> -> memref<40x128xf32, #tpu.memory_space<hbm>>
      %dma_start3A_65 = arith.constant 0 : i32
      %dma_start3A_66 = tpu.memref_slice %arg2[%add3A_60, %dma_start3A_65] : memref<160000x128xf32, #tpu.memory_space<hbm>> -> memref<40x128xf32, #tpu.memory_space<hbm>>
      tpu.enqueue_dma source(%dma_start3A_66 : memref<40x128xf32, #tpu.memory_space<hbm>>) target(%arg7 : memref<40x128xf32, #tpu.memory_space<vmem>>) target_semaphore(%arg11 : memref<!tpu.dma_semaphore, #tpu.memory_space<semaphore_mem>>)
      %add3A_67 = arith.constant 1 : i32
      %add3A_68 = arith.addi %mul3A_29, %add3A_67 : i32
      %mul3A_69 = arith.constant 5000 : i32
      %mul3A_70 = arith.muli %add3A, %mul3A_69 : i32
      %mul3A_71 = arith.constant 40 : i32
      %mul3A_72 = arith.muli %add3A_68, %mul3A_71 : i32
      %add3A_73 = arith.addi %mul3A_70, %mul3A_72 : i32
      %dma_wait3A_74 = tpu.memref_slice %arg3[%add3A_73] : memref<160000xi32, #tpu.memory_space<hbm>> -> memref<40xi32, #tpu.memory_space<hbm>>
      %dma_wait3A_75 = tpu.memref_slice %arg3[%add3A_73] : memref<160000xi32, #tpu.memory_space<hbm>> -> memref<40xi32, #tpu.memory_space<hbm>>
      tpu.wait_dma2 semaphore(%arg12 : memref<!tpu.dma_semaphore, #tpu.memory_space<semaphore_mem>>) src(%dma_wait3A_75 : memref<40xi32, #tpu.memory_space<hbm>>) dst(%arg8 : memref<40xi32, #tpu.memory_space<vmem>>)
      %dma_wait3A_76 = arith.constant 0 : i32
      %dma_wait3A_77 = tpu.memref_slice %arg2[%add3A_73, %dma_wait3A_76] : memref<160000x128xf32, #tpu.memory_space<hbm>> -> memref<40x128xf32, #tpu.memory_space<hbm>>
      %dma_wait3A_78 = arith.constant 0 : i32
      %dma_wait3A_79 = tpu.memref_slice %arg2[%add3A_73, %dma_wait3A_78] : memref<160000x128xf32, #tpu.memory_space<hbm>> -> memref<40x128xf32, #tpu.memory_space<hbm>>
      tpu.wait_dma2 semaphore(%arg12 : memref<!tpu.dma_semaphore, #tpu.memory_space<semaphore_mem>>) src(%dma_wait3A_79 : memref<40x128xf32, #tpu.memory_space<hbm>>) dst(%arg9 : memref<40x128xf32, #tpu.memory_space<vmem>>)
      "tpu.region"() ({
        %run_scoped3A = tpu.sem_alloc : memref<!tpu.dma_semaphore, #tpu.memory_space<semaphore_mem>>
        %dma_start3A_80 = arith.constant 0 : i32
        %dma_start3A_81 = arith.constant 0 : i32
        %dma_start3A_82 = tpu.memref_slice %arg10[%dma_start3A_80, %dma_start3A_81] : memref<10112x128xf32, #tpu.memory_space<vmem_shared>> -> memref<10112x128xf32, #tpu.memory_space<vmem_shared>>
        tpu.enqueue_indirect_dma source(%arg9 : memref<40x128xf32, #tpu.memory_space<vmem>>) target(%dma_start3A_82 : memref<10112x128xf32, #tpu.memory_space<vmem_shared>>) offsets(%arg8 : memref<40xi32, #tpu.memory_space<vmem>>) semaphore(%run_scoped3A : memref<!tpu.dma_semaphore, #tpu.memory_space<semaphore_mem>>) {add = true}
        %dma_wait3A_83 = arith.constant 0 : i32
        %dma_wait3A_84 = arith.constant 0 : i32
        %dma_wait3A_85 = tpu.memref_slice %arg10[%dma_wait3A_83, %dma_wait3A_84] : memref<10112x128xf32, #tpu.memory_space<vmem_shared>> -> memref<10112x128xf32, #tpu.memory_space<vmem_shared>>
        tpu.wait_indirect_dma semaphore(%run_scoped3A : memref<!tpu.dma_semaphore, #tpu.memory_space<semaphore_mem>>) src(%arg9 : memref<40x128xf32, #tpu.memory_space<vmem>>) dst(%dma_wait3A_85 : memref<10112x128xf32, #tpu.memory_space<vmem_shared>>)
        tpu.yield
      }) : () -> ()
    }
    %scan3A_16 = arith.constant 62 : i32
    %mul3A_17 = arith.constant 5000 : i32
    %mul3A_18 = arith.muli %add3A, %mul3A_17 : i32
    %add3A_19 = arith.constant 4960 : i32
    %add3A_20 = arith.addi %mul3A_18, %add3A_19 : i32
    %dma_wait3A = tpu.memref_slice %arg3[%add3A_20] : memref<160000xi32, #tpu.memory_space<hbm>> -> memref<40xi32, #tpu.memory_space<hbm>>
    %dma_wait3A_21 = tpu.memref_slice %arg3[%add3A_20] : memref<160000xi32, #tpu.memory_space<hbm>> -> memref<40xi32, #tpu.memory_space<hbm>>
    tpu.wait_dma2 semaphore(%arg11 : memref<!tpu.dma_semaphore, #tpu.memory_space<semaphore_mem>>) src(%dma_wait3A_21 : memref<40xi32, #tpu.memory_space<hbm>>) dst(%arg6 : memref<40xi32, #tpu.memory_space<vmem>>)
    %dma_wait3A_22 = arith.constant 0 : i32
    %dma_wait3A_23 = tpu.memref_slice %arg2[%add3A_20, %dma_wait3A_22] : memref<160000x128xf32, #tpu.memory_space<hbm>> -> memref<40x128xf32, #tpu.memory_space<hbm>>
    %dma_wait3A_24 = arith.constant 0 : i32
    %dma_wait3A_25 = tpu.memref_slice %arg2[%add3A_20, %dma_wait3A_24] : memref<160000x128xf32, #tpu.memory_space<hbm>> -> memref<40x128xf32, #tpu.memory_space<hbm>>
    tpu.wait_dma2 semaphore(%arg11 : memref<!tpu.dma_semaphore, #tpu.memory_space<semaphore_mem>>) src(%dma_wait3A_25 : memref<40x128xf32, #tpu.memory_space<hbm>>) dst(%arg7 : memref<40x128xf32, #tpu.memory_space<vmem>>)
    "tpu.region"() ({
      %run_scoped3A = tpu.sem_alloc : memref<!tpu.dma_semaphore, #tpu.memory_space<semaphore_mem>>
      %dma_start3A_27 = arith.constant 0 : i32
      %dma_start3A_28 = arith.constant 0 : i32
      %dma_start3A_29 = tpu.memref_slice %arg10[%dma_start3A_27, %dma_start3A_28] : memref<10112x128xf32, #tpu.memory_space<vmem_shared>> -> memref<10112x128xf32, #tpu.memory_space<vmem_shared>>
      tpu.enqueue_indirect_dma source(%arg7 : memref<40x128xf32, #tpu.memory_space<vmem>>) target(%dma_start3A_29 : memref<10112x128xf32, #tpu.memory_space<vmem_shared>>) offsets(%arg6 : memref<40xi32, #tpu.memory_space<vmem>>) semaphore(%run_scoped3A : memref<!tpu.dma_semaphore, #tpu.memory_space<semaphore_mem>>) {add = true}
      %dma_wait3A_30 = arith.constant 0 : i32
      %dma_wait3A_31 = arith.constant 0 : i32
      %dma_wait3A_32 = tpu.memref_slice %arg10[%dma_wait3A_30, %dma_wait3A_31] : memref<10112x128xf32, #tpu.memory_space<vmem_shared>> -> memref<10112x128xf32, #tpu.memory_space<vmem_shared>>
      tpu.wait_indirect_dma semaphore(%run_scoped3A : memref<!tpu.dma_semaphore, #tpu.memory_space<semaphore_mem>>) src(%arg7 : memref<40x128xf32, #tpu.memory_space<vmem>>) dst(%dma_wait3A_32 : memref<10112x128xf32, #tpu.memory_space<vmem_shared>>)
      tpu.yield
    }) : () -> ()
    %barrier3A_26 = arith.constant 0 : index
    tpu.barrier barrier_id(%barrier3A_26)
    "tpu.region"() ({
      %run_scoped3A = tpu.sem_alloc : memref<!tpu.dma_semaphore, #tpu.memory_space<semaphore_mem>>
      %dma_start3A_27 = arith.constant 0 : i32
      %dma_start3A_28 = tpu.memref_slice %arg5[%arg0, %mul3A_2, %dma_start3A_27] : memref<2x10112x128xf32, #tpu.memory_space<hbm>> -> memref<1x632x128xf32, #tpu.memory_space<hbm>>
      %dma_start3A_29 = tpu.memref_squeeze %dma_start3A_28 : memref<1x632x128xf32, #tpu.memory_space<hbm>> -> memref<632x128xf32, #tpu.memory_space<hbm>>
      %dma_start3A_30 = arith.constant 0 : i32
      %dma_start3A_31 = tpu.memref_slice %arg10[%mul3A_2, %dma_start3A_30] : memref<10112x128xf32, #tpu.memory_space<vmem_shared>> -> memref<632x128xf32, #tpu.memory_space<vmem_shared>>
      tpu.enqueue_dma source(%dma_start3A_31 : memref<632x128xf32, #tpu.memory_space<vmem_shared>>) target(%dma_start3A_29 : memref<632x128xf32, #tpu.memory_space<hbm>>) target_semaphore(%run_scoped3A : memref<!tpu.dma_semaphore, #tpu.memory_space<semaphore_mem>>)
      %dma_wait3A_32 = arith.constant 0 : i32
      %dma_wait3A_33 = tpu.memref_slice %arg5[%arg0, %mul3A_2, %dma_wait3A_32] : memref<2x10112x128xf32, #tpu.memory_space<hbm>> -> memref<1x632x128xf32, #tpu.memory_space<hbm>>
      %dma_wait3A_34 = tpu.memref_squeeze %dma_wait3A_33 : memref<1x632x128xf32, #tpu.memory_space<hbm>> -> memref<632x128xf32, #tpu.memory_space<hbm>>
      %dma_wait3A_35 = arith.constant 0 : i32
      %dma_wait3A_36 = tpu.memref_slice %arg10[%mul3A_2, %dma_wait3A_35] : memref<10112x128xf32, #tpu.memory_space<vmem_shared>> -> memref<632x128xf32, #tpu.memory_space<vmem_shared>>
      tpu.wait_dma2 semaphore(%run_scoped3A : memref<!tpu.dma_semaphore, #tpu.memory_space<semaphore_mem>>) src(%dma_wait3A_36 : memref<632x128xf32, #tpu.memory_space<vmem_shared>>) dst(%dma_wait3A_34 : memref<632x128xf32, #tpu.memory_space<hbm>>)
      tpu.yield
    }) : () -> ()
    return
  }
}

#map = affine_map<(d0, d1) -> (0, 0)>
#map1 = affine_map<(d0, d1) -> (0)>
module attributes {stable_mosaic.version = 14 : i64} {
  func.func @body(%arg0: i32, %arg1: i32, %arg2: memref<10000x128xf32, #tpu.memory_space<hbm>>, %arg3: memref<160000xi32, #tpu.memory_space<hbm>>, %arg4: memref<160000xi32, #tpu.memory_space<hbm>>, %arg5: memref<160000x128xf32, #tpu.memory_space<hbm>>, %arg6: memref<160000x128xf32, #tpu.memory_space<hbm>>, %arg7: memref<40xi32, #tpu.memory_space<vmem>>, %arg8: memref<40xi32, #tpu.memory_space<vmem>>, %arg9: memref<40x128xf32, #tpu.memory_space<vmem>>, %arg10: memref<40x128xf32, #tpu.memory_space<vmem>>, %arg11: memref<40xi32, #tpu.memory_space<vmem>>, %arg12: memref<40xi32, #tpu.memory_space<vmem>>, %arg13: memref<40x128xf32, #tpu.memory_space<vmem>>, %arg14: memref<40x128xf32, #tpu.memory_space<vmem>>, %arg15: memref<!tpu.dma_semaphore, #tpu.memory_space<semaphore_mem>>, %arg16: memref<!tpu.dma_semaphore, #tpu.memory_space<semaphore_mem>>) attributes {dimension_semantics = [#tpu.dimension_semantics<core_parallel>, #tpu.dimension_semantics<subcore_parallel>], iteration_bounds = array<i64: 2, 16>, scalar_prefetch = 0 : i64, scratch_operands = 10 : i64, tpu.core_type = #tpu.core_type<sc_vector_subcore>, window_params = [{transform_indices = #map}, {transform_indices = #map1}, {transform_indices = #map1}, {transform_indices = #map}, {transform_indices = #map}]} {
    %mul3A = arith.constant 2 : i32
    %mul3A_0 = arith.muli %arg1, %mul3A : i32
    %add3A = arith.addi %mul3A_0, %arg0 : i32
    %mul3A_1 = arith.constant 5000 : i32
    %mul3A_2 = arith.muli %add3A, %mul3A_1 : i32
    %add3A_3 = arith.constant 0 : i32
    %add3A_4 = arith.addi %mul3A_2, %add3A_3 : i32
    "tpu.region"() ({
      %run_scoped3A = tpu.sem_alloc : memref<!tpu.dma_semaphore, #tpu.memory_space<semaphore_mem>>
      %dma_start3A_22 = tpu.memref_slice %arg3[%add3A_4] : memref<160000xi32, #tpu.memory_space<hbm>> -> memref<40xi32, #tpu.memory_space<hbm>>
      %dma_start3A_23 = tpu.memref_slice %arg3[%add3A_4] : memref<160000xi32, #tpu.memory_space<hbm>> -> memref<40xi32, #tpu.memory_space<hbm>>
      tpu.enqueue_dma source(%dma_start3A_23 : memref<40xi32, #tpu.memory_space<hbm>>) target(%arg7 : memref<40xi32, #tpu.memory_space<vmem>>) target_semaphore(%run_scoped3A : memref<!tpu.dma_semaphore, #tpu.memory_space<semaphore_mem>>)
      %dma_wait3A_24 = tpu.memref_slice %arg3[%add3A_4] : memref<160000xi32, #tpu.memory_space<hbm>> -> memref<40xi32, #tpu.memory_space<hbm>>
      %dma_wait3A_25 = tpu.memref_slice %arg3[%add3A_4] : memref<160000xi32, #tpu.memory_space<hbm>> -> memref<40xi32, #tpu.memory_space<hbm>>
      tpu.wait_dma2 semaphore(%run_scoped3A : memref<!tpu.dma_semaphore, #tpu.memory_space<semaphore_mem>>) src(%dma_wait3A_25 : memref<40xi32, #tpu.memory_space<hbm>>) dst(%arg7 : memref<40xi32, #tpu.memory_space<vmem>>)
      tpu.yield
    }) : () -> ()
    "tpu.region"() ({
      %run_scoped3A = tpu.sem_alloc : memref<!tpu.dma_semaphore, #tpu.memory_space<semaphore_mem>>
      %dma_start3A_22 = tpu.memref_slice %arg4[%add3A_4] : memref<160000xi32, #tpu.memory_space<hbm>> -> memref<40xi32, #tpu.memory_space<hbm>>
      %dma_start3A_23 = tpu.memref_slice %arg4[%add3A_4] : memref<160000xi32, #tpu.memory_space<hbm>> -> memref<40xi32, #tpu.memory_space<hbm>>
      tpu.enqueue_dma source(%dma_start3A_23 : memref<40xi32, #tpu.memory_space<hbm>>) target(%arg8 : memref<40xi32, #tpu.memory_space<vmem>>) target_semaphore(%run_scoped3A : memref<!tpu.dma_semaphore, #tpu.memory_space<semaphore_mem>>)
      %dma_wait3A_24 = tpu.memref_slice %arg4[%add3A_4] : memref<160000xi32, #tpu.memory_space<hbm>> -> memref<40xi32, #tpu.memory_space<hbm>>
      %dma_wait3A_25 = tpu.memref_slice %arg4[%add3A_4] : memref<160000xi32, #tpu.memory_space<hbm>> -> memref<40xi32, #tpu.memory_space<hbm>>
      tpu.wait_dma2 semaphore(%run_scoped3A : memref<!tpu.dma_semaphore, #tpu.memory_space<semaphore_mem>>) src(%dma_wait3A_25 : memref<40xi32, #tpu.memory_space<hbm>>) dst(%arg8 : memref<40xi32, #tpu.memory_space<vmem>>)
      tpu.yield
    }) : () -> ()
    %dma_start3A = arith.constant 0 : i32
    %dma_start3A_5 = arith.constant 0 : i32
    %dma_start3A_6 = tpu.memref_slice %arg2[%dma_start3A, %dma_start3A_5] : memref<10000x128xf32, #tpu.memory_space<hbm>> -> memref<10000x128xf32, #tpu.memory_space<hbm>>
    tpu.enqueue_indirect_dma source(%dma_start3A_6 : memref<10000x128xf32, #tpu.memory_space<hbm>>) target(%arg9 : memref<40x128xf32, #tpu.memory_space<vmem>>) offsets(%arg7 : memref<40xi32, #tpu.memory_space<vmem>>) semaphore(%arg15 : memref<!tpu.dma_semaphore, #tpu.memory_space<semaphore_mem>>)
    %dma_start3A_7 = arith.constant 0 : i32
    %dma_start3A_8 = arith.constant 0 : i32
    %dma_start3A_9 = tpu.memref_slice %arg2[%dma_start3A_7, %dma_start3A_8] : memref<10000x128xf32, #tpu.memory_space<hbm>> -> memref<10000x128xf32, #tpu.memory_space<hbm>>
    tpu.enqueue_indirect_dma source(%dma_start3A_9 : memref<10000x128xf32, #tpu.memory_space<hbm>>) target(%arg10 : memref<40x128xf32, #tpu.memory_space<vmem>>) offsets(%arg8 : memref<40xi32, #tpu.memory_space<vmem>>) semaphore(%arg15 : memref<!tpu.dma_semaphore, #tpu.memory_space<semaphore_mem>>)
    %scan3A = arith.constant 0 : i32
    %scan3A_10 = arith.constant 0 : i32
    %scan3A_11 = arith.constant 62 : i32
    %scan3A_12 = arith.addi %scan3A_10, %scan3A_11 : i32
    %scan3A_13 = arith.constant 1 : i32
    scf.for %scan3A_22 = %scan3A_10 to %scan3A_12 step %scan3A_13  : i32 {
      %mul3A_23 = arith.constant 2 : i32
      %mul3A_24 = arith.muli %mul3A_23, %scan3A_22 : i32
      %add3A_25 = arith.constant 1 : i32
      %add3A_26 = arith.addi %mul3A_24, %add3A_25 : i32
      %mul3A_27 = arith.constant 40 : i32
      %mul3A_28 = arith.muli %add3A_26, %mul3A_27 : i32
      %add3A_29 = arith.addi %mul3A_2, %mul3A_28 : i32
      "tpu.region"() ({
        %run_scoped3A = tpu.sem_alloc : memref<!tpu.dma_semaphore, #tpu.memory_space<semaphore_mem>>
        %dma_start3A_67 = tpu.memref_slice %arg3[%add3A_29] : memref<160000xi32, #tpu.memory_space<hbm>> -> memref<40xi32, #tpu.memory_space<hbm>>
        %dma_start3A_68 = tpu.memref_slice %arg3[%add3A_29] : memref<160000xi32, #tpu.memory_space<hbm>> -> memref<40xi32, #tpu.memory_space<hbm>>
        tpu.enqueue_dma source(%dma_start3A_68 : memref<40xi32, #tpu.memory_space<hbm>>) target(%arg11 : memref<40xi32, #tpu.memory_space<vmem>>) target_semaphore(%run_scoped3A : memref<!tpu.dma_semaphore, #tpu.memory_space<semaphore_mem>>)
        %dma_wait3A_69 = tpu.memref_slice %arg3[%add3A_29] : memref<160000xi32, #tpu.memory_space<hbm>> -> memref<40xi32, #tpu.memory_space<hbm>>
        %dma_wait3A_70 = tpu.memref_slice %arg3[%add3A_29] : memref<160000xi32, #tpu.memory_space<hbm>> -> memref<40xi32, #tpu.memory_space<hbm>>
        tpu.wait_dma2 semaphore(%run_scoped3A : memref<!tpu.dma_semaphore, #tpu.memory_space<semaphore_mem>>) src(%dma_wait3A_70 : memref<40xi32, #tpu.memory_space<hbm>>) dst(%arg11 : memref<40xi32, #tpu.memory_space<vmem>>)
        tpu.yield
      }) : () -> ()
      "tpu.region"() ({
        %run_scoped3A = tpu.sem_alloc : memref<!tpu.dma_semaphore, #tpu.memory_space<semaphore_mem>>
        %dma_start3A_67 = tpu.memref_slice %arg4[%add3A_29] : memref<160000xi32, #tpu.memory_space<hbm>> -> memref<40xi32, #tpu.memory_space<hbm>>
        %dma_start3A_68 = tpu.memref_slice %arg4[%add3A_29] : memref<160000xi32, #tpu.memory_space<hbm>> -> memref<40xi32, #tpu.memory_space<hbm>>
        tpu.enqueue_dma source(%dma_start3A_68 : memref<40xi32, #tpu.memory_space<hbm>>) target(%arg12 : memref<40xi32, #tpu.memory_space<vmem>>) target_semaphore(%run_scoped3A : memref<!tpu.dma_semaphore, #tpu.memory_space<semaphore_mem>>)
        %dma_wait3A_69 = tpu.memref_slice %arg4[%add3A_29] : memref<160000xi32, #tpu.memory_space<hbm>> -> memref<40xi32, #tpu.memory_space<hbm>>
        %dma_wait3A_70 = tpu.memref_slice %arg4[%add3A_29] : memref<160000xi32, #tpu.memory_space<hbm>> -> memref<40xi32, #tpu.memory_space<hbm>>
        tpu.wait_dma2 semaphore(%run_scoped3A : memref<!tpu.dma_semaphore, #tpu.memory_space<semaphore_mem>>) src(%dma_wait3A_70 : memref<40xi32, #tpu.memory_space<hbm>>) dst(%arg12 : memref<40xi32, #tpu.memory_space<vmem>>)
        tpu.yield
      }) : () -> ()
      %dma_start3A_30 = arith.constant 0 : i32
      %dma_start3A_31 = arith.constant 0 : i32
      %dma_start3A_32 = tpu.memref_slice %arg2[%dma_start3A_30, %dma_start3A_31] : memref<10000x128xf32, #tpu.memory_space<hbm>> -> memref<10000x128xf32, #tpu.memory_space<hbm>>
      tpu.enqueue_indirect_dma source(%dma_start3A_32 : memref<10000x128xf32, #tpu.memory_space<hbm>>) target(%arg13 : memref<40x128xf32, #tpu.memory_space<vmem>>) offsets(%arg11 : memref<40xi32, #tpu.memory_space<vmem>>) semaphore(%arg16 : memref<!tpu.dma_semaphore, #tpu.memory_space<semaphore_mem>>)
      %dma_start3A_33 = arith.constant 0 : i32
      %dma_start3A_34 = arith.constant 0 : i32
      %dma_start3A_35 = tpu.memref_slice %arg2[%dma_start3A_33, %dma_start3A_34] : memref<10000x128xf32, #tpu.memory_space<hbm>> -> memref<10000x128xf32, #tpu.memory_space<hbm>>
      tpu.enqueue_indirect_dma source(%dma_start3A_35 : memref<10000x128xf32, #tpu.memory_space<hbm>>) target(%arg14 : memref<40x128xf32, #tpu.memory_space<vmem>>) offsets(%arg12 : memref<40xi32, #tpu.memory_space<vmem>>) semaphore(%arg16 : memref<!tpu.dma_semaphore, #tpu.memory_space<semaphore_mem>>)
      %dma_wait3A_36 = arith.constant 0 : i32
      %dma_wait3A_37 = arith.constant 0 : i32
      %dma_wait3A_38 = tpu.memref_slice %arg2[%dma_wait3A_36, %dma_wait3A_37] : memref<10000x128xf32, #tpu.memory_space<hbm>> -> memref<10000x128xf32, #tpu.memory_space<hbm>>
      tpu.wait_indirect_dma semaphore(%arg15 : memref<!tpu.dma_semaphore, #tpu.memory_space<semaphore_mem>>) src(%dma_wait3A_38 : memref<10000x128xf32, #tpu.memory_space<hbm>>) dst(%arg9 : memref<40x128xf32, #tpu.memory_space<vmem>>)
      %dma_wait3A_39 = arith.constant 0 : i32
      %dma_wait3A_40 = arith.constant 0 : i32
      %dma_wait3A_41 = tpu.memref_slice %arg2[%dma_wait3A_39, %dma_wait3A_40] : memref<10000x128xf32, #tpu.memory_space<hbm>> -> memref<10000x128xf32, #tpu.memory_space<hbm>>
      tpu.wait_indirect_dma semaphore(%arg15 : memref<!tpu.dma_semaphore, #tpu.memory_space<semaphore_mem>>) src(%dma_wait3A_41 : memref<10000x128xf32, #tpu.memory_space<hbm>>) dst(%arg10 : memref<40x128xf32, #tpu.memory_space<vmem>>)
      %mul3A_42 = arith.constant 40 : i32
      %mul3A_43 = arith.muli %mul3A_24, %mul3A_42 : i32
      %add3A_44 = arith.addi %mul3A_2, %mul3A_43 : i32
      "tpu.region"() ({
        %run_scoped3A = tpu.sem_alloc : memref<!tpu.dma_semaphore, #tpu.memory_space<semaphore_mem>>
        %dma_start3A_67 = arith.constant 0 : i32
        %dma_start3A_68 = tpu.memref_slice %arg5[%add3A_44, %dma_start3A_67] : memref<160000x128xf32, #tpu.memory_space<hbm>> -> memref<40x128xf32, #tpu.memory_space<hbm>>
        %dma_start3A_69 = arith.constant 0 : i32
        %dma_start3A_70 = tpu.memref_slice %arg5[%add3A_44, %dma_start3A_69] : memref<160000x128xf32, #tpu.memory_space<hbm>> -> memref<40x128xf32, #tpu.memory_space<hbm>>
        tpu.enqueue_dma source(%arg9 : memref<40x128xf32, #tpu.memory_space<vmem>>) target(%dma_start3A_70 : memref<40x128xf32, #tpu.memory_space<hbm>>) target_semaphore(%run_scoped3A : memref<!tpu.dma_semaphore, #tpu.memory_space<semaphore_mem>>)
        %dma_wait3A_71 = arith.constant 0 : i32
        %dma_wait3A_72 = tpu.memref_slice %arg5[%add3A_44, %dma_wait3A_71] : memref<160000x128xf32, #tpu.memory_space<hbm>> -> memref<40x128xf32, #tpu.memory_space<hbm>>
        %dma_wait3A_73 = arith.constant 0 : i32
        %dma_wait3A_74 = tpu.memref_slice %arg5[%add3A_44, %dma_wait3A_73] : memref<160000x128xf32, #tpu.memory_space<hbm>> -> memref<40x128xf32, #tpu.memory_space<hbm>>
        tpu.wait_dma2 semaphore(%run_scoped3A : memref<!tpu.dma_semaphore, #tpu.memory_space<semaphore_mem>>) src(%arg9 : memref<40x128xf32, #tpu.memory_space<vmem>>) dst(%dma_wait3A_74 : memref<40x128xf32, #tpu.memory_space<hbm>>)
        tpu.yield
      }) : () -> ()
      "tpu.region"() ({
        %run_scoped3A = tpu.sem_alloc : memref<!tpu.dma_semaphore, #tpu.memory_space<semaphore_mem>>
        %dma_start3A_67 = arith.constant 0 : i32
        %dma_start3A_68 = tpu.memref_slice %arg6[%add3A_44, %dma_start3A_67] : memref<160000x128xf32, #tpu.memory_space<hbm>> -> memref<40x128xf32, #tpu.memory_space<hbm>>
        %dma_start3A_69 = arith.constant 0 : i32
        %dma_start3A_70 = tpu.memref_slice %arg6[%add3A_44, %dma_start3A_69] : memref<160000x128xf32, #tpu.memory_space<hbm>> -> memref<40x128xf32, #tpu.memory_space<hbm>>
        tpu.enqueue_dma source(%arg10 : memref<40x128xf32, #tpu.memory_space<vmem>>) target(%dma_start3A_70 : memref<40x128xf32, #tpu.memory_space<hbm>>) target_semaphore(%run_scoped3A : memref<!tpu.dma_semaphore, #tpu.memory_space<semaphore_mem>>)
        %dma_wait3A_71 = arith.constant 0 : i32
        %dma_wait3A_72 = tpu.memref_slice %arg6[%add3A_44, %dma_wait3A_71] : memref<160000x128xf32, #tpu.memory_space<hbm>> -> memref<40x128xf32, #tpu.memory_space<hbm>>
        %dma_wait3A_73 = arith.constant 0 : i32
        %dma_wait3A_74 = tpu.memref_slice %arg6[%add3A_44, %dma_wait3A_73] : memref<160000x128xf32, #tpu.memory_space<hbm>> -> memref<40x128xf32, #tpu.memory_space<hbm>>
        tpu.wait_dma2 semaphore(%run_scoped3A : memref<!tpu.dma_semaphore, #tpu.memory_space<semaphore_mem>>) src(%arg10 : memref<40x128xf32, #tpu.memory_space<vmem>>) dst(%dma_wait3A_74 : memref<40x128xf32, #tpu.memory_space<hbm>>)
        tpu.yield
      }) : () -> ()
      %add3A_45 = arith.constant 2 : i32
      %add3A_46 = arith.addi %mul3A_24, %add3A_45 : i32
      %mul3A_47 = arith.constant 40 : i32
      %mul3A_48 = arith.muli %add3A_46, %mul3A_47 : i32
      %add3A_49 = arith.addi %mul3A_2, %mul3A_48 : i32
      "tpu.region"() ({
        %run_scoped3A = tpu.sem_alloc : memref<!tpu.dma_semaphore, #tpu.memory_space<semaphore_mem>>
        %dma_start3A_67 = tpu.memref_slice %arg3[%add3A_49] : memref<160000xi32, #tpu.memory_space<hbm>> -> memref<40xi32, #tpu.memory_space<hbm>>
        %dma_start3A_68 = tpu.memref_slice %arg3[%add3A_49] : memref<160000xi32, #tpu.memory_space<hbm>> -> memref<40xi32, #tpu.memory_space<hbm>>
        tpu.enqueue_dma source(%dma_start3A_68 : memref<40xi32, #tpu.memory_space<hbm>>) target(%arg7 : memref<40xi32, #tpu.memory_space<vmem>>) target_semaphore(%run_scoped3A : memref<!tpu.dma_semaphore, #tpu.memory_space<semaphore_mem>>)
        %dma_wait3A_69 = tpu.memref_slice %arg3[%add3A_49] : memref<160000xi32, #tpu.memory_space<hbm>> -> memref<40xi32, #tpu.memory_space<hbm>>
        %dma_wait3A_70 = tpu.memref_slice %arg3[%add3A_49] : memref<160000xi32, #tpu.memory_space<hbm>> -> memref<40xi32, #tpu.memory_space<hbm>>
        tpu.wait_dma2 semaphore(%run_scoped3A : memref<!tpu.dma_semaphore, #tpu.memory_space<semaphore_mem>>) src(%dma_wait3A_70 : memref<40xi32, #tpu.memory_space<hbm>>) dst(%arg7 : memref<40xi32, #tpu.memory_space<vmem>>)
        tpu.yield
      }) : () -> ()
      "tpu.region"() ({
        %run_scoped3A = tpu.sem_alloc : memref<!tpu.dma_semaphore, #tpu.memory_space<semaphore_mem>>
        %dma_start3A_67 = tpu.memref_slice %arg4[%add3A_49] : memref<160000xi32, #tpu.memory_space<hbm>> -> memref<40xi32, #tpu.memory_space<hbm>>
        %dma_start3A_68 = tpu.memref_slice %arg4[%add3A_49] : memref<160000xi32, #tpu.memory_space<hbm>> -> memref<40xi32, #tpu.memory_space<hbm>>
        tpu.enqueue_dma source(%dma_start3A_68 : memref<40xi32, #tpu.memory_space<hbm>>) target(%arg8 : memref<40xi32, #tpu.memory_space<vmem>>) target_semaphore(%run_scoped3A : memref<!tpu.dma_semaphore, #tpu.memory_space<semaphore_mem>>)
        %dma_wait3A_69 = tpu.memref_slice %arg4[%add3A_49] : memref<160000xi32, #tpu.memory_space<hbm>> -> memref<40xi32, #tpu.memory_space<hbm>>
        %dma_wait3A_70 = tpu.memref_slice %arg4[%add3A_49] : memref<160000xi32, #tpu.memory_space<hbm>> -> memref<40xi32, #tpu.memory_space<hbm>>
        tpu.wait_dma2 semaphore(%run_scoped3A : memref<!tpu.dma_semaphore, #tpu.memory_space<semaphore_mem>>) src(%dma_wait3A_70 : memref<40xi32, #tpu.memory_space<hbm>>) dst(%arg8 : memref<40xi32, #tpu.memory_space<vmem>>)
        tpu.yield
      }) : () -> ()
      %dma_start3A_50 = arith.constant 0 : i32
      %dma_start3A_51 = arith.constant 0 : i32
      %dma_start3A_52 = tpu.memref_slice %arg2[%dma_start3A_50, %dma_start3A_51] : memref<10000x128xf32, #tpu.memory_space<hbm>> -> memref<10000x128xf32, #tpu.memory_space<hbm>>
      tpu.enqueue_indirect_dma source(%dma_start3A_52 : memref<10000x128xf32, #tpu.memory_space<hbm>>) target(%arg9 : memref<40x128xf32, #tpu.memory_space<vmem>>) offsets(%arg7 : memref<40xi32, #tpu.memory_space<vmem>>) semaphore(%arg15 : memref<!tpu.dma_semaphore, #tpu.memory_space<semaphore_mem>>)
      %dma_start3A_53 = arith.constant 0 : i32
      %dma_start3A_54 = arith.constant 0 : i32
      %dma_start3A_55 = tpu.memref_slice %arg2[%dma_start3A_53, %dma_start3A_54] : memref<10000x128xf32, #tpu.memory_space<hbm>> -> memref<10000x128xf32, #tpu.memory_space<hbm>>
      tpu.enqueue_indirect_dma source(%dma_start3A_55 : memref<10000x128xf32, #tpu.memory_space<hbm>>) target(%arg10 : memref<40x128xf32, #tpu.memory_space<vmem>>) offsets(%arg8 : memref<40xi32, #tpu.memory_space<vmem>>) semaphore(%arg15 : memref<!tpu.dma_semaphore, #tpu.memory_space<semaphore_mem>>)
      %add3A_56 = arith.constant 1 : i32
      %add3A_57 = arith.addi %mul3A_24, %add3A_56 : i32
      %dma_wait3A_58 = arith.constant 0 : i32
      %dma_wait3A_59 = arith.constant 0 : i32
      %dma_wait3A_60 = tpu.memref_slice %arg2[%dma_wait3A_58, %dma_wait3A_59] : memref<10000x128xf32, #tpu.memory_space<hbm>> -> memref<10000x128xf32, #tpu.memory_space<hbm>>
      tpu.wait_indirect_dma semaphore(%arg16 : memref<!tpu.dma_semaphore, #tpu.memory_space<semaphore_mem>>) src(%dma_wait3A_60 : memref<10000x128xf32, #tpu.memory_space<hbm>>) dst(%arg13 : memref<40x128xf32, #tpu.memory_space<vmem>>)
      %dma_wait3A_61 = arith.constant 0 : i32
      %dma_wait3A_62 = arith.constant 0 : i32
      %dma_wait3A_63 = tpu.memref_slice %arg2[%dma_wait3A_61, %dma_wait3A_62] : memref<10000x128xf32, #tpu.memory_space<hbm>> -> memref<10000x128xf32, #tpu.memory_space<hbm>>
      tpu.wait_indirect_dma semaphore(%arg16 : memref<!tpu.dma_semaphore, #tpu.memory_space<semaphore_mem>>) src(%dma_wait3A_63 : memref<10000x128xf32, #tpu.memory_space<hbm>>) dst(%arg14 : memref<40x128xf32, #tpu.memory_space<vmem>>)
      %mul3A_64 = arith.constant 40 : i32
      %mul3A_65 = arith.muli %add3A_57, %mul3A_64 : i32
      %add3A_66 = arith.addi %mul3A_2, %mul3A_65 : i32
      "tpu.region"() ({
        %run_scoped3A = tpu.sem_alloc : memref<!tpu.dma_semaphore, #tpu.memory_space<semaphore_mem>>
        %dma_start3A_67 = arith.constant 0 : i32
        %dma_start3A_68 = tpu.memref_slice %arg5[%add3A_66, %dma_start3A_67] : memref<160000x128xf32, #tpu.memory_space<hbm>> -> memref<40x128xf32, #tpu.memory_space<hbm>>
        %dma_start3A_69 = arith.constant 0 : i32
        %dma_start3A_70 = tpu.memref_slice %arg5[%add3A_66, %dma_start3A_69] : memref<160000x128xf32, #tpu.memory_space<hbm>> -> memref<40x128xf32, #tpu.memory_space<hbm>>
        tpu.enqueue_dma source(%arg13 : memref<40x128xf32, #tpu.memory_space<vmem>>) target(%dma_start3A_70 : memref<40x128xf32, #tpu.memory_space<hbm>>) target_semaphore(%run_scoped3A : memref<!tpu.dma_semaphore, #tpu.memory_space<semaphore_mem>>)
        %dma_wait3A_71 = arith.constant 0 : i32
        %dma_wait3A_72 = tpu.memref_slice %arg5[%add3A_66, %dma_wait3A_71] : memref<160000x128xf32, #tpu.memory_space<hbm>> -> memref<40x128xf32, #tpu.memory_space<hbm>>
        %dma_wait3A_73 = arith.constant 0 : i32
        %dma_wait3A_74 = tpu.memref_slice %arg5[%add3A_66, %dma_wait3A_73] : memref<160000x128xf32, #tpu.memory_space<hbm>> -> memref<40x128xf32, #tpu.memory_space<hbm>>
        tpu.wait_dma2 semaphore(%run_scoped3A : memref<!tpu.dma_semaphore, #tpu.memory_space<semaphore_mem>>) src(%arg13 : memref<40x128xf32, #tpu.memory_space<vmem>>) dst(%dma_wait3A_74 : memref<40x128xf32, #tpu.memory_space<hbm>>)
        tpu.yield
      }) : () -> ()
      "tpu.region"() ({
        %run_scoped3A = tpu.sem_alloc : memref<!tpu.dma_semaphore, #tpu.memory_space<semaphore_mem>>
        %dma_start3A_67 = arith.constant 0 : i32
        %dma_start3A_68 = tpu.memref_slice %arg6[%add3A_66, %dma_start3A_67] : memref<160000x128xf32, #tpu.memory_space<hbm>> -> memref<40x128xf32, #tpu.memory_space<hbm>>
        %dma_start3A_69 = arith.constant 0 : i32
        %dma_start3A_70 = tpu.memref_slice %arg6[%add3A_66, %dma_start3A_69] : memref<160000x128xf32, #tpu.memory_space<hbm>> -> memref<40x128xf32, #tpu.memory_space<hbm>>
        tpu.enqueue_dma source(%arg14 : memref<40x128xf32, #tpu.memory_space<vmem>>) target(%dma_start3A_70 : memref<40x128xf32, #tpu.memory_space<hbm>>) target_semaphore(%run_scoped3A : memref<!tpu.dma_semaphore, #tpu.memory_space<semaphore_mem>>)
        %dma_wait3A_71 = arith.constant 0 : i32
        %dma_wait3A_72 = tpu.memref_slice %arg6[%add3A_66, %dma_wait3A_71] : memref<160000x128xf32, #tpu.memory_space<hbm>> -> memref<40x128xf32, #tpu.memory_space<hbm>>
        %dma_wait3A_73 = arith.constant 0 : i32
        %dma_wait3A_74 = tpu.memref_slice %arg6[%add3A_66, %dma_wait3A_73] : memref<160000x128xf32, #tpu.memory_space<hbm>> -> memref<40x128xf32, #tpu.memory_space<hbm>>
        tpu.wait_dma2 semaphore(%run_scoped3A : memref<!tpu.dma_semaphore, #tpu.memory_space<semaphore_mem>>) src(%arg14 : memref<40x128xf32, #tpu.memory_space<vmem>>) dst(%dma_wait3A_74 : memref<40x128xf32, #tpu.memory_space<hbm>>)
        tpu.yield
      }) : () -> ()
    }
    %scan3A_14 = arith.constant 62 : i32
    %dma_wait3A = arith.constant 0 : i32
    %dma_wait3A_15 = arith.constant 0 : i32
    %dma_wait3A_16 = tpu.memref_slice %arg2[%dma_wait3A, %dma_wait3A_15] : memref<10000x128xf32, #tpu.memory_space<hbm>> -> memref<10000x128xf32, #tpu.memory_space<hbm>>
    tpu.wait_indirect_dma semaphore(%arg15 : memref<!tpu.dma_semaphore, #tpu.memory_space<semaphore_mem>>) src(%dma_wait3A_16 : memref<10000x128xf32, #tpu.memory_space<hbm>>) dst(%arg9 : memref<40x128xf32, #tpu.memory_space<vmem>>)
    %dma_wait3A_17 = arith.constant 0 : i32
    %dma_wait3A_18 = arith.constant 0 : i32
    %dma_wait3A_19 = tpu.memref_slice %arg2[%dma_wait3A_17, %dma_wait3A_18] : memref<10000x128xf32, #tpu.memory_space<hbm>> -> memref<10000x128xf32, #tpu.memory_space<hbm>>
    tpu.wait_indirect_dma semaphore(%arg15 : memref<!tpu.dma_semaphore, #tpu.memory_space<semaphore_mem>>) src(%dma_wait3A_19 : memref<10000x128xf32, #tpu.memory_space<hbm>>) dst(%arg10 : memref<40x128xf32, #tpu.memory_space<vmem>>)
    %add3A_20 = arith.constant 4960 : i32
    %add3A_21 = arith.addi %mul3A_2, %add3A_20 : i32
    "tpu.region"() ({
      %run_scoped3A = tpu.sem_alloc : memref<!tpu.dma_semaphore, #tpu.memory_space<semaphore_mem>>
      %dma_start3A_22 = arith.constant 0 : i32
      %dma_start3A_23 = tpu.memref_slice %arg5[%add3A_21, %dma_start3A_22] : memref<160000x128xf32, #tpu.memory_space<hbm>> -> memref<40x128xf32, #tpu.memory_space<hbm>>
      %dma_start3A_24 = arith.constant 0 : i32
      %dma_start3A_25 = tpu.memref_slice %arg5[%add3A_21, %dma_start3A_24] : memref<160000x128xf32, #tpu.memory_space<hbm>> -> memref<40x128xf32, #tpu.memory_space<hbm>>
      tpu.enqueue_dma source(%arg9 : memref<40x128xf32, #tpu.memory_space<vmem>>) target(%dma_start3A_25 : memref<40x128xf32, #tpu.memory_space<hbm>>) target_semaphore(%run_scoped3A : memref<!tpu.dma_semaphore, #tpu.memory_space<semaphore_mem>>)
      %dma_wait3A_26 = arith.constant 0 : i32
      %dma_wait3A_27 = tpu.memref_slice %arg5[%add3A_21, %dma_wait3A_26] : memref<160000x128xf32, #tpu.memory_space<hbm>> -> memref<40x128xf32, #tpu.memory_space<hbm>>
      %dma_wait3A_28 = arith.constant 0 : i32
      %dma_wait3A_29 = tpu.memref_slice %arg5[%add3A_21, %dma_wait3A_28] : memref<160000x128xf32, #tpu.memory_space<hbm>> -> memref<40x128xf32, #tpu.memory_space<hbm>>
      tpu.wait_dma2 semaphore(%run_scoped3A : memref<!tpu.dma_semaphore, #tpu.memory_space<semaphore_mem>>) src(%arg9 : memref<40x128xf32, #tpu.memory_space<vmem>>) dst(%dma_wait3A_29 : memref<40x128xf32, #tpu.memory_space<hbm>>)
      tpu.yield
    }) : () -> ()
    "tpu.region"() ({
      %run_scoped3A = tpu.sem_alloc : memref<!tpu.dma_semaphore, #tpu.memory_space<semaphore_mem>>
      %dma_start3A_22 = arith.constant 0 : i32
      %dma_start3A_23 = tpu.memref_slice %arg6[%add3A_21, %dma_start3A_22] : memref<160000x128xf32, #tpu.memory_space<hbm>> -> memref<40x128xf32, #tpu.memory_space<hbm>>
      %dma_start3A_24 = arith.constant 0 : i32
      %dma_start3A_25 = tpu.memref_slice %arg6[%add3A_21, %dma_start3A_24] : memref<160000x128xf32, #tpu.memory_space<hbm>> -> memref<40x128xf32, #tpu.memory_space<hbm>>
      tpu.enqueue_dma source(%arg10 : memref<40x128xf32, #tpu.memory_space<vmem>>) target(%dma_start3A_25 : memref<40x128xf32, #tpu.memory_space<hbm>>) target_semaphore(%run_scoped3A : memref<!tpu.dma_semaphore, #tpu.memory_space<semaphore_mem>>)
      %dma_wait3A_26 = arith.constant 0 : i32
      %dma_wait3A_27 = tpu.memref_slice %arg6[%add3A_21, %dma_wait3A_26] : memref<160000x128xf32, #tpu.memory_space<hbm>> -> memref<40x128xf32, #tpu.memory_space<hbm>>
      %dma_wait3A_28 = arith.constant 0 : i32
      %dma_wait3A_29 = tpu.memref_slice %arg6[%add3A_21, %dma_wait3A_28] : memref<160000x128xf32, #tpu.memory_space<hbm>> -> memref<40x128xf32, #tpu.memory_space<hbm>>
      tpu.wait_dma2 semaphore(%run_scoped3A : memref<!tpu.dma_semaphore, #tpu.memory_space<semaphore_mem>>) src(%arg10 : memref<40x128xf32, #tpu.memory_space<vmem>>) dst(%dma_wait3A_29 : memref<40x128xf32, #tpu.memory_space<hbm>>)
      tpu.yield
    }) : () -> ()
    return
  }
}

module attributes {stable_mosaic.version = 14 : i64} {
  func.func @_node_linear_body(%arg0: memref<10000x128xf32, #tpu.memory_space<vmem>>, %arg1: memref<128x128xf32, #tpu.memory_space<vmem>>, %arg2: memref<1x128xf32, #tpu.memory_space<vmem>>, %arg3: memref<10000x128xf32, #tpu.memory_space<vmem>>) attributes {dimension_semantics = [], scalar_prefetch = 0 : i64, scratch_operands = 0 : i64, tpu.core_type = #tpu.core_type<tc>} {
    %get3A = arith.constant 0 : index
    %get3A_0 = arith.constant 0 : index
    %get3A_1 = vector.load %arg0[%get3A, %get3A_0] : memref<10000x128xf32, #tpu.memory_space<vmem>>, vector<10000x128xf32>
    %iota3A = tpu.iota {dimensions = array<i32: 1>} : vector<10000x128xi32>
    %ge3A = arith.constant 1 : i32
    %ge3A_2 = vector.broadcast %ge3A : i32 to vector<10000x128xi32>
    %ge3A_3 = arith.cmpi sge, %iota3A, %ge3A_2 : vector<10000x128xi32>
    %slice3A = vector.extract_strided_slice %get3A_1 {offsets = [0, 0], sizes = [10000, 1], strides = [1, 1]} : vector<10000x128xf32> to vector<10000x1xf32>
    %max3A = arith.constant 1.00000012 : f32
    %max3A_4 = vector.broadcast %max3A : f32 to vector<10000x1xf32>
    %max3A_5 = arith.maximumf %slice3A, %max3A_4 : vector<10000x1xf32>
    %sub3A = arith.constant 1.000000e+00 : f32
    %sub3A_6 = vector.broadcast %sub3A : f32 to vector<10000x1xf32>
    %sub3A_7 = arith.subf %max3A_5, %sub3A_6 : vector<10000x1xf32>
    %add3A = arith.constant 1.000000e+00 : f32
    %add3A_8 = vector.broadcast %add3A : f32 to vector<10000x1xf32>
    %add3A_9 = arith.addf %max3A_5, %add3A_8 : vector<10000x1xf32>
    %mul3A = arith.mulf %sub3A_7, %add3A_9 : vector<10000x1xf32>
    %sqrt3A = math.sqrt %mul3A : vector<10000x1xf32>
    %add3A_10 = arith.addf %max3A_5, %sqrt3A : vector<10000x1xf32>
    %log3A = math.log %add3A_10 : vector<10000x1xf32>
    %mul3A_11 = arith.mulf %get3A_1, %get3A_1 : vector<10000x128xf32>
    %jit3A = arith.constant 0.000000e+00 : f32
    %broadcast_in_dim3A = vector.broadcast %jit3A : f32 to vector<10000x128xf32>
    %select_n3A = arith.select %ge3A_3, %mul3A_11, %broadcast_in_dim3A : vector<10000x128xi1>, vector<10000x128xf32>
    %reduce_sum3A = arith.constant dense<0.000000e+00> : vector<10000xf32>
    %reduce_sum3A_12 = vector.multi_reduction <add>, %select_n3A, %reduce_sum3A [1] : vector<10000x128xf32> to vector<10000xf32>
    %broadcast_in_dim3A_13 = vector.shape_cast %reduce_sum3A_12 : vector<10000xf32> to vector<10000x1xf32>
    %sqrt3A_14 = math.sqrt %broadcast_in_dim3A_13 : vector<10000x1xf32>
    %max3A_15 = arith.constant 9.99999993E-9 : f32
    %max3A_16 = vector.broadcast %max3A_15 : f32 to vector<10000x1xf32>
    %max3A_17 = arith.maximumf %sqrt3A_14, %max3A_16 : vector<10000x1xf32>
    %div3A = arith.divf %log3A, %max3A_17 : vector<10000x1xf32>
    %mul3A_18 = vector.broadcast %div3A : vector<10000x1xf32> to vector<10000x128xf32>
    %mul3A_19 = arith.mulf %get3A_1, %mul3A_18 : vector<10000x128xf32>
    %jit3A_20 = arith.constant 0.000000e+00 : f32
    %broadcast_in_dim3A_21 = vector.broadcast %jit3A_20 : f32 to vector<10000x128xf32>
    %select_n3A_22 = arith.select %ge3A_3, %mul3A_19, %broadcast_in_dim3A_21 : vector<10000x128xi1>, vector<10000x128xf32>
    %get3A_23 = arith.constant 0 : index
    %get3A_24 = arith.constant 0 : index
    %get3A_25 = vector.load %arg1[%get3A_23, %get3A_24] : memref<128x128xf32, #tpu.memory_space<vmem>>, vector<128x128xf32>
    %dot_general3A = arith.constant dense<0.000000e+00> : vector<10000x128xf32>
    %dot_general3A_26 = tpu.matmul %select_n3A_22, %get3A_25, %dot_general3A {dimension_numbers = #tpu.dot_dimension_numbers<[1], [0], [0], [1], [0, 0, 1, 1], [], []>, transpose_lhs_hint = false} : vector<10000x128xf32>, vector<128x128xf32>, vector<10000x128xf32> -> vector<10000x128xf32>
    %mul3A_27 = arith.mulf %dot_general3A_26, %dot_general3A_26 : vector<10000x128xf32>
    %jit3A_28 = arith.constant 0.000000e+00 : f32
    %broadcast_in_dim3A_29 = vector.broadcast %jit3A_28 : f32 to vector<10000x128xf32>
    %select_n3A_30 = arith.select %ge3A_3, %mul3A_27, %broadcast_in_dim3A_29 : vector<10000x128xi1>, vector<10000x128xf32>
    %reduce_sum3A_31 = arith.constant dense<0.000000e+00> : vector<10000xf32>
    %reduce_sum3A_32 = vector.multi_reduction <add>, %select_n3A_30, %reduce_sum3A_31 [1] : vector<10000x128xf32> to vector<10000xf32>
    %broadcast_in_dim3A_33 = vector.shape_cast %reduce_sum3A_32 : vector<10000xf32> to vector<10000x1xf32>
    %sqrt3A_34 = math.sqrt %broadcast_in_dim3A_33 : vector<10000x1xf32>
    %max3A_35 = arith.constant 9.99999993E-9 : f32
    %max3A_36 = vector.broadcast %max3A_35 : f32 to vector<10000x1xf32>
    %max3A_37 = arith.maximumf %sqrt3A_34, %max3A_36 : vector<10000x1xf32>
    %exp3A = math.exp %max3A_37 : vector<10000x1xf32>
    %div3A_38 = arith.constant 1.000000e+00 : f32
    %div3A_39 = vector.broadcast %div3A_38 : f32 to vector<10000x1xf32>
    %div3A_40 = arith.divf %div3A_39, %exp3A : vector<10000x1xf32>
    %add3A_41 = arith.addf %exp3A, %div3A_40 : vector<10000x1xf32>
    %mul3A_42 = arith.constant 5.000000e-01 : f32
    %mul3A_43 = vector.broadcast %mul3A_42 : f32 to vector<10000x1xf32>
    %mul3A_44 = arith.mulf %mul3A_43, %add3A_41 : vector<10000x1xf32>
    %sub3A_45 = arith.subf %exp3A, %div3A_40 : vector<10000x1xf32>
    %mul3A_46 = arith.constant 5.000000e-01 : f32
    %mul3A_47 = vector.broadcast %mul3A_46 : f32 to vector<10000x1xf32>
    %mul3A_48 = arith.mulf %mul3A_47, %sub3A_45 : vector<10000x1xf32>
    %div3A_49 = arith.divf %mul3A_48, %max3A_37 : vector<10000x1xf32>
    %mul3A_50 = vector.broadcast %div3A_49 : vector<10000x1xf32> to vector<10000x128xf32>
    %mul3A_51 = arith.mulf %dot_general3A_26, %mul3A_50 : vector<10000x128xf32>
    %broadcast_in_dim3A_52 = vector.shape_cast %mul3A_44 : vector<10000x1xf32> to vector<10000x1xf32>
    %broadcast_in_dim3A_53 = vector.broadcast %broadcast_in_dim3A_52 : vector<10000x1xf32> to vector<10000x128xf32>
    %select_n3A_54 = arith.select %ge3A_3, %mul3A_51, %broadcast_in_dim3A_53 : vector<10000x128xi1>, vector<10000x128xf32>
    %get3A_55 = arith.constant 0 : index
    %get3A_56 = arith.constant 0 : index
    %get3A_57 = vector.load %arg2[%get3A_55, %get3A_56] : memref<1x128xf32, #tpu.memory_space<vmem>>, vector<1x128xf32>
    %mul3A_58 = vector.broadcast %get3A_57 : vector<1x128xf32> to vector<10000x128xf32>
    %mul3A_59 = arith.mulf %select_n3A_54, %mul3A_58 : vector<10000x128xf32>
    %jit3A_60 = arith.constant 0.000000e+00 : f32
    %broadcast_in_dim3A_61 = vector.broadcast %jit3A_60 : f32 to vector<10000x128xf32>
    %select_n3A_62 = arith.select %ge3A_3, %mul3A_59, %broadcast_in_dim3A_61 : vector<10000x128xi1>, vector<10000x128xf32>
    %reduce_sum3A_63 = arith.constant dense<0.000000e+00> : vector<10000xf32>
    %reduce_sum3A_64 = vector.multi_reduction <add>, %select_n3A_62, %reduce_sum3A_63 [1] : vector<10000x128xf32> to vector<10000xf32>
    %broadcast_in_dim3A_65 = vector.shape_cast %reduce_sum3A_64 : vector<10000xf32> to vector<10000x1xf32>
    %slice3A_66 = vector.extract_strided_slice %select_n3A_54 {offsets = [0, 0], sizes = [10000, 1], strides = [1, 1]} : vector<10000x128xf32> to vector<10000x1xf32>
    %add3A_67 = arith.constant 1.000000e+00 : f32
    %add3A_68 = vector.broadcast %add3A_67 : f32 to vector<10000x1xf32>
    %add3A_69 = arith.addf %add3A_68, %slice3A_66 : vector<10000x1xf32>
    %div3A_70 = arith.divf %broadcast_in_dim3A_65, %add3A_69 : vector<10000x1xf32>
    %mul3A_71 = vector.broadcast %div3A_70 : vector<10000x1xf32> to vector<10000x128xf32>
    %mul3A_72 = arith.mulf %mul3A_71, %select_n3A_54 : vector<10000x128xf32>
    %add3A_73 = vector.broadcast %get3A_57 : vector<1x128xf32> to vector<10000x128xf32>
    %add3A_74 = arith.addf %add3A_73, %mul3A_72 : vector<10000x128xf32>
    %broadcast_in_dim3A_75 = vector.shape_cast %broadcast_in_dim3A_65 : vector<10000x1xf32> to vector<10000x1xf32>
    %broadcast_in_dim3A_76 = vector.broadcast %broadcast_in_dim3A_75 : vector<10000x1xf32> to vector<10000x128xf32>
    %select_n3A_77 = arith.select %ge3A_3, %add3A_74, %broadcast_in_dim3A_76 : vector<10000x128xi1>, vector<10000x128xf32>
    %mul3A_78 = arith.mulf %select_n3A_77, %select_n3A_77 : vector<10000x128xf32>
    %mul3A_79 = arith.mulf %select_n3A_77, %select_n3A_77 : vector<10000x128xf32>
    %neg3A = arith.constant 0.000000e+00 : f32
    %neg3A_80 = vector.broadcast %neg3A : f32 to vector<10000x128xf32>
    %neg3A_81 = arith.subf %neg3A_80, %mul3A_79 : vector<10000x128xf32>
    %select_n3A_82 = arith.select %ge3A_3, %mul3A_78, %neg3A_81 : vector<10000x128xi1>, vector<10000x128xf32>
    %reduce_sum3A_83 = arith.constant dense<0.000000e+00> : vector<10000xf32>
    %reduce_sum3A_84 = vector.multi_reduction <add>, %select_n3A_82, %reduce_sum3A_83 [1] : vector<10000x128xf32> to vector<10000xf32>
    %broadcast_in_dim3A_85 = vector.shape_cast %reduce_sum3A_84 : vector<10000xf32> to vector<10000x1xf32>
    %max3A_86 = arith.constant 9.99999996E-13 : f32
    %max3A_87 = vector.broadcast %max3A_86 : f32 to vector<10000x1xf32>
    %max3A_88 = arith.maximumf %broadcast_in_dim3A_85, %max3A_87 : vector<10000x1xf32>
    %sqrt3A_89 = math.sqrt %max3A_88 : vector<10000x1xf32>
    %exp3A_90 = math.exp %sqrt3A_89 : vector<10000x1xf32>
    %div3A_91 = arith.constant 1.000000e+00 : f32
    %div3A_92 = vector.broadcast %div3A_91 : f32 to vector<10000x1xf32>
    %div3A_93 = arith.divf %div3A_92, %exp3A_90 : vector<10000x1xf32>
    %add3A_94 = arith.addf %exp3A_90, %div3A_93 : vector<10000x1xf32>
    %mul3A_95 = arith.constant 5.000000e-01 : f32
    %mul3A_96 = vector.broadcast %mul3A_95 : f32 to vector<10000x1xf32>
    %mul3A_97 = arith.mulf %mul3A_96, %add3A_94 : vector<10000x1xf32>
    %sub3A_98 = arith.subf %exp3A_90, %div3A_93 : vector<10000x1xf32>
    %mul3A_99 = arith.constant 5.000000e-01 : f32
    %mul3A_100 = vector.broadcast %mul3A_99 : f32 to vector<10000x1xf32>
    %mul3A_101 = arith.mulf %mul3A_100, %sub3A_98 : vector<10000x1xf32>
    %mul3A_102 = vector.broadcast %mul3A_97 : vector<10000x1xf32> to vector<10000x128xf32>
    %mul3A_103 = arith.mulf %mul3A_102, %select_n3A_54 : vector<10000x128xf32>
    %div3A_104 = arith.divf %mul3A_101, %sqrt3A_89 : vector<10000x1xf32>
    %mul3A_105 = vector.broadcast %div3A_104 : vector<10000x1xf32> to vector<10000x128xf32>
    %mul3A_106 = arith.mulf %mul3A_105, %select_n3A_77 : vector<10000x128xf32>
    %add3A_107 = arith.addf %mul3A_103, %mul3A_106 : vector<10000x128xf32>
    %swap3A = arith.constant 0 : index
    %swap3A_108 = arith.constant 0 : index
    %swap3A_109 = vector.load %arg3[%swap3A, %swap3A_108] : memref<10000x128xf32, #tpu.memory_space<vmem>>, vector<10000x128xf32>
    tpu.vector_store %arg3[%swap3A, %swap3A_108], %add3A_107 {strides = array<i32>} : memref<10000x128xf32, #tpu.memory_space<vmem>>, vector<10000x128xf32>,
    return
  }
}

module attributes {stable_mosaic.version = 14 : i64} {
  func.func @_edge_body(%arg0: i32, %arg1: memref<2000x128xf32, #tpu.memory_space<vmem>>, %arg2: memref<2000x128xf32, #tpu.memory_space<vmem>>, %arg3: memref<2000x8xf32, #tpu.memory_space<vmem>>, %arg4: memref<2000x1xf32, #tpu.memory_space<vmem>>, %arg5: memref<128x128xf32, #tpu.memory_space<vmem>>, %arg6: memref<128x128xf32, #tpu.memory_space<vmem>>, %arg7: memref<8x128xf32, #tpu.memory_space<vmem>>, %arg8: memref<1x128xf32, #tpu.memory_space<vmem>>, %arg9: memref<1x128xf32, #tpu.memory_space<vmem>>, %arg10: memref<1x128xf32, #tpu.memory_space<vmem>>, %arg11: memref<2000x128xf32, #tpu.memory_space<vmem>>) attributes {dimension_semantics = [#tpu.dimension_semantics<arbitrary>], iteration_bounds = array<i64: 80>, scalar_prefetch = 0 : i64, scratch_operands = 0 : i64, tpu.core_type = #tpu.core_type<tc>, window_params = [{transform_indices = @transform_0, window_bounds = array<i64: 2000, 128>}, {transform_indices = @transform_1, window_bounds = array<i64: 2000, 128>}, {transform_indices = @transform_2, window_bounds = array<i64: 2000, 8>}, {transform_indices = @transform_3, window_bounds = array<i64: 2000, 1>}, {pipeline_mode = #tpu.pipeline_mode<synchronous>, transform_indices = @transform_4, window_bounds = array<i64: 128, 128>}, {pipeline_mode = #tpu.pipeline_mode<synchronous>, transform_indices = @transform_5, window_bounds = array<i64: 128, 128>}, {pipeline_mode = #tpu.pipeline_mode<synchronous>, transform_indices = @transform_6, window_bounds = array<i64: 8, 128>}, {pipeline_mode = #tpu.pipeline_mode<synchronous>, transform_indices = @transform_7, window_bounds = array<i64: 1, 128>}, {pipeline_mode = #tpu.pipeline_mode<synchronous>, transform_indices = @transform_8, window_bounds = array<i64: 1, 128>}, {pipeline_mode = #tpu.pipeline_mode<synchronous>, transform_indices = @transform_9, window_bounds = array<i64: 1, 128>}, {transform_indices = @transform_10, window_bounds = array<i64: 2000, 128>}]} {
    %get3A = arith.constant 0 : index
    %get3A_0 = arith.constant 0 : index
    %get3A_1 = vector.load %arg1[%get3A, %get3A_0] : memref<2000x128xf32, #tpu.memory_space<vmem>>, vector<2000x128xf32>
    %get3A_2 = arith.constant 0 : index
    %get3A_3 = arith.constant 0 : index
    %get3A_4 = vector.load %arg2[%get3A_2, %get3A_3] : memref<2000x128xf32, #tpu.memory_space<vmem>>, vector<2000x128xf32>
    %slice3A = vector.extract_strided_slice %get3A_1 {offsets = [0, 0], sizes = [2000, 1], strides = [1, 1]} : vector<2000x128xf32> to vector<2000x1xf32>
    %max3A = arith.constant 1.00000012 : f32
    %max3A_5 = vector.broadcast %max3A : f32 to vector<2000x1xf32>
    %max3A_6 = arith.maximumf %slice3A, %max3A_5 : vector<2000x1xf32>
    %sub3A = arith.constant 1.000000e+00 : f32
    %sub3A_7 = vector.broadcast %sub3A : f32 to vector<2000x1xf32>
    %sub3A_8 = arith.subf %max3A_6, %sub3A_7 : vector<2000x1xf32>
    %add3A = arith.constant 1.000000e+00 : f32
    %add3A_9 = vector.broadcast %add3A : f32 to vector<2000x1xf32>
    %add3A_10 = arith.addf %max3A_6, %add3A_9 : vector<2000x1xf32>
    %mul3A = arith.mulf %sub3A_8, %add3A_10 : vector<2000x1xf32>
    %sqrt3A = math.sqrt %mul3A : vector<2000x1xf32>
    %add3A_11 = arith.addf %max3A_6, %sqrt3A : vector<2000x1xf32>
    %log3A = math.log %add3A_11 : vector<2000x1xf32>
    %max3A_12 = arith.constant 9.99999993E-9 : f32
    %max3A_13 = vector.broadcast %max3A_12 : f32 to vector<2000x1xf32>
    %max3A_14 = arith.maximumf %sqrt3A, %max3A_13 : vector<2000x1xf32>
    %div3A = arith.divf %log3A, %max3A_14 : vector<2000x1xf32>
    %mul3A_15 = vector.broadcast %div3A : vector<2000x1xf32> to vector<2000x128xf32>
    %mul3A_16 = arith.mulf %get3A_1, %mul3A_15 : vector<2000x128xf32>
    %slice3A_17 = vector.extract_strided_slice %get3A_4 {offsets = [0, 0], sizes = [2000, 1], strides = [1, 1]} : vector<2000x128xf32> to vector<2000x1xf32>
    %max3A_18 = arith.constant 1.00000012 : f32
    %max3A_19 = vector.broadcast %max3A_18 : f32 to vector<2000x1xf32>
    %max3A_20 = arith.maximumf %slice3A_17, %max3A_19 : vector<2000x1xf32>
    %sub3A_21 = arith.constant 1.000000e+00 : f32
    %sub3A_22 = vector.broadcast %sub3A_21 : f32 to vector<2000x1xf32>
    %sub3A_23 = arith.subf %max3A_20, %sub3A_22 : vector<2000x1xf32>
    %add3A_24 = arith.constant 1.000000e+00 : f32
    %add3A_25 = vector.broadcast %add3A_24 : f32 to vector<2000x1xf32>
    %add3A_26 = arith.addf %max3A_20, %add3A_25 : vector<2000x1xf32>
    %mul3A_27 = arith.mulf %sub3A_23, %add3A_26 : vector<2000x1xf32>
    %sqrt3A_28 = math.sqrt %mul3A_27 : vector<2000x1xf32>
    %add3A_29 = arith.addf %max3A_20, %sqrt3A_28 : vector<2000x1xf32>
    %log3A_30 = math.log %add3A_29 : vector<2000x1xf32>
    %max3A_31 = arith.constant 9.99999993E-9 : f32
    %max3A_32 = vector.broadcast %max3A_31 : f32 to vector<2000x1xf32>
    %max3A_33 = arith.maximumf %sqrt3A_28, %max3A_32 : vector<2000x1xf32>
    %div3A_34 = arith.divf %log3A_30, %max3A_33 : vector<2000x1xf32>
    %mul3A_35 = vector.broadcast %div3A_34 : vector<2000x1xf32> to vector<2000x128xf32>
    %mul3A_36 = arith.mulf %get3A_4, %mul3A_35 : vector<2000x128xf32>
    %get3A_37 = arith.constant 0 : index
    %get3A_38 = arith.constant 0 : index
    %get3A_39 = vector.load %arg5[%get3A_37, %get3A_38] : memref<128x128xf32, #tpu.memory_space<vmem>>, vector<128x128xf32>
    %dot_general3A = arith.constant dense<0.000000e+00> : vector<2000x128xf32>
    %dot_general3A_40 = tpu.matmul %mul3A_16, %get3A_39, %dot_general3A {dimension_numbers = #tpu.dot_dimension_numbers<[1], [0], [0], [1], [0, 0, 1, 1], [], []>, transpose_lhs_hint = false} : vector<2000x128xf32>, vector<128x128xf32>, vector<2000x128xf32> -> vector<2000x128xf32>
    %get3A_41 = arith.constant 0 : index
    %get3A_42 = arith.constant 0 : index
    %get3A_43 = vector.load %arg6[%get3A_41, %get3A_42] : memref<128x128xf32, #tpu.memory_space<vmem>>, vector<128x128xf32>
    %dot_general3A_44 = arith.constant dense<0.000000e+00> : vector<2000x128xf32>
    %dot_general3A_45 = tpu.matmul %mul3A_36, %get3A_43, %dot_general3A_44 {dimension_numbers = #tpu.dot_dimension_numbers<[1], [0], [0], [1], [0, 0, 1, 1], [], []>, transpose_lhs_hint = false} : vector<2000x128xf32>, vector<128x128xf32>, vector<2000x128xf32> -> vector<2000x128xf32>
    %add3A_46 = arith.addf %dot_general3A_40, %dot_general3A_45 : vector<2000x128xf32>
    %get3A_47 = arith.constant 0 : index
    %get3A_48 = arith.constant 0 : index
    %get3A_49 = vector.load %arg3[%get3A_47, %get3A_48] : memref<2000x8xf32, #tpu.memory_space<vmem>>, vector<2000x8xf32>
    %get3A_50 = arith.constant 0 : index
    %get3A_51 = arith.constant 0 : index
    %get3A_52 = vector.load %arg7[%get3A_50, %get3A_51] : memref<8x128xf32, #tpu.memory_space<vmem>>, vector<8x128xf32>
    %dot_general3A_53 = arith.constant dense<0.000000e+00> : vector<2000x128xf32>
    %dot_general3A_54 = tpu.matmul %get3A_49, %get3A_52, %dot_general3A_53 {dimension_numbers = #tpu.dot_dimension_numbers<[1], [0], [0], [1], [0, 0, 1, 1], [], []>, transpose_lhs_hint = false} : vector<2000x8xf32>, vector<8x128xf32>, vector<2000x128xf32> -> vector<2000x128xf32>
    %add3A_55 = arith.addf %add3A_46, %dot_general3A_54 : vector<2000x128xf32>
    %get3A_56 = arith.constant 0 : index
    %get3A_57 = arith.constant 0 : index
    %get3A_58 = vector.load %arg8[%get3A_56, %get3A_57] : memref<1x128xf32, #tpu.memory_space<vmem>>, vector<1x128xf32>
    %add3A_59 = vector.broadcast %get3A_58 : vector<1x128xf32> to vector<2000x128xf32>
    %add3A_60 = arith.addf %add3A_55, %add3A_59 : vector<2000x128xf32>
    %neg3A = arith.constant 0.000000e+00 : f32
    %neg3A_61 = vector.broadcast %neg3A : f32 to vector<2000x128xf32>
    %neg3A_62 = arith.subf %neg3A_61, %add3A_60 : vector<2000x128xf32>
    %exp3A = math.exp %neg3A_62 : vector<2000x128xf32>
    %add3A_63 = arith.constant 1.000000e+00 : f32
    %add3A_64 = vector.broadcast %add3A_63 : f32 to vector<2000x128xf32>
    %add3A_65 = arith.addf %add3A_64, %exp3A : vector<2000x128xf32>
    %div3A_66 = arith.divf %add3A_60, %add3A_65 : vector<2000x128xf32>
    %get3A_67 = arith.constant 0 : index
    %get3A_68 = arith.constant 0 : index
    %get3A_69 = vector.load %arg9[%get3A_67, %get3A_68] : memref<1x128xf32, #tpu.memory_space<vmem>>, vector<1x128xf32>
    %mul3A_70 = vector.broadcast %get3A_69 : vector<1x128xf32> to vector<2000x128xf32>
    %mul3A_71 = arith.mulf %div3A_66, %mul3A_70 : vector<2000x128xf32>
    %reduce_sum3A = arith.constant dense<0.000000e+00> : vector<2000xf32>
    %reduce_sum3A_72 = vector.multi_reduction <add>, %mul3A_71, %reduce_sum3A [1] : vector<2000x128xf32> to vector<2000xf32>
    %broadcast_in_dim3A = vector.shape_cast %reduce_sum3A_72 : vector<2000xf32> to vector<2000x1xf32>
    %get3A_73 = arith.constant 0 : index
    %get3A_74 = arith.constant 0 : index
    %get3A_75 = vector.load %arg10[%get3A_73, %get3A_74] : memref<1x128xf32, #tpu.memory_space<vmem>>, vector<1x128xf32>
    %slice3A_76 = vector.extract_strided_slice %get3A_75 {offsets = [0, 0], sizes = [1, 1], strides = [1, 1]} : vector<1x128xf32> to vector<1x1xf32>
    %add3A_77 = vector.broadcast %slice3A_76 : vector<1x1xf32> to vector<2000x1xf32>
    %add3A_78 = arith.addf %broadcast_in_dim3A, %add3A_77 : vector<2000x1xf32>
    %get3A_79 = arith.constant 0 : index
    %get3A_80 = arith.constant 0 : index
    %get3A_81 = vector.load %arg4[%get3A_79, %get3A_80] : memref<2000x1xf32, #tpu.memory_space<vmem>>, vector<2000x1xf32>
    %neg3A_82 = arith.constant 0.000000e+00 : f32
    %neg3A_83 = vector.broadcast %neg3A_82 : f32 to vector<2000x1xf32>
    %neg3A_84 = arith.subf %neg3A_83, %add3A_78 : vector<2000x1xf32>
    %exp3A_85 = math.exp %neg3A_84 : vector<2000x1xf32>
    %add3A_86 = arith.constant 1.000000e+00 : f32
    %add3A_87 = vector.broadcast %add3A_86 : f32 to vector<2000x1xf32>
    %add3A_88 = arith.addf %add3A_87, %exp3A_85 : vector<2000x1xf32>
    %div3A_89 = arith.divf %get3A_81, %add3A_88 : vector<2000x1xf32>
    %slice3A_90 = vector.extract_strided_slice %get3A_1 {offsets = [0, 0], sizes = [2000, 1], strides = [1, 1]} : vector<2000x128xf32> to vector<2000x1xf32>
    %mul3A_91 = arith.constant 2.000000e+00 : f32
    %mul3A_92 = vector.broadcast %mul3A_91 : f32 to vector<2000x1xf32>
    %mul3A_93 = arith.mulf %mul3A_92, %slice3A_90 : vector<2000x1xf32>
    %slice3A_94 = vector.extract_strided_slice %get3A_4 {offsets = [0, 0], sizes = [2000, 1], strides = [1, 1]} : vector<2000x128xf32> to vector<2000x1xf32>
    %mul3A_95 = arith.mulf %mul3A_93, %slice3A_94 : vector<2000x1xf32>
    %mul3A_96 = arith.mulf %get3A_1, %get3A_4 : vector<2000x128xf32>
    %reduce_sum3A_97 = arith.constant dense<0.000000e+00> : vector<2000xf32>
    %reduce_sum3A_98 = vector.multi_reduction <add>, %mul3A_96, %reduce_sum3A_97 [1] : vector<2000x128xf32> to vector<2000xf32>
    %broadcast_in_dim3A_99 = vector.shape_cast %reduce_sum3A_98 : vector<2000xf32> to vector<2000x1xf32>
    %sub3A_100 = arith.subf %mul3A_95, %broadcast_in_dim3A_99 : vector<2000x1xf32>
    %max3A_101 = arith.constant 1.00000012 : f32
    %max3A_102 = vector.broadcast %max3A_101 : f32 to vector<2000x1xf32>
    %max3A_103 = arith.maximumf %sub3A_100, %max3A_102 : vector<2000x1xf32>
    %sub3A_104 = arith.constant 1.000000e+00 : f32
    %sub3A_105 = vector.broadcast %sub3A_104 : f32 to vector<2000x1xf32>
    %sub3A_106 = arith.subf %max3A_103, %sub3A_105 : vector<2000x1xf32>
    %add3A_107 = arith.constant 1.000000e+00 : f32
    %add3A_108 = vector.broadcast %add3A_107 : f32 to vector<2000x1xf32>
    %add3A_109 = arith.addf %max3A_103, %add3A_108 : vector<2000x1xf32>
    %mul3A_110 = arith.mulf %sub3A_106, %add3A_109 : vector<2000x1xf32>
    %sqrt3A_111 = math.sqrt %mul3A_110 : vector<2000x1xf32>
    %add3A_112 = arith.addf %max3A_103, %sqrt3A_111 : vector<2000x1xf32>
    %log3A_113 = math.log %add3A_112 : vector<2000x1xf32>
    %mul3A_114 = arith.mulf %div3A_89, %log3A_113 : vector<2000x1xf32>
    %div3A_115 = arith.divf %mul3A_114, %sqrt3A_111 : vector<2000x1xf32>
    %mul3A_116 = vector.broadcast %max3A_103 : vector<2000x1xf32> to vector<2000x128xf32>
    %mul3A_117 = arith.mulf %mul3A_116, %get3A_1 : vector<2000x128xf32>
    %sub3A_118 = arith.subf %get3A_4, %mul3A_117 : vector<2000x128xf32>
    %mul3A_119 = vector.broadcast %div3A_115 : vector<2000x1xf32> to vector<2000x128xf32>
    %mul3A_120 = arith.mulf %mul3A_119, %sub3A_118 : vector<2000x128xf32>
    %swap3A = arith.constant 0 : index
    %swap3A_121 = arith.constant 0 : index
    %swap3A_122 = vector.load %arg11[%swap3A, %swap3A_121] : memref<2000x128xf32, #tpu.memory_space<vmem>>, vector<2000x128xf32>
    tpu.vector_store %arg11[%swap3A, %swap3A_121], %mul3A_120 {strides = array<i32>} : memref<2000x128xf32, #tpu.memory_space<vmem>>, vector<2000x128xf32>,
    return
  }
  func.func @transform_0(%arg0: i32) -> (i32, i32) {
    %c0_i32 = arith.constant 0 : i32
    %c0_i32_0 = arith.constant 0 : i32
    return %arg0, %c0_i32 : i32, i32
  }
  func.func @transform_1(%arg0: i32) -> (i32, i32) {
    %c0_i32 = arith.constant 0 : i32
    %c0_i32_0 = arith.constant 0 : i32
    return %arg0, %c0_i32 : i32, i32
  }
  func.func @transform_2(%arg0: i32) -> (i32, i32) {
    %c0_i32 = arith.constant 0 : i32
    %c0_i32_0 = arith.constant 0 : i32
    return %arg0, %c0_i32 : i32, i32
  }
  func.func @transform_3(%arg0: i32) -> (i32, i32) {
    %c0_i32 = arith.constant 0 : i32
    %c0_i32_0 = arith.constant 0 : i32
    return %arg0, %c0_i32 : i32, i32
  }
  func.func @transform_4(%arg0: i32) -> (i32, i32) {
    %c0_i32 = arith.constant 0 : i32
    %c0_i32_0 = arith.constant 0 : i32
    %c0_i32_1 = arith.constant 0 : i32
    return %c0_i32, %c0_i32_0 : i32, i32
  }
  func.func @transform_5(%arg0: i32) -> (i32, i32) {
    %c0_i32 = arith.constant 0 : i32
    %c0_i32_0 = arith.constant 0 : i32
    %c0_i32_1 = arith.constant 0 : i32
    return %c0_i32, %c0_i32_0 : i32, i32
  }
  func.func @transform_6(%arg0: i32) -> (i32, i32) {
    %c0_i32 = arith.constant 0 : i32
    %c0_i32_0 = arith.constant 0 : i32
    %c0_i32_1 = arith.constant 0 : i32
    return %c0_i32, %c0_i32_0 : i32, i32
  }
  func.func @transform_7(%arg0: i32) -> (i32, i32) {
    %c0_i32 = arith.constant 0 : i32
    %c0_i32_0 = arith.constant 0 : i32
    %c0_i32_1 = arith.constant 0 : i32
    return %c0_i32, %c0_i32_0 : i32, i32
  }
  func.func @transform_8(%arg0: i32) -> (i32, i32) {
    %c0_i32 = arith.constant 0 : i32
    %c0_i32_0 = arith.constant 0 : i32
    %c0_i32_1 = arith.constant 0 : i32
    return %c0_i32, %c0_i32_0 : i32, i32
  }
  func.func @transform_9(%arg0: i32) -> (i32, i32) {
    %c0_i32 = arith.constant 0 : i32
    %c0_i32_0 = arith.constant 0 : i32
    %c0_i32_1 = arith.constant 0 : i32
    return %c0_i32, %c0_i32_0 : i32, i32
  }
  func.func @transform_10(%arg0: i32) -> (i32, i32) {
    %c0_i32 = arith.constant 0 : i32
    %c0_i32_0 = arith.constant 0 : i32
    return %arg0, %c0_i32 : i32, i32
  }
}

module attributes {stable_mosaic.version = 14 : i64} {
  func.func @_final_body(%arg0: memref<10000x128xf32, #tpu.memory_space<vmem>>, %arg1: memref<10000x128xf32, #tpu.memory_space<vmem>>, %arg2: memref<10000x128xf32, #tpu.memory_space<vmem>>, %arg3: memref<10000x128xf32, #tpu.memory_space<vmem>>, %arg4: memref<10000x128xf32, #tpu.memory_space<vmem>>, %arg5: memref<1x128xf32, #tpu.memory_space<vmem>>, %arg6: memref<1x128xf32, #tpu.memory_space<vmem>>, %arg7: memref<10000x128xf32, #tpu.memory_space<vmem>>) attributes {dimension_semantics = [], scalar_prefetch = 0 : i64, scratch_operands = 0 : i64, tpu.core_type = #tpu.core_type<tc>} {
    %get3A = arith.constant 0 : index
    %get3A_0 = arith.constant 0 : index
    %get3A_1 = vector.load %arg0[%get3A, %get3A_0] : memref<10000x128xf32, #tpu.memory_space<vmem>>, vector<10000x128xf32>
    %iota3A = tpu.iota {dimensions = array<i32: 1>} : vector<10000x128xi32>
    %ge3A = arith.constant 1 : i32
    %ge3A_2 = vector.broadcast %ge3A : i32 to vector<10000x128xi32>
    %ge3A_3 = arith.cmpi sge, %iota3A, %ge3A_2 : vector<10000x128xi32>
    %get3A_4 = arith.constant 0 : index
    %get3A_5 = arith.constant 0 : index
    %get3A_6 = vector.load %arg1[%get3A_4, %get3A_5] : memref<10000x128xf32, #tpu.memory_space<vmem>>, vector<10000x128xf32>
    %get3A_7 = arith.constant 0 : index
    %get3A_8 = arith.constant 0 : index
    %get3A_9 = vector.load %arg2[%get3A_7, %get3A_8] : memref<10000x128xf32, #tpu.memory_space<vmem>>, vector<10000x128xf32>
    %add3A = arith.addf %get3A_6, %get3A_9 : vector<10000x128xf32>
    %get3A_10 = arith.constant 0 : index
    %get3A_11 = arith.constant 0 : index
    %get3A_12 = vector.load %arg3[%get3A_10, %get3A_11] : memref<10000x128xf32, #tpu.memory_space<vmem>>, vector<10000x128xf32>
    %add3A_13 = arith.addf %add3A, %get3A_12 : vector<10000x128xf32>
    %get3A_14 = arith.constant 0 : index
    %get3A_15 = arith.constant 0 : index
    %get3A_16 = vector.load %arg4[%get3A_14, %get3A_15] : memref<10000x128xf32, #tpu.memory_space<vmem>>, vector<10000x128xf32>
    %add3A_17 = arith.addf %add3A_13, %get3A_16 : vector<10000x128xf32>
    %mul3A = arith.mulf %get3A_1, %add3A_17 : vector<10000x128xf32>
    %mul3A_18 = arith.mulf %get3A_1, %add3A_17 : vector<10000x128xf32>
    %neg3A = arith.constant 0.000000e+00 : f32
    %neg3A_19 = vector.broadcast %neg3A : f32 to vector<10000x128xf32>
    %neg3A_20 = arith.subf %neg3A_19, %mul3A_18 : vector<10000x128xf32>
    %select_n3A = arith.select %ge3A_3, %mul3A, %neg3A_20 : vector<10000x128xi1>, vector<10000x128xf32>
    %reduce_sum3A = arith.constant dense<0.000000e+00> : vector<10000xf32>
    %reduce_sum3A_21 = vector.multi_reduction <add>, %select_n3A, %reduce_sum3A [1] : vector<10000x128xf32> to vector<10000xf32>
    %broadcast_in_dim3A = vector.shape_cast %reduce_sum3A_21 : vector<10000xf32> to vector<10000x1xf32>
    %mul3A_22 = vector.broadcast %broadcast_in_dim3A : vector<10000x1xf32> to vector<10000x128xf32>
    %mul3A_23 = arith.mulf %mul3A_22, %get3A_1 : vector<10000x128xf32>
    %add3A_24 = arith.addf %add3A_17, %mul3A_23 : vector<10000x128xf32>
    %mul3A_25 = arith.mulf %add3A_24, %add3A_24 : vector<10000x128xf32>
    %mul3A_26 = arith.mulf %add3A_24, %add3A_24 : vector<10000x128xf32>
    %neg3A_27 = arith.constant 0.000000e+00 : f32
    %neg3A_28 = vector.broadcast %neg3A_27 : f32 to vector<10000x128xf32>
    %neg3A_29 = arith.subf %neg3A_28, %mul3A_26 : vector<10000x128xf32>
    %select_n3A_30 = arith.select %ge3A_3, %mul3A_25, %neg3A_29 : vector<10000x128xi1>, vector<10000x128xf32>
    %reduce_sum3A_31 = arith.constant dense<0.000000e+00> : vector<10000xf32>
    %reduce_sum3A_32 = vector.multi_reduction <add>, %select_n3A_30, %reduce_sum3A_31 [1] : vector<10000x128xf32> to vector<10000xf32>
    %broadcast_in_dim3A_33 = vector.shape_cast %reduce_sum3A_32 : vector<10000xf32> to vector<10000x1xf32>
    %max3A = arith.constant 9.99999996E-13 : f32
    %max3A_34 = vector.broadcast %max3A : f32 to vector<10000x1xf32>
    %max3A_35 = arith.maximumf %broadcast_in_dim3A_33, %max3A_34 : vector<10000x1xf32>
    %sqrt3A = math.sqrt %max3A_35 : vector<10000x1xf32>
    %exp3A = math.exp %sqrt3A : vector<10000x1xf32>
    %div3A = arith.constant 1.000000e+00 : f32
    %div3A_36 = vector.broadcast %div3A : f32 to vector<10000x1xf32>
    %div3A_37 = arith.divf %div3A_36, %exp3A : vector<10000x1xf32>
    %add3A_38 = arith.addf %exp3A, %div3A_37 : vector<10000x1xf32>
    %mul3A_39 = arith.constant 5.000000e-01 : f32
    %mul3A_40 = vector.broadcast %mul3A_39 : f32 to vector<10000x1xf32>
    %mul3A_41 = arith.mulf %mul3A_40, %add3A_38 : vector<10000x1xf32>
    %sub3A = arith.subf %exp3A, %div3A_37 : vector<10000x1xf32>
    %mul3A_42 = arith.constant 5.000000e-01 : f32
    %mul3A_43 = vector.broadcast %mul3A_42 : f32 to vector<10000x1xf32>
    %mul3A_44 = arith.mulf %mul3A_43, %sub3A : vector<10000x1xf32>
    %mul3A_45 = vector.broadcast %mul3A_41 : vector<10000x1xf32> to vector<10000x128xf32>
    %mul3A_46 = arith.mulf %mul3A_45, %get3A_1 : vector<10000x128xf32>
    %div3A_47 = arith.divf %mul3A_44, %sqrt3A : vector<10000x1xf32>
    %mul3A_48 = vector.broadcast %div3A_47 : vector<10000x1xf32> to vector<10000x128xf32>
    %mul3A_49 = arith.mulf %mul3A_48, %add3A_24 : vector<10000x128xf32>
    %add3A_50 = arith.addf %mul3A_46, %mul3A_49 : vector<10000x128xf32>
    %slice3A = vector.extract_strided_slice %add3A_50 {offsets = [0, 0], sizes = [10000, 1], strides = [1, 1]} : vector<10000x128xf32> to vector<10000x1xf32>
    %max3A_51 = arith.constant 1.00000012 : f32
    %max3A_52 = vector.broadcast %max3A_51 : f32 to vector<10000x1xf32>
    %max3A_53 = arith.maximumf %slice3A, %max3A_52 : vector<10000x1xf32>
    %sub3A_54 = arith.constant 1.000000e+00 : f32
    %sub3A_55 = vector.broadcast %sub3A_54 : f32 to vector<10000x1xf32>
    %sub3A_56 = arith.subf %max3A_53, %sub3A_55 : vector<10000x1xf32>
    %add3A_57 = arith.constant 1.000000e+00 : f32
    %add3A_58 = vector.broadcast %add3A_57 : f32 to vector<10000x1xf32>
    %add3A_59 = arith.addf %max3A_53, %add3A_58 : vector<10000x1xf32>
    %mul3A_60 = arith.mulf %sub3A_56, %add3A_59 : vector<10000x1xf32>
    %sqrt3A_61 = math.sqrt %mul3A_60 : vector<10000x1xf32>
    %add3A_62 = arith.addf %max3A_53, %sqrt3A_61 : vector<10000x1xf32>
    %log3A = math.log %add3A_62 : vector<10000x1xf32>
    %mul3A_63 = arith.mulf %add3A_50, %add3A_50 : vector<10000x128xf32>
    %jit3A = arith.constant 0.000000e+00 : f32
    %broadcast_in_dim3A_64 = vector.broadcast %jit3A : f32 to vector<10000x128xf32>
    %select_n3A_65 = arith.select %ge3A_3, %mul3A_63, %broadcast_in_dim3A_64 : vector<10000x128xi1>, vector<10000x128xf32>
    %reduce_sum3A_66 = arith.constant dense<0.000000e+00> : vector<10000xf32>
    %reduce_sum3A_67 = vector.multi_reduction <add>, %select_n3A_65, %reduce_sum3A_66 [1] : vector<10000x128xf32> to vector<10000xf32>
    %broadcast_in_dim3A_68 = vector.shape_cast %reduce_sum3A_67 : vector<10000xf32> to vector<10000x1xf32>
    %sqrt3A_69 = math.sqrt %broadcast_in_dim3A_68 : vector<10000x1xf32>
    %max3A_70 = arith.constant 9.99999993E-9 : f32
    %max3A_71 = vector.broadcast %max3A_70 : f32 to vector<10000x1xf32>
    %max3A_72 = arith.maximumf %sqrt3A_69, %max3A_71 : vector<10000x1xf32>
    %div3A_73 = arith.divf %log3A, %max3A_72 : vector<10000x1xf32>
    %mul3A_74 = vector.broadcast %div3A_73 : vector<10000x1xf32> to vector<10000x128xf32>
    %mul3A_75 = arith.mulf %add3A_50, %mul3A_74 : vector<10000x128xf32>
    %jit3A_76 = arith.constant 0.000000e+00 : f32
    %broadcast_in_dim3A_77 = vector.broadcast %jit3A_76 : f32 to vector<10000x128xf32>
    %select_n3A_78 = arith.select %ge3A_3, %mul3A_75, %broadcast_in_dim3A_77 : vector<10000x128xi1>, vector<10000x128xf32>
    %reduce_sum3A_79 = arith.constant dense<0.000000e+00> : vector<10000xf32>
    %reduce_sum3A_80 = vector.multi_reduction <add>, %select_n3A_78, %reduce_sum3A_79 [1] : vector<10000x128xf32> to vector<10000xf32>
    %broadcast_in_dim3A_81 = vector.shape_cast %reduce_sum3A_80 : vector<10000xf32> to vector<10000x1xf32>
    %div3A_82 = arith.constant 1.270000e+02 : f32
    %div3A_83 = vector.broadcast %div3A_82 : f32 to vector<10000x1xf32>
    %div3A_84 = arith.divf %broadcast_in_dim3A_81, %div3A_83 : vector<10000x1xf32>
    %sub3A_85 = vector.broadcast %div3A_84 : vector<10000x1xf32> to vector<10000x128xf32>
    %sub3A_86 = arith.subf %select_n3A_78, %sub3A_85 : vector<10000x128xf32>
    %jit3A_87 = arith.constant 0.000000e+00 : f32
    %broadcast_in_dim3A_88 = vector.broadcast %jit3A_87 : f32 to vector<10000x128xf32>
    %select_n3A_89 = arith.select %ge3A_3, %sub3A_86, %broadcast_in_dim3A_88 : vector<10000x128xi1>, vector<10000x128xf32>
    %mul3A_90 = arith.mulf %select_n3A_89, %select_n3A_89 : vector<10000x128xf32>
    %reduce_sum3A_91 = arith.constant dense<0.000000e+00> : vector<10000xf32>
    %reduce_sum3A_92 = vector.multi_reduction <add>, %mul3A_90, %reduce_sum3A_91 [1] : vector<10000x128xf32> to vector<10000xf32>
    %broadcast_in_dim3A_93 = vector.shape_cast %reduce_sum3A_92 : vector<10000xf32> to vector<10000x1xf32>
    %div3A_94 = arith.constant 1.270000e+02 : f32
    %div3A_95 = vector.broadcast %div3A_94 : f32 to vector<10000x1xf32>
    %div3A_96 = arith.divf %broadcast_in_dim3A_93, %div3A_95 : vector<10000x1xf32>
    %add3A_97 = arith.constant 9.99999974E-6 : f32
    %add3A_98 = vector.broadcast %add3A_97 : f32 to vector<10000x1xf32>
    %add3A_99 = arith.addf %div3A_96, %add3A_98 : vector<10000x1xf32>
    %sqrt3A_100 = math.sqrt %add3A_99 : vector<10000x1xf32>
    %div3A_101 = vector.broadcast %sqrt3A_100 : vector<10000x1xf32> to vector<10000x128xf32>
    %div3A_102 = arith.divf %select_n3A_89, %div3A_101 : vector<10000x128xf32>
    %get3A_103 = arith.constant 0 : index
    %get3A_104 = arith.constant 0 : index
    %get3A_105 = vector.load %arg5[%get3A_103, %get3A_104] : memref<1x128xf32, #tpu.memory_space<vmem>>, vector<1x128xf32>
    %mul3A_106 = vector.broadcast %get3A_105 : vector<1x128xf32> to vector<10000x128xf32>
    %mul3A_107 = arith.mulf %div3A_102, %mul3A_106 : vector<10000x128xf32>
    %get3A_108 = arith.constant 0 : index
    %get3A_109 = arith.constant 0 : index
    %get3A_110 = vector.load %arg6[%get3A_108, %get3A_109] : memref<1x128xf32, #tpu.memory_space<vmem>>, vector<1x128xf32>
    %add3A_111 = vector.broadcast %get3A_110 : vector<1x128xf32> to vector<10000x128xf32>
    %add3A_112 = arith.addf %mul3A_107, %add3A_111 : vector<10000x128xf32>
    %mul3A_113 = arith.mulf %add3A_112, %add3A_112 : vector<10000x128xf32>
    %jit3A_114 = arith.constant 0.000000e+00 : f32
    %broadcast_in_dim3A_115 = vector.broadcast %jit3A_114 : f32 to vector<10000x128xf32>
    %select_n3A_116 = arith.select %ge3A_3, %mul3A_113, %broadcast_in_dim3A_115 : vector<10000x128xi1>, vector<10000x128xf32>
    %reduce_sum3A_117 = arith.constant dense<0.000000e+00> : vector<10000xf32>
    %reduce_sum3A_118 = vector.multi_reduction <add>, %select_n3A_116, %reduce_sum3A_117 [1] : vector<10000x128xf32> to vector<10000xf32>
    %broadcast_in_dim3A_119 = vector.shape_cast %reduce_sum3A_118 : vector<10000xf32> to vector<10000x1xf32>
    %sqrt3A_120 = math.sqrt %broadcast_in_dim3A_119 : vector<10000x1xf32>
    %max3A_121 = arith.constant 9.99999993E-9 : f32
    %max3A_122 = vector.broadcast %max3A_121 : f32 to vector<10000x1xf32>
    %max3A_123 = arith.maximumf %sqrt3A_120, %max3A_122 : vector<10000x1xf32>
    %exp3A_124 = math.exp %max3A_123 : vector<10000x1xf32>
    %div3A_125 = arith.constant 1.000000e+00 : f32
    %div3A_126 = vector.broadcast %div3A_125 : f32 to vector<10000x1xf32>
    %div3A_127 = arith.divf %div3A_126, %exp3A_124 : vector<10000x1xf32>
    %add3A_128 = arith.addf %exp3A_124, %div3A_127 : vector<10000x1xf32>
    %mul3A_129 = arith.constant 5.000000e-01 : f32
    %mul3A_130 = vector.broadcast %mul3A_129 : f32 to vector<10000x1xf32>
    %mul3A_131 = arith.mulf %mul3A_130, %add3A_128 : vector<10000x1xf32>
    %sub3A_132 = arith.subf %exp3A_124, %div3A_127 : vector<10000x1xf32>
    %mul3A_133 = arith.constant 5.000000e-01 : f32
    %mul3A_134 = vector.broadcast %mul3A_133 : f32 to vector<10000x1xf32>
    %mul3A_135 = arith.mulf %mul3A_134, %sub3A_132 : vector<10000x1xf32>
    %div3A_136 = arith.divf %mul3A_135, %max3A_123 : vector<10000x1xf32>
    %mul3A_137 = vector.broadcast %div3A_136 : vector<10000x1xf32> to vector<10000x128xf32>
    %mul3A_138 = arith.mulf %add3A_112, %mul3A_137 : vector<10000x128xf32>
    %broadcast_in_dim3A_139 = vector.shape_cast %mul3A_131 : vector<10000x1xf32> to vector<10000x1xf32>
    %broadcast_in_dim3A_140 = vector.broadcast %broadcast_in_dim3A_139 : vector<10000x1xf32> to vector<10000x128xf32>
    %select_n3A_141 = arith.select %ge3A_3, %mul3A_138, %broadcast_in_dim3A_140 : vector<10000x128xi1>, vector<10000x128xf32>
    %slice3A_142 = vector.extract_strided_slice %select_n3A_141 {offsets = [0, 0], sizes = [10000, 1], strides = [1, 1]} : vector<10000x128xf32> to vector<10000x1xf32>
    %max3A_143 = arith.constant 1.00000012 : f32
    %max3A_144 = vector.broadcast %max3A_143 : f32 to vector<10000x1xf32>
    %max3A_145 = arith.maximumf %slice3A_142, %max3A_144 : vector<10000x1xf32>
    %sub3A_146 = arith.constant 1.000000e+00 : f32
    %sub3A_147 = vector.broadcast %sub3A_146 : f32 to vector<10000x1xf32>
    %sub3A_148 = arith.subf %max3A_145, %sub3A_147 : vector<10000x1xf32>
    %add3A_149 = arith.constant 1.000000e+00 : f32
    %add3A_150 = vector.broadcast %add3A_149 : f32 to vector<10000x1xf32>
    %add3A_151 = arith.addf %max3A_145, %add3A_150 : vector<10000x1xf32>
    %mul3A_152 = arith.mulf %sub3A_148, %add3A_151 : vector<10000x1xf32>
    %sqrt3A_153 = math.sqrt %mul3A_152 : vector<10000x1xf32>
    %add3A_154 = arith.addf %max3A_145, %sqrt3A_153 : vector<10000x1xf32>
    %log3A_155 = math.log %add3A_154 : vector<10000x1xf32>
    %mul3A_156 = arith.mulf %select_n3A_141, %select_n3A_141 : vector<10000x128xf32>
    %jit3A_157 = arith.constant 0.000000e+00 : f32
    %broadcast_in_dim3A_158 = vector.broadcast %jit3A_157 : f32 to vector<10000x128xf32>
    %select_n3A_159 = arith.select %ge3A_3, %mul3A_156, %broadcast_in_dim3A_158 : vector<10000x128xi1>, vector<10000x128xf32>
    %reduce_sum3A_160 = arith.constant dense<0.000000e+00> : vector<10000xf32>
    %reduce_sum3A_161 = vector.multi_reduction <add>, %select_n3A_159, %reduce_sum3A_160 [1] : vector<10000x128xf32> to vector<10000xf32>
    %broadcast_in_dim3A_162 = vector.shape_cast %reduce_sum3A_161 : vector<10000xf32> to vector<10000x1xf32>
    %sqrt3A_163 = math.sqrt %broadcast_in_dim3A_162 : vector<10000x1xf32>
    %max3A_164 = arith.constant 9.99999993E-9 : f32
    %max3A_165 = vector.broadcast %max3A_164 : f32 to vector<10000x1xf32>
    %max3A_166 = arith.maximumf %sqrt3A_163, %max3A_165 : vector<10000x1xf32>
    %div3A_167 = arith.divf %log3A_155, %max3A_166 : vector<10000x1xf32>
    %mul3A_168 = vector.broadcast %div3A_167 : vector<10000x1xf32> to vector<10000x128xf32>
    %mul3A_169 = arith.mulf %select_n3A_141, %mul3A_168 : vector<10000x128xf32>
    %jit3A_170 = arith.constant 0.000000e+00 : f32
    %broadcast_in_dim3A_171 = vector.broadcast %jit3A_170 : f32 to vector<10000x128xf32>
    %select_n3A_172 = arith.select %ge3A_3, %mul3A_169, %broadcast_in_dim3A_171 : vector<10000x128xi1>, vector<10000x128xf32>
    %max3A_173 = arith.constant 0.000000e+00 : f32
    %max3A_174 = vector.broadcast %max3A_173 : f32 to vector<10000x128xf32>
    %max3A_175 = arith.maximumf %select_n3A_172, %max3A_174 : vector<10000x128xf32>
    %mul3A_176 = arith.mulf %max3A_175, %max3A_175 : vector<10000x128xf32>
    %reduce_sum3A_177 = arith.constant dense<0.000000e+00> : vector<10000xf32>
    %reduce_sum3A_178 = vector.multi_reduction <add>, %mul3A_176, %reduce_sum3A_177 [1] : vector<10000x128xf32> to vector<10000xf32>
    %broadcast_in_dim3A_179 = vector.shape_cast %reduce_sum3A_178 : vector<10000xf32> to vector<10000x1xf32>
    %sqrt3A_180 = math.sqrt %broadcast_in_dim3A_179 : vector<10000x1xf32>
    %max3A_181 = arith.constant 9.99999993E-9 : f32
    %max3A_182 = vector.broadcast %max3A_181 : f32 to vector<10000x1xf32>
    %max3A_183 = arith.maximumf %sqrt3A_180, %max3A_182 : vector<10000x1xf32>
    %exp3A_184 = math.exp %max3A_183 : vector<10000x1xf32>
    %div3A_185 = arith.constant 1.000000e+00 : f32
    %div3A_186 = vector.broadcast %div3A_185 : f32 to vector<10000x1xf32>
    %div3A_187 = arith.divf %div3A_186, %exp3A_184 : vector<10000x1xf32>
    %add3A_188 = arith.addf %exp3A_184, %div3A_187 : vector<10000x1xf32>
    %mul3A_189 = arith.constant 5.000000e-01 : f32
    %mul3A_190 = vector.broadcast %mul3A_189 : f32 to vector<10000x1xf32>
    %mul3A_191 = arith.mulf %mul3A_190, %add3A_188 : vector<10000x1xf32>
    %sub3A_192 = arith.subf %exp3A_184, %div3A_187 : vector<10000x1xf32>
    %mul3A_193 = arith.constant 5.000000e-01 : f32
    %mul3A_194 = vector.broadcast %mul3A_193 : f32 to vector<10000x1xf32>
    %mul3A_195 = arith.mulf %mul3A_194, %sub3A_192 : vector<10000x1xf32>
    %div3A_196 = arith.divf %mul3A_195, %max3A_183 : vector<10000x1xf32>
    %mul3A_197 = vector.broadcast %div3A_196 : vector<10000x1xf32> to vector<10000x128xf32>
    %mul3A_198 = arith.mulf %max3A_175, %mul3A_197 : vector<10000x128xf32>
    %broadcast_in_dim3A_199 = vector.shape_cast %mul3A_191 : vector<10000x1xf32> to vector<10000x1xf32>
    %broadcast_in_dim3A_200 = vector.broadcast %broadcast_in_dim3A_199 : vector<10000x1xf32> to vector<10000x128xf32>
    %select_n3A_201 = arith.select %ge3A_3, %mul3A_198, %broadcast_in_dim3A_200 : vector<10000x128xi1>, vector<10000x128xf32>
    %swap3A = arith.constant 0 : index
    %swap3A_202 = arith.constant 0 : index
    %swap3A_203 = vector.load %arg7[%swap3A, %swap3A_202] : memref<10000x128xf32, #tpu.memory_space<vmem>>, vector<10000x128xf32>
    tpu.vector_store %arg7[%swap3A, %swap3A_202], %select_n3A_201 {strides = array<i32>} : memref<10000x128xf32, #tpu.memory_space<vmem>>, vector<10000x128xf32>,
    return
  }
}

</mosaic_0001>

<sc_bundles>
// kernel: kernel.10.cloned.1.call-start
scs
__scs_entry_jumppad:
0x0: {  	(pc) =	sbr.rel $0x88, $3  }
0x1: {  	(tag) =	ssettag $0x0;
	lr =	simm.s32 $0x1  }
0x2: {  	[smem:$0x3F95] =	sst lr;
	_ =	strace $0xD0000000  }
0x3: {  	_ = 	snop  }
0x4: {  	_ = 	snop  }
0x5: {  	_ = 	snop  }
0x6: {  	_ = 	snop  }
0x7: {  	_ = 	snop  }
__scs_overlays_trampoline_lowered:
0x8: {  	[smem:$0x3FA4] =	sst s0  }
0x9: {  	[smem:$0x3FA5] =	sst s1  }
0xa: {  	[smem:$0x3FA6] =	sst s2  }
0xb: {  	[smem:$0x3FA7] =	sst s3  }
0xc: {  	[smem:$0x3FA8] =	sst s4  }
0xd: {  	[smem:$0x3FA9] =	sst s5  }
0xe: {  	[smem:$0x3FAA] =	sst s6  }
0xf: {  	[smem:$0x3FAB] =	sst s7  }
0x10: {  	[smem:$0x3FAC] =	sst s8  }
0x11: {  	[smem:$0x3FAD] =	sst s9;
	s0 =	simm.s32 @!p0 $0x0  }
0x12: {  	s1 =	sld [smem:$0x3F93];
	s0 =	simm.s32 @p0 $0x1  }
0x13: {  	[smem:$0x3FAE] =	sst s0;
	s0 =	simm.s32 @!p1 $0x0  }
0x14: {  	s2 =	sld [smem:$0x3F92];
	s0 =	simm.s32 @p1 $0x1  }
0x15: {  	[smem:$0x3FAF] =	sst s0;
	s0 =	simm.s32 @!p2 $0x0  }
0x16: {  	s3 =	sld [smem:$0x3FDB];
	s0 =	simm.s32 @p2 $0x1  }
0x17: {  	s4 =	simm.s32 $0x1BF5;
	[smem:$0x3FB1] =	sst s0  }
0x18: {  	s0 =	sld [smem:$0x3F94];
	_ =	swait.ge [sflag:s4], $0x0  }
0x19: {  	s7 =	sld [smem:$0x3F95]  }
0x1a: {  	s8 =	sadd.s32 $0xFFFFE003, lr  }
0x1b: {  	s9 =	sadd.s32 $0xFFFFFEF7, lr;
	s5 =	simm.s32 $0xFFFFFFFF;
	p2 =	slt.u32 s8, $0xFFFFF086  }
0x1c: {  	p1 =	slt.u32 s9, $0xF7A;
	s5 =	simm.s32 @!p2 $0x0  }
0x1d: {  	s5 =	simm.s32 @p1 $0x1;
	p0 =	seq.s32 s7, s2  }
0x1e: {  	s7 =	smul.u32 @!p0 $0xF7A, s2;
	p2 =	seq.s32 @!p0 s5, $0x0  }
0x1f: {  	s9 =	smul.u32 $0xF7A, s1;
	s8 =	simm.s32 @!p0 $0x1BF5;
	p2 =	por !p2, p0  }
0x20: {  	[sflag:s8] =	ssyncset.s32 @!p0 $0xFFFFF086;
	s6 =	sadd.s32 @!p0 s3, s7;
	s7 =	simm.s32 @!p0 $0x108  }
0x21: {  	s3 =	sadd.s32 s3, s9;
	s6 =	sadd.s32 @!p0 $0x88, s6;
	s7 =	simm.s32 @p2 $0x1082  }
0x22: {  	[simem:s7], [sflag:s8] =	dma.local @!p0 [hbm:s6], $0xF7A  }
0x23: {  	s9 =	sor.u32 $0xD0000000, s2;
	s6 =	simm.s32 $0x108;
	_ =	swait.ge @!p0 [sflag:s8], $0x0  }
0x24: {  	s3 =	sadd.s32 $0x88, s3;
	s6 =	simm.s32 @!p1 $0x1082;
	[sflag:s4] =	ssyncset.s32 $0xFFFFF086  }
0x25: {  	[simem:s6], [sflag:s4] =	dma.local [hbm:s3], $0xF7A  }
0x26: {  	[smem:$0x3F95] =	sst s1;
	(tag) =	ssettag s2;
	_ =	strace s9  }
0x27: {  	s1 =	sld [smem:$0x3FA5]  }
0x28: {  	s2 =	sld [smem:$0x3FA6]  }
0x29: {  	s4 =	sld [smem:$0x3FA8]  }
0x2a: {  	p0 =	seq.s32 s5, $0x0;
	s5 =	sld [smem:$0x3FA9]  }
0x2b: {  	s6 =	sld [smem:$0x3FAA]  }
0x2c: {  	s7 =	sld [smem:$0x3FAB]  }
0x2d: {  	s3 =	simm.s32 $0x108;
	s8 =	sld [smem:$0x3FAC]  }
0x2e: {  	s3 =	simm.s32 @!p0 $0x1082;
	s9 =	sld [smem:$0x3FAD]  }
0x2f: {  	lr =	sadd.s32 s0, s3;
	s0 =	sld [smem:$0x3FA4]  }
0x30: {  	s3 =	sld [smem:$0x3FA7]  }
0x31: {  	[smem:$0x3FB0] =	sst s10  }
0x32: {  	s10 =	sld [smem:$0x3FAE];
	_ =	sdelay $0x3  }
0x33: {  	p0 =	seq.s32 s10, $0x1;
	s10 =	sld [smem:$0x3FB0];
	_ =	sdelay $0x3  }
0x34: {  	[smem:$0x3FB0] =	sst s10  }
0x35: {  	s10 =	sld [smem:$0x3FAF];
	_ =	sdelay $0x3  }
0x36: {  	p1 =	seq.s32 s10, $0x1;
	s10 =	sld [smem:$0x3FB0];
	_ =	sdelay $0x3  }
0x37: {  	[smem:$0x3FB0] =	sst s10  }
0x38: {  	s10 =	sld [smem:$0x3FB1]  }
0x39: {  	_ = 	snop;
	(pc) =	sbr.ind lr, $3  }
0x3a: {  	_ = 	snop  }
0x3b: {  	_ = 	snop  }
0x3c: {  	p2 =	seq.s32 s10, $0x1;
	s10 =	sld [smem:$0x3FB0]  }
0x3d: {  	_ =	shalt  }
0x3e: {  	_ =	shalt  }
0x3f: {  	_ =	shalt  }
0x40: {  	_ =	shalt  }
0x41: {  	_ =	shalt  }
0x42: {  	_ =	shalt  }
0x43: {  	_ =	shalt  }
0x44: {  	_ =	shalt  }
0x45: {  	_ =	shalt  }
0x46: {  	_ =	shalt  }
0x47: {  	_ =	shalt  }
0x48: {  	_ =	shalt  }
0x49: {  	_ =	shalt  }
0x4a: {  	_ =	shalt  }
0x4b: {  	_ =	shalt  }
0x4c: {  	_ =	shalt  }
0x4d: {  	_ =	shalt  }
0x4e: {  	_ =	shalt  }
0x4f: {  	_ =	shalt  }
0x50: {  	_ =	shalt  }
0x51: {  	_ =	shalt  }
0x52: {  	_ =	shalt  }
0x53: {  	_ =	shalt  }
0x54: {  	_ =	shalt  }
0x55: {  	_ =	shalt  }
0x56: {  	_ =	shalt  }
0x57: {  	_ =	shalt  }
0x58: {  	_ =	shalt  }
0x59: {  	_ =	shalt  }
0x5a: {  	_ =	shalt  }
0x5b: {  	_ =	shalt  }
0x5c: {  	_ =	shalt  }
0x5d: {  	_ =	shalt  }
0x5e: {  	_ =	shalt  }
0x5f: {  	_ =	shalt  }
0x60: {  	_ =	shalt  }
0x61: {  	_ =	shalt  }
0x62: {  	_ =	shalt  }
0x63: {  	_ =	shalt  }
0x64: {  	_ =	shalt  }
0x65: {  	_ =	shalt  }
0x66: {  	_ =	shalt  }
0x67: {  	_ =	shalt  }
0x68: {  	_ =	shalt  }
0x69: {  	_ =	shalt  }
0x6a: {  	_ =	shalt  }
0x6b: {  	_ =	shalt  }
0x6c: {  	_ =	shalt  }
0x6d: {  	_ =	shalt  }
0x6e: {  	_ =	shalt  }
0x6f: {  	_ =	shalt  }
0x70: {  	_ =	shalt  }
0x71: {  	_ =	shalt  }
0x72: {  	_ =	shalt  }
0x73: {  	_ =	shalt  }
0x74: {  	_ =	shalt  }
0x75: {  	_ =	shalt  }
0x76: {  	_ =	shalt  }
0x77: {  	_ =	shalt  }
0x78: {  	_ =	shalt  }
0x79: {  	_ =	shalt  }
0x7a: {  	_ =	shalt  }
0x7b: {  	_ =	shalt  }
0x7c: {  	_ =	shalt  }
0x7d: {  	_ =	shalt  }
0x7e: {  	_ =	shalt  }
0x7f: {  	_ =	shalt  }
0x80: {  	_ =	shalt  }
0x81: {  	_ =	shalt  }
0x82: {  	_ =	shalt  }
0x83: {  	_ =	shalt  }
0x84: {  	_ =	shalt  }
0x85: {  	_ =	shalt  }
0x86: {  	_ =	shalt  }
0x87: {  	_ =	shalt  }
.Lfunc_end0:
.L_simem_size_0:
called_computation_lowered:
.L_overlay_start_0:
0x88: {  	s2 =	sld [smem:$0x3FD9]  }
0x89: {  	s3 =	sld [smem:$0x3FFE];
	_ =	sdelay $0x1  }
0x8a: {  	s1 =	srdreg.scid  }
0x8b: {  	s0 =	sand.u32 $0x1, s1  }
0x8c: {  	s17 =	sshll.u32 s0, $0xA;
	s2 =	sadd.s32 s3, s2  }
0x8d: {  	s2 =	sadd.s32 s2, s17  }
0x8e: {  	[smem:$0x3FBC] =	sst s2  }
0x8f: {  	_ = 	snop  }
0x90: {  	s2 =	sld [smem:$0x3FD0];
	(tm) =	ssettm $0x1  }
0x91: {  	s18 =	sld [smem:$0x3FFB];
	_ =	sdelay $0x3  }
0x92: {  	_ =	strace s18  }
0x93: {  	s3 =	sld [smem:$0x3FFC];
	_ =	sdelay $0x3  }
0x94: {  	_ =	strace s3  }
0x95: {  	s3 =	sld [smem:$0x3FFD];
	_ =	sdelay $0x3  }
0x96: {  	_ =	strace s3  }
0x97: {  	_ =	strace $0x8FFFFFFF  }
0x98: {  	s19 =	sld [smem:$0x3FDB];
	_ =	sdelay $0x1  }
0x99: {  	s4 =	simm.s32 $_scs_section_size  }
0x9a: {  	s5 =	simm.s32 $_size__tile_overlayer_lowered;
	s6 =	simm.s32 $_tile_overlayer_lowered  }
0x9b: {  	s22 =	simm.s32 $0x1BFF;
	s21 =	sshll.u32 s6, $0x1;
	s3 =	sadd.s32 s4, s19  }
0x9c: {  	s7 =	simm.s32 $0x0;
	s20 =	sshll.u32 s5, $0x1;
	s5 =	sadd.s32 s21, s3  }
0x9d: {  	[timem:s7], [sflag:s22] =	dma.local [hbm:s5], s20  }
0x9e: {  	_ =	swait.ge [sflag:s22], s20  }
0x9f: {  	s4 =	ssub.s32 $0x0, s20;
	[sflag:s22] =	ssyncset.done $0x0  }
0xa0: {  	[sflag:s22] =	ssyncadd.s32 s4;
	_ =	sdelay $0x1  }
0xa1: {  	s23 =	simm.s32 $0x1B8B  }
0xa2: {  	_ =	swait.ge [sflag:s23], $0x1  }
0xa3: {  	[sflag:s23] =	ssyncset.done $0x0  }
0xa4: {  	s25 =	simm.s32 $0x1B8E;
	s24 =	sld [smem:$0x3FFE];
	[sflag:s23] =	ssyncadd.s32 $0xFFFFFFFF  }
0xa5: {  	s26 =	simm.s32 $execute0_lowered;
	[smem:$0x3FD2] =	sst s25  }
0xa6: {  	s5 =	sshll.u32 s26, $0x1;
	_ =	strace $0x80000046;
	[dreg:$0x1] =	wrdreg $0xFFFFFFFF  }
0xa7: {  	s28 =	simm.s32 $_size_execute0_lowered;
	s3 =	sadd.s32 s3, s5;
	[dreg:$0x0] =	wrdreg $0x0  }
0xa8: {  	s5 =	sshll.u32 s28, $0x1;
	[dreg:$0x2] =	wrdreg s3  }
0xa9: {  	[dreg:$0x3] =	wrdreg s5  }
0xaa: {  	[dreg:$0x4] =	wrdreg $0xC0  }
0xab: {  	_ =	task [dreg:s7], $0x5FFFF  }
0xac: {  	[dreg:$0x1] =	wrdreg $0xFFFFFFFF  }
0xad: {  	[dreg:$0x0] =	wrdreg $0x60  }
0xae: {  	[dreg:$0x2] =	wrdreg s2  }
0xaf: {  	[dreg:$0x3] =	wrdreg s24  }
0xb0: {  	[dreg:$0x4] =	wrdreg $0x9  }
0xb1: {  	_ =	task.clear_ibuf [dreg:s7], $0x5FFFF;
	_ =	strace $0x90000046  }
0xb2: {  	s29 =	simm.s32 $0x9;
	_ =	strace $0x80000048  }
0xb3: {  	_ =	swait.ge [sflag:s29], $0x1  }
0xb4: {  	[sflag:s29] =	ssyncadd.s32 $0xFFFFFFFF  }
0xb5: {  	_ =	strace $0x90000048  }
0xb6: {  	_ =	sfence  }
0xb7: {  	s30 =	sld [smem:$0x0];
	_ =	sdelay $0x2  }
0xb8: {  	s31 =	sshll.u32 s1, $0xD;
	s1 =	sshrl.u32 s1, $0x2  }
0xb9: {  	s3 =	sand.u32 $0x4000, s31;
	s1 =	sadd.s32 s1, s30  }
0xba: {  	s0 =	sor.u32 s3, s0;
	s1 =	sshll.u32 s1, $0x11  }
0xbb: {  	s0 =	sor.u32 s1, s0  }
0xbc: {  	s0 =	sadd.s32 $0x8F2B, s0  }
0xbd: {  	[sflag:s0] =	ssyncadd.remote.s32 $0x1  }
0xbe: {  	_ =	sfence.sel $0xFFFF  }
0xbf: {  	[dreg:$0x0] =	wrdreg $0xFFFFFFFF;
	(pc) =	sbr.abs _section_cstart, $3  }
0xc0: {  	[dreg:$0x1] =	wrdreg $0xFFFFFFFF  }
0xc1: {  	_ =	task.clear_ibuf [dreg:s7], $0x2FFFF;
	_ =	strace $0x9FFFFFFF  }
0xc2: {  	(tm) =	ssettm $0x7FFFFFFF  }
0xc3: {  	_ =	shalt  }
tec
execute0_lowered:
.L_overlay_start_1:
0x0: {  	(tag) =	ssettag $0x1  }
0x1: {  	s1 =	rddreg [dreg:$0x0]  }
0x2: {  	s0 =	rddreg [dreg:$0x1]  }
0x3: {  	s3 =	simm.s32 $0x0;
	s4 =	srdreg.scid;
	s2 =	stileid.u32  }
0x4: {  	s17 =	simm.s32 $0x80;
	s18 =	simm.s32 $0x28;
	s19 =	simm.s32 $0x100  }
0x5: {  	s20 =	simm.s32 $0x1500;
	s28 =	simm.s32 $0x0;
	[smem:$0x7FF] =	sst s3  }
0x6: {  	s11 =	sand.u32 $0x1, s4;
	s5 =	sshll.u32 s2, $0x1;
	s14 =	smul.u32 $0x2710, s2  }
0x7: {  	s4 =	sadd.s32 $0x8C00, s0;
	s12 =	sadd.s32 $0xDC00, s0;
	s16 =	smul.u32 $0x27100, s2  }
0x8: {  	_ =	strace $0x80000047;
	s6 =	sor.u32 s11, s5;
	s15 =	smul.u32 $0x1388, s11  }
0x9: {  	s5 =	sadd.s32 $0x3C00, s0;
	s7 =	ssub.s32 $0x2, s11;
	s8 =	smul.u32 $0x1388, s6  }
0xa: {  	s0 =	sadd.s32 $0x27EC00, s0;
	s9 =	sshrl.u32 s7, $0x1;
	s10 =	smul.u32 $0x9C400, s6  }
0xb: {  	s30 =	smul.u32 $0x13880, s11;
	s13 =	ssub.s32 s7, s9;
	s29 =	sadd.s32 s15, s14  }
0xc: {  	s21 =	sshrl.u32 s8, $0x3;
	s23 =	sshrl.u32 s10, $0x3;
	s10 =	smax.u32 s13, $0x1  }
0xd: {  	s11 =	sadd.s32 $0x50, s29;
	s13 =	sadd.s32 $0x28, s29;
	s22 =	sadd.s32 s4, s21  }
0xe: {  	s24 =	sadd.s32 s5, s21;
	s25 =	sadd.s32 $0x13600, s23;
	s31 =	sshrl.u32 s13, $0x3  }
0xf: {  	s21 =	simm.s32 $0x2900;
	s23 =	simm.s32 $0x2A00;
	[dreg:$0x3] =	wrdreg s22  }
0x10: {  	[dreg:$0x4] =	wrdreg s24;
	s26 =	sadd.s32 s12, s25;
	s9 =	sadd.s32 s0, s25  }
0x11: {  	s12 =	sadd.s32 s16, s12;
	s0 =	sadd.s32 s16, s0;
	s15 =	sadd.s32 s31, s4  }
0x12: {  	s16 =	simm.s32 $0x3;
	s22 =	simm.s32 $0x2980;
	s24 =	simm.s32 $0x3E00  }
0x13: {  	s25 =	simm.s32 $0x1;
	[dreg:$0x5] =	wrdreg s26;
	s12 =	sadd.s32 s30, s12  }
0x14: {  	s13 =	sadd.s32 s30, s0;
	s0 =	sadd.s32 s31, s5;
	s26 =	simm.s32 $0x2  }
.LBB2_1:
0x15: {  	s2 =	rddreg [dreg:$0x3]  }
0x16: {  	[tilespmem:s3], [sflag:$0x3] =	stream.linear.gather [hbm4b:s2+s3], $0x28, $0x38;
	[tilespmem:$0x5200] =	vst v63  }
0x17: {  	_ =	swait.ge [sflag:s16], $0x28  }
0x18: {  	[sflag:s16] =	ssyncset.done $0x0  }
0x19: {  	s7 =	rddreg [dreg:$0x4];
	[sflag:s16] =	ssyncadd.s32 $0xFFFFFFD8  }
0x1a: {  	[tilespmem:s17], [sflag:$0x3] =	stream.linear.gather [hbm4b:s7+s3], $0x28, $0x38;
	[tilespmem:$0x5200] =	vst v63  }
0x1b: {  	_ =	swait.ge [sflag:s16], $0x28  }
0x1c: {  	[sflag:s16] =	ssyncset.done $0x0  }
0x1d: {  	[sflag:s16] =	ssyncadd.s32 $0xFFFFFFD8  }
0x1e: {  	[tilespmem:s19], [sflag:$0x1] =	stream.indirect.gather [hbm4b:s1+s18], $0x80, s3, s18, $0xb8;
	[tilespmem:$0x5200] =	vst v63  }
0x1f: {  	_ = 	snop  }
0x20: {  	[tilespmem:s20], [sflag:$0x1] =	stream.indirect.gather [hbm4b:s1+s18], $0x80, s17, s18, $0xb8;
	[tilespmem:$0x5200] =	vst v63  }
0x21: {  	_ = 	snop  }
0x22: {  	[tilespmem:s21], [sflag:$0x3] =	stream.linear.gather [hbm4b:s15+s3], $0x28, $0x38;
	[tilespmem:$0x5200] =	vst v63  }
0x23: {  	_ =	swait.ge [sflag:s16], $0x28  }
0x24: {  	[sflag:s16] =	ssyncset.done $0x0  }
0x25: {  	[sflag:s16] =	ssyncadd.s32 $0xFFFFFFD8  }
0x26: {  	[tilespmem:s22], [sflag:$0x3] =	stream.linear.gather [hbm4b:s0+s3], $0x28, $0x38;
	[tilespmem:$0x5200] =	vst v63  }
0x27: {  	_ =	swait.ge [sflag:s16], $0x28  }
0x28: {  	[sflag:s16] =	ssyncset.done $0x0  }
0x29: {  	[sflag:s16] =	ssyncadd.s32 $0xFFFFFFD8  }
0x2a: {  	[tilespmem:s23], [sflag:$0x2] =	stream.indirect.gather [hbm4b:s1+s18], $0x80, s21, s18, $0xb8;
	[tilespmem:$0x5200] =	vst v63  }
0x2b: {  	_ = 	snop  }
0x2c: {  	[tilespmem:s24], [sflag:$0x2] =	stream.indirect.gather [hbm4b:s1+s18], $0x80, s22, s18, $0xb8;
	[tilespmem:$0x5200] =	vst v63  }
0x2d: {  	_ =	swait.ge [sflag:s25], $0x1400  }
0x2e: {  	[sflag:s25] =	ssyncset.done $0x0  }
0x2f: {  	[sflag:s25] =	ssyncadd.s32 $0xFFFFEC00  }
0x30: {  	_ =	swait.ge [sflag:s25], $0x1400  }
0x31: {  	[sflag:s25] =	ssyncset.done $0x0  }
0x32: {  	s14 =	sadd.s32 $0x0, s12;
	[sflag:s25] =	ssyncadd.s32 $0xFFFFEC00  }
0x33: {  	[hbm4b:s14+s3] =	stream.linear.scatter [tilespmem:s19], [sflag:$0x3], $0x1400, $0x38;
	[tilespmem:$0x5200] =	vst v63  }
0x34: {  	_ =	swait.ge [sflag:s16], $0x1400  }
0x35: {  	[sflag:s16] =	ssyncset.done $0x0  }
0x36: {  	s29 =	sadd.s32 $0x0, s13;
	[sflag:s16] =	ssyncadd.s32 $0xFFFFEC00  }
0x37: {  	[hbm4b:s29+s3] =	stream.linear.scatter [tilespmem:s20], [sflag:$0x3], $0x1400, $0x38;
	[tilespmem:$0x5200] =	vst v63  }
0x38: {  	_ =	swait.ge [sflag:s16], $0x1400  }
0x39: {  	s30 =	sshrl.u32 s11, $0x3;
	[sflag:s16] =	ssyncset.done $0x0  }
0x3a: {  	s31 =	sadd.s32 s4, s30;
	[sflag:s16] =	ssyncadd.s32 $0xFFFFEC00  }
0x3b: {  	[tilespmem:s3], [sflag:$0x3] =	stream.linear.gather [hbm4b:s31+s3], $0x28, $0x38;
	[tilespmem:$0x5200] =	vst v63  }
0x3c: {  	_ =	swait.ge [sflag:s16], $0x28  }
0x3d: {  	[sflag:s16] =	ssyncset.done $0x0  }
0x3e: {  	s30 =	sadd.s32 s5, s30;
	[sflag:s16] =	ssyncadd.s32 $0xFFFFFFD8  }
0x3f: {  	[tilespmem:s17], [sflag:$0x3] =	stream.linear.gather [hbm4b:s30+s3], $0x28, $0x38;
	[tilespmem:$0x5200] =	vst v63  }
0x40: {  	_ =	swait.ge [sflag:s16], $0x28  }
0x41: {  	[sflag:s16] =	ssyncset.done $0x0  }
0x42: {  	[sflag:s16] =	ssyncadd.s32 $0xFFFFFFD8  }
0x43: {  	[tilespmem:s19], [sflag:$0x1] =	stream.indirect.gather [hbm4b:s1+s18], $0x80, s3, s18, $0xb8;
	[tilespmem:$0x5200] =	vst v63  }
0x44: {  	_ = 	snop  }
0x45: {  	[tilespmem:s20], [sflag:$0x1] =	stream.indirect.gather [hbm4b:s1+s18], $0x80, s17, s18, $0xb8;
	[tilespmem:$0x5200] =	vst v63  }
0x46: {  	_ =	swait.ge [sflag:s26], $0x1400  }
0x47: {  	[sflag:s26] =	ssyncset.done $0x0  }
0x48: {  	[sflag:s26] =	ssyncadd.s32 $0xFFFFEC00  }
0x49: {  	_ =	swait.ge [sflag:s26], $0x1400  }
0x4a: {  	[sflag:s26] =	ssyncset.done $0x0  }
0x4b: {  	s14 =	sadd.s32 $0x280, s14;
	[sflag:s26] =	ssyncadd.s32 $0xFFFFEC00  }
0x4c: {  	[hbm4b:s14+s3] =	stream.linear.scatter [tilespmem:s23], [sflag:$0x3], $0x1400, $0x38;
	[tilespmem:$0x5200] =	vst v63  }
0x4d: {  	_ =	swait.ge [sflag:s16], $0x1400  }
0x4e: {  	[sflag:s16] =	ssyncset.done $0x0  }
0x4f: {  	s8 =	sadd.s32 $0x280, s29;
	[sflag:s16] =	ssyncadd.s32 $0xFFFFEC00  }
0x50: {  	[hbm4b:s8+s3] =	stream.linear.scatter [tilespmem:s24], [sflag:$0x3], $0x1400, $0x38;
	[tilespmem:$0x5200] =	vst v63  }
0x51: {  	s29 =	simm.s32 $0x500;
	s31 =	smov.u32 s11;
	_ =	swait.ge [sflag:s16], $0x1400  }
0x52: {  	s30 =	sadd.s32 $0xA, s15;
	s14 =	smov.u32 s0;
	[sflag:s16] =	ssyncset.done $0x0  }
.LBB2_2:
0x53: {  	[sflag:s16] =	ssyncadd.s32 $0xFFFFEC00  }
0x54: {  	s31 =	sadd.s32 $0x50, s31;
	s14 =	sadd.s32 $0xA, s14;
	s2 =	smov.u32 s29  }
0x55: {  	[tilespmem:s21], [sflag:$0x3] =	stream.linear.gather [hbm4b:s30+s3], $0x28, $0x38;
	[tilespmem:$0x5200] =	vst v63  }
0x56: {  	p0 =	sne.s32 s29, $0x13100;
	s29 =	sadd.s32 $0x500, s29;
	_ =	swait.ge [sflag:s16], $0x28  }
0x57: {  	[sflag:s16] =	ssyncset.done $0x0  }
0x58: {  	[sflag:s16] =	ssyncadd.s32 $0xFFFFFFD8  }
0x59: {  	[tilespmem:s22], [sflag:$0x3] =	stream.linear.gather [hbm4b:s14+s3], $0x28, $0x38;
	[tilespmem:$0x5200] =	vst v63  }
0x5a: {  	_ =	swait.ge [sflag:s16], $0x28  }
0x5b: {  	[sflag:s16] =	ssyncset.done $0x0  }
0x5c: {  	[sflag:s16] =	ssyncadd.s32 $0xFFFFFFD8  }
0x5d: {  	[tilespmem:s23], [sflag:$0x2] =	stream.indirect.gather [hbm4b:s1+s18], $0x80, s21, s18, $0xb8;
	[tilespmem:$0x5200] =	vst v63  }
0x5e: {  	_ = 	snop  }
0x5f: {  	[tilespmem:s24], [sflag:$0x2] =	stream.indirect.gather [hbm4b:s1+s18], $0x80, s22, s18, $0xb8;
	[tilespmem:$0x5200] =	vst v63  }
0x60: {  	_ =	swait.ge [sflag:s25], $0x1400  }
0x61: {  	[sflag:s25] =	ssyncset.done $0x0  }
0x62: {  	[sflag:s25] =	ssyncadd.s32 $0xFFFFEC00  }
0x63: {  	_ =	swait.ge [sflag:s25], $0x1400  }
0x64: {  	[sflag:s25] =	ssyncset.done $0x0  }
0x65: {  	s6 =	sadd.s32 s2, s12;
	[sflag:s25] =	ssyncadd.s32 $0xFFFFEC00  }
0x66: {  	[hbm4b:s6+s3] =	stream.linear.scatter [tilespmem:s19], [sflag:$0x3], $0x1400, $0x38;
	[tilespmem:$0x5200] =	vst v63  }
0x67: {  	_ =	swait.ge [sflag:s16], $0x1400  }
0x68: {  	[sflag:s16] =	ssyncset.done $0x0  }
0x69: {  	s2 =	sadd.s32 s2, s13;
	[sflag:s16] =	ssyncadd.s32 $0xFFFFEC00  }
0x6a: {  	[hbm4b:s2+s3] =	stream.linear.scatter [tilespmem:s20], [sflag:$0x3], $0x1400, $0x38;
	[tilespmem:$0x5200] =	vst v63  }
0x6b: {  	_ =	swait.ge [sflag:s16], $0x1400  }
0x6c: {  	s7 =	sshrl.u32 s31, $0x3;
	[sflag:s16] =	ssyncset.done $0x0  }
0x6d: {  	s8 =	sadd.s32 s4, s7;
	[sflag:s16] =	ssyncadd.s32 $0xFFFFEC00  }
0x6e: {  	[tilespmem:s3], [sflag:$0x3] =	stream.linear.gather [hbm4b:s8+s3], $0x28, $0x38;
	[tilespmem:$0x5200] =	vst v63  }
0x6f: {  	_ =	swait.ge [sflag:s16], $0x28  }
0x70: {  	[sflag:s16] =	ssyncset.done $0x0  }
0x71: {  	s7 =	sadd.s32 s5, s7;
	[sflag:s16] =	ssyncadd.s32 $0xFFFFFFD8  }
0x72: {  	[tilespmem:s17], [sflag:$0x3] =	stream.linear.gather [hbm4b:s7+s3], $0x28, $0x38;
	[tilespmem:$0x5200] =	vst v63  }
0x73: {  	_ =	swait.ge [sflag:s16], $0x28  }
0x74: {  	[sflag:s16] =	ssyncset.done $0x0  }
0x75: {  	[sflag:s16] =	ssyncadd.s32 $0xFFFFFFD8  }
0x76: {  	[tilespmem:s19], [sflag:$0x1] =	stream.indirect.gather [hbm4b:s1+s18], $0x80, s3, s18, $0xb8;
	[tilespmem:$0x5200] =	vst v63  }
0x77: {  	_ = 	snop  }
0x78: {  	[tilespmem:s20], [sflag:$0x1] =	stream.indirect.gather [hbm4b:s1+s18], $0x80, s17, s18, $0xb8;
	[tilespmem:$0x5200] =	vst v63  }
0x79: {  	_ =	swait.ge [sflag:s26], $0x1400  }
0x7a: {  	[sflag:s26] =	ssyncset.done $0x0  }
0x7b: {  	[sflag:s26] =	ssyncadd.s32 $0xFFFFEC00  }
0x7c: {  	_ =	swait.ge [sflag:s26], $0x1400  }
0x7d: {  	[sflag:s26] =	ssyncset.done $0x0  }
0x7e: {  	s6 =	sadd.s32 $0x280, s6;
	[sflag:s26] =	ssyncadd.s32 $0xFFFFEC00  }
0x7f: {  	[hbm4b:s6+s3] =	stream.linear.scatter [tilespmem:s23], [sflag:$0x3], $0x1400, $0x38;
	[tilespmem:$0x5200] =	vst v63  }
0x80: {  	_ =	swait.ge [sflag:s16], $0x1400  }
.Ltmp0:
0x81: {  	[sflag:s16] =	ssyncset.done $0x0;
	(pc) =	sbr.rel @p0 .LBB2_2-.Ltmp0, $4  }
0x82: {  	s2 =	sadd.s32 $0x280, s2;
	[sflag:s16] =	ssyncadd.s32 $0xFFFFEC00  }
0x83: {  	[hbm4b:s2+s3] =	stream.linear.scatter [tilespmem:s24], [sflag:$0x3], $0x1400, $0x38;
	[tilespmem:$0x5200] =	vst v63  }
0x84: {  	_ =	swait.ge [sflag:s16], $0x1400  }
0x85: {  	s30 =	sadd.s32 $0xA, s30;
	[sflag:s16] =	ssyncset.done $0x0  }
0x86: {  	[sflag:s16] =	ssyncadd.s32 $0xFFFFEC00  }
0x87: {  	_ =	swait.ge [sflag:s25], $0x1400  }
0x88: {  	[sflag:s25] =	ssyncset.done $0x0  }
0x89: {  	[sflag:s25] =	ssyncadd.s32 $0xFFFFEC00  }
0x8a: {  	_ =	swait.ge [sflag:s25], $0x1400  }
0x8b: {  	[sflag:s25] =	ssyncset.done $0x0  }
0x8c: {  	s2 =	rddreg [dreg:$0x5];
	[sflag:s25] =	ssyncadd.s32 $0xFFFFEC00  }
0x8d: {  	[hbm4b:s2+s3] =	stream.linear.scatter [tilespmem:s19], [sflag:$0x3], $0x1400, $0x38;
	[tilespmem:$0x5200] =	vst v63  }
0x8e: {  	s28 =	sadd.s32 $0x1, s28;
	_ =	swait.ge [sflag:s16], $0x1400  }
0x8f: {  	p0 =	sne.s32 s28, s10;
	[sflag:s16] =	ssyncset.done $0x0  }
.Ltmp1:
0x90: {  	[sflag:s16] =	ssyncadd.s32 $0xFFFFEC00;
	(pc) =	sbr.rel @p0 .LBB2_1-.Ltmp1, $4  }
0x91: {  	[hbm4b:s9+s3] =	stream.linear.scatter [tilespmem:s20], [sflag:$0x3], $0x1400, $0x38;
	[tilespmem:$0x5200] =	vst v63  }
0x92: {  	_ =	swait.ge [sflag:s16], $0x1400  }
0x93: {  	[sflag:s16] =	ssyncset.done $0x0  }
0x94: {  	[sflag:s16] =	ssyncadd.s32 $0xFFFFEC00  }
0x95: {  	_ =	sfence.sel $0x180000  }
0x96: {  	[bflag:$0x0] =	sbarrier.arrive $0xFFFF  }
0x97: {  	_ =	strace $0x90000047  }
0x98: {  	s0 =	stileid.u32;
	[bflag:$0x2] =	sbarrier.arrive $0xFFFF  }
0x99: {  	p0 =	sne.s32 s0, $0x0;
	s0 =	rddreg [dreg:$0x2]  }
0x9a: {  	s0 =	sadd.s32 @!p0 $0x100000, s0  }
0x9b: {  	[sflag:s0] =	ssyncadd.tile.s32 @!p0 $0x1;
	_ =	shalt  }
.Lfunc_end2:
_tile_overlayer_lowered:
.L_overlay_start_2:
0x9c: {  	(tag) =	ssettag $0x2  }
0x9d: {  	s0 =	rddreg [dreg:$0x0];
	s2 =	stileid.u32  }
0x9e: {  	s1 =	rddreg [dreg:$0x1];
	p0 =	sne.s32 s2, $0x0  }
0x9f: {  	s3 =	rddreg [dreg:$0x2];
	[bflag:$0x3] =	sbarrier.arrive $0xFFFF;
	s2 =	simm.s32 @!p0 $0x1C03  }
0xa0: {  	[timem:s3], [sflag:s2] =	dma.local @!p0 [hbm:s0], s1  }
0xa1: {  	s0 =	simm.s32 @!p0 $0x3  }
0xa2: {  	_ =	swait.ge @!p0 [sflag:s0], s1  }
0xa3: {  	s1 =	ssub.s32 @!p0 $0x0, s1;
	[sflag:s0] =	ssyncset.done @!p0 $0x0  }
0xa4: {  	[sflag:s0] =	ssyncadd.s32 @!p0 s1  }
0xa5: {  	[bflag:$0x3] =	sbarrier.arrive $0xFFFF  }
0xa6: {  	_ =	shalt  }

// kernel: kernel.13.cloned.1.call-start
scs
__scs_entry_jumppad:
0x0: {  	(pc) =	sbr.rel $0x88, $3  }
0x1: {  	(tag) =	ssettag $0x0;
	lr =	simm.s32 $0x1  }
0x2: {  	[smem:$0x3F95] =	sst lr;
	_ =	strace $0xD0000000  }
0x3: {  	_ = 	snop  }
0x4: {  	_ = 	snop  }
0x5: {  	_ = 	snop  }
0x6: {  	_ = 	snop  }
0x7: {  	_ = 	snop  }
__scs_overlays_trampoline_lowered:
0x8: {  	[smem:$0x3FA4] =	sst s0  }
0x9: {  	[smem:$0x3FA5] =	sst s1  }
0xa: {  	[smem:$0x3FA6] =	sst s2  }
0xb: {  	[smem:$0x3FA7] =	sst s3  }
0xc: {  	[smem:$0x3FA8] =	sst s4  }
0xd: {  	[smem:$0x3FA9] =	sst s5  }
0xe: {  	[smem:$0x3FAA] =	sst s6  }
0xf: {  	[smem:$0x3FAB] =	sst s7  }
0x10: {  	[smem:$0x3FAC] =	sst s8  }
0x11: {  	[smem:$0x3FAD] =	sst s9;
	s0 =	simm.s32 @!p0 $0x0  }
0x12: {  	s1 =	sld [smem:$0x3F93];
	s0 =	simm.s32 @p0 $0x1  }
0x13: {  	[smem:$0x3FAE] =	sst s0;
	s0 =	simm.s32 @!p1 $0x0  }
0x14: {  	s2 =	sld [smem:$0x3F92];
	s0 =	simm.s32 @p1 $0x1  }
0x15: {  	[smem:$0x3FAF] =	sst s0;
	s0 =	simm.s32 @!p2 $0x0  }
0x16: {  	s3 =	sld [smem:$0x3FDB];
	s0 =	simm.s32 @p2 $0x1  }
0x17: {  	s4 =	simm.s32 $0x1BF5;
	[smem:$0x3FB1] =	sst s0  }
0x18: {  	s0 =	sld [smem:$0x3F94];
	_ =	swait.ge [sflag:s4], $0x0  }
0x19: {  	s7 =	sld [smem:$0x3F95]  }
0x1a: {  	s8 =	sadd.s32 $0xFFFFE003, lr  }
0x1b: {  	s9 =	sadd.s32 $0xFFFFFEF7, lr;
	s5 =	simm.s32 $0xFFFFFFFF;
	p2 =	slt.u32 s8, $0xFFFFF086  }
0x1c: {  	p1 =	slt.u32 s9, $0xF7A;
	s5 =	simm.s32 @!p2 $0x0  }
0x1d: {  	s5 =	simm.s32 @p1 $0x1;
	p0 =	seq.s32 s7, s2  }
0x1e: {  	s7 =	smul.u32 @!p0 $0xF7A, s2;
	p2 =	seq.s32 @!p0 s5, $0x0  }
0x1f: {  	s9 =	smul.u32 $0xF7A, s1;
	s8 =	simm.s32 @!p0 $0x1BF5;
	p2 =	por !p2, p0  }
0x20: {  	[sflag:s8] =	ssyncset.s32 @!p0 $0xFFFFF086;
	s6 =	sadd.s32 @!p0 s3, s7;
	s7 =	simm.s32 @!p0 $0x108  }
0x21: {  	s3 =	sadd.s32 s3, s9;
	s6 =	sadd.s32 @!p0 $0x88, s6;
	s7 =	simm.s32 @p2 $0x1082  }
0x22: {  	[simem:s7], [sflag:s8] =	dma.local @!p0 [hbm:s6], $0xF7A  }
0x23: {  	s9 =	sor.u32 $0xD0000000, s2;
	s6 =	simm.s32 $0x108;
	_ =	swait.ge @!p0 [sflag:s8], $0x0  }
0x24: {  	s3 =	sadd.s32 $0x88, s3;
	s6 =	simm.s32 @!p1 $0x1082;
	[sflag:s4] =	ssyncset.s32 $0xFFFFF086  }
0x25: {  	[simem:s6], [sflag:s4] =	dma.local [hbm:s3], $0xF7A  }
0x26: {  	[smem:$0x3F95] =	sst s1;
	(tag) =	ssettag s2;
	_ =	strace s9  }
0x27: {  	s1 =	sld [smem:$0x3FA5]  }
0x28: {  	s2 =	sld [smem:$0x3FA6]  }
0x29: {  	s4 =	sld [smem:$0x3FA8]  }
0x2a: {  	p0 =	seq.s32 s5, $0x0;
	s5 =	sld [smem:$0x3FA9]  }
0x2b: {  	s6 =	sld [smem:$0x3FAA]  }
0x2c: {  	s7 =	sld [smem:$0x3FAB]  }
0x2d: {  	s3 =	simm.s32 $0x108;
	s8 =	sld [smem:$0x3FAC]  }
0x2e: {  	s3 =	simm.s32 @!p0 $0x1082;
	s9 =	sld [smem:$0x3FAD]  }
0x2f: {  	lr =	sadd.s32 s0, s3;
	s0 =	sld [smem:$0x3FA4]  }
0x30: {  	s3 =	sld [smem:$0x3FA7]  }
0x31: {  	[smem:$0x3FB0] =	sst s10  }
0x32: {  	s10 =	sld [smem:$0x3FAE];
	_ =	sdelay $0x3  }
0x33: {  	p0 =	seq.s32 s10, $0x1;
	s10 =	sld [smem:$0x3FB0];
	_ =	sdelay $0x3  }
0x34: {  	[smem:$0x3FB0] =	sst s10  }
0x35: {  	s10 =	sld [smem:$0x3FAF];
	_ =	sdelay $0x3  }
0x36: {  	p1 =	seq.s32 s10, $0x1;
	s10 =	sld [smem:$0x3FB0];
	_ =	sdelay $0x3  }
0x37: {  	[smem:$0x3FB0] =	sst s10  }
0x38: {  	s10 =	sld [smem:$0x3FB1]  }
0x39: {  	_ = 	snop;
	(pc) =	sbr.ind lr, $3  }
0x3a: {  	_ = 	snop  }
0x3b: {  	_ = 	snop  }
0x3c: {  	p2 =	seq.s32 s10, $0x1;
	s10 =	sld [smem:$0x3FB0]  }
0x3d: {  	_ =	shalt  }
0x3e: {  	_ =	shalt  }
0x3f: {  	_ =	shalt  }
0x40: {  	_ =	shalt  }
0x41: {  	_ =	shalt  }
0x42: {  	_ =	shalt  }
0x43: {  	_ =	shalt  }
0x44: {  	_ =	shalt  }
0x45: {  	_ =	shalt  }
0x46: {  	_ =	shalt  }
0x47: {  	_ =	shalt  }
0x48: {  	_ =	shalt  }
0x49: {  	_ =	shalt  }
0x4a: {  	_ =	shalt  }
0x4b: {  	_ =	shalt  }
0x4c: {  	_ =	shalt  }
0x4d: {  	_ =	shalt  }
0x4e: {  	_ =	shalt  }
0x4f: {  	_ =	shalt  }
0x50: {  	_ =	shalt  }
0x51: {  	_ =	shalt  }
0x52: {  	_ =	shalt  }
0x53: {  	_ =	shalt  }
0x54: {  	_ =	shalt  }
0x55: {  	_ =	shalt  }
0x56: {  	_ =	shalt  }
0x57: {  	_ =	shalt  }
0x58: {  	_ =	shalt  }
0x59: {  	_ =	shalt  }
0x5a: {  	_ =	shalt  }
0x5b: {  	_ =	shalt  }
0x5c: {  	_ =	shalt  }
0x5d: {  	_ =	shalt  }
0x5e: {  	_ =	shalt  }
0x5f: {  	_ =	shalt  }
0x60: {  	_ =	shalt  }
0x61: {  	_ =	shalt  }
0x62: {  	_ =	shalt  }
0x63: {  	_ =	shalt  }
0x64: {  	_ =	shalt  }
0x65: {  	_ =	shalt  }
0x66: {  	_ =	shalt  }
0x67: {  	_ =	shalt  }
0x68: {  	_ =	shalt  }
0x69: {  	_ =	shalt  }
0x6a: {  	_ =	shalt  }
0x6b: {  	_ =	shalt  }
0x6c: {  	_ =	shalt  }
0x6d: {  	_ =	shalt  }
0x6e: {  	_ =	shalt  }
0x6f: {  	_ =	shalt  }
0x70: {  	_ =	shalt  }
0x71: {  	_ =	shalt  }
0x72: {  	_ =	shalt  }
0x73: {  	_ =	shalt  }
0x74: {  	_ =	shalt  }
0x75: {  	_ =	shalt  }
0x76: {  	_ =	shalt  }
0x77: {  	_ =	shalt  }
0x78: {  	_ =	shalt  }
0x79: {  	_ =	shalt  }
0x7a: {  	_ =	shalt  }
0x7b: {  	_ =	shalt  }
0x7c: {  	_ =	shalt  }
0x7d: {  	_ =	shalt  }
0x7e: {  	_ =	shalt  }
0x7f: {  	_ =	shalt  }
0x80: {  	_ =	shalt  }
0x81: {  	_ =	shalt  }
0x82: {  	_ =	shalt  }
0x83: {  	_ =	shalt  }
0x84: {  	_ =	shalt  }
0x85: {  	_ =	shalt  }
0x86: {  	_ =	shalt  }
0x87: {  	_ =	shalt  }
.Lfunc_end0:
.L_simem_size_0:
called_computation.1_lowered:
.L_overlay_start_0:
0x88: {  	s2 =	sld [smem:$0x3FD9]  }
0x89: {  	s3 =	sld [smem:$0x3FFE];
	_ =	sdelay $0x1  }
0x8a: {  	s1 =	srdreg.scid  }
0x8b: {  	s0 =	sand.u32 $0x1, s1  }
0x8c: {  	s17 =	sshll.u32 s0, $0xA;
	s2 =	sadd.s32 s3, s2  }
0x8d: {  	s2 =	sadd.s32 s2, s17  }
0x8e: {  	[smem:$0x3FBC] =	sst s2  }
0x8f: {  	_ = 	snop  }
0x90: {  	(tm) =	ssettm $0x1  }
0x91: {  	s18 =	sld [smem:$0x3FFB];
	_ =	sdelay $0x3  }
0x92: {  	_ =	strace s18  }
0x93: {  	s2 =	sld [smem:$0x3FFC];
	_ =	sdelay $0x3  }
0x94: {  	_ =	strace s2  }
0x95: {  	s2 =	sld [smem:$0x3FFD];
	_ =	sdelay $0x3  }
0x96: {  	_ =	strace s2  }
0x97: {  	_ =	strace $0x8FFFFFFF  }
0x98: {  	s19 =	sld [smem:$0x3FDB];
	_ =	sdelay $0x1  }
0x99: {  	s20 =	simm.s32 $_scs_section_size  }
0x9a: {  	s4 =	simm.s32 $_size__tile_overlayer_lowered;
	s5 =	simm.s32 $_tile_overlayer_lowered  }
0x9b: {  	s6 =	simm.s32 $0x1BFF;
	s21 =	sshll.u32 s5, $0x1;
	s3 =	sadd.s32 s20, s19  }
0x9c: {  	s22 =	simm.s32 $0x0;
	s4 =	sshll.u32 s4, $0x1;
	s5 =	sadd.s32 s21, s3  }
0x9d: {  	[timem:s22], [sflag:s6] =	dma.local [hbm:s5], s4  }
0x9e: {  	_ =	swait.ge [sflag:s6], s4  }
0x9f: {  	s4 =	ssub.s32 $0x0, s4;
	[sflag:s6] =	ssyncset.done $0x0  }
0xa0: {  	[sflag:s6] =	ssyncadd.s32 s4;
	_ =	sdelay $0x1  }
0xa1: {  	s23 =	simm.s32 $0x1B8B  }
0xa2: {  	_ =	swait.ge [sflag:s23], $0x1  }
0xa3: {  	[sflag:s23] =	ssyncset.done $0x0  }
0xa4: {  	[sflag:s23] =	ssyncadd.s32 $0xFFFFFFFF  }
0xa5: {  	s4 =	sld [smem:$0x0]  }
0xa6: {  	s5 =	sand.u32 $0xFFFFFFFE, s1  }
0xa7: {  	p0 =	sne.s32 s1, s5  }
0xa8: {  	s5 =	sshll.u32 @p0 s5, $0xE  }
0xa9: {  	s5 =	sadd.s32 @p0 $0x11B8D, s5;
	s6 =	sshll.u32 @p0 s4, $0x11  }
0xaa: {  	s5 =	sor.u32 @p0 s6, s5  }
0xab: {  	[sflag:s5] =	ssyncadd.remote.s32 @p0 $0x1;
	_ =	sdelay $0x1  }
0xac: {  	s5 =	simm.s32 @p0 $0x1B8D  }
0xad: {  	_ =	swait.eq @p0 [sflag:s5], $0x1  }
0xae: {  	[sflag:s5] =	ssyncadd.s32 @p0 $0xFFFFFFFF  }
0xaf: {  	s6 =	sshll.u32 @!p0 s1, $0xE  }
0xb0: {  	s6 =	sor.u32 @!p0 $0x4000, s6;
	s5 =	simm.s32 @!p0 $0x1B8D  }
0xb1: {  	s4 =	sshll.u32 @!p0 s4, $0x11;
	s6 =	sadd.s32 @!p0 $0x11B8D, s6;
	_ =	swait.eq @!p0 [sflag:s5], $0x1  }
0xb2: {  	s4 =	sor.u32 @!p0 s4, s6;
	[sflag:s5] =	ssyncadd.s32 @!p0 $0xFFFFFFFF  }
0xb3: {  	s25 =	simm.s32 $0x1B8E;
	s24 =	sld [smem:$0x3FFE];
	[sflag:s4] =	ssyncadd.remote.s32 @!p0 $0x1  }
0xb4: {  	s26 =	simm.s32 $execute0_lowered;
	[smem:$0x3FD2] =	sst s25  }
0xb5: {  	s5 =	sshll.u32 s26, $0x1;
	_ =	strace $0x8000004C;
	[dreg:$0x1] =	wrdreg $0xFFFFFFFF  }
0xb6: {  	s28 =	simm.s32 $_size_execute0_lowered;
	s3 =	sadd.s32 s3, s5;
	[dreg:$0x0] =	wrdreg $0x0  }
0xb7: {  	s5 =	sshll.u32 s28, $0x1;
	[dreg:$0x2] =	wrdreg s3  }
0xb8: {  	[dreg:$0x3] =	wrdreg s5  }
0xb9: {  	[dreg:$0x4] =	wrdreg $0xC0  }
0xba: {  	_ =	task [dreg:s22], $0x5FFFF  }
0xbb: {  	[dreg:$0x1] =	wrdreg $0xFFFFFFFF  }
0xbc: {  	[dreg:$0x0] =	wrdreg $0x60  }
0xbd: {  	[dreg:$0x2] =	wrdreg s24  }
0xbe: {  	[dreg:$0x3] =	wrdreg $0x29000  }
0xbf: {  	[dreg:$0x4] =	wrdreg $0x9  }
0xc0: {  	_ =	task.clear_ibuf [dreg:s22], $0x5FFFF;
	_ =	strace $0x9000004C  }
0xc1: {  	s29 =	simm.s32 $0x9;
	_ =	strace $0x8000004E  }
0xc2: {  	_ =	swait.ge [sflag:s29], $0x1  }
0xc3: {  	[sflag:s29] =	ssyncadd.s32 $0xFFFFFFFF  }
0xc4: {  	_ =	strace $0x9000004E  }
0xc5: {  	_ =	sfence  }
0xc6: {  	s30 =	sld [smem:$0x0];
	_ =	sdelay $0x2  }
0xc7: {  	s31 =	sshll.u32 s1, $0xD;
	s1 =	sshrl.u32 s1, $0x2  }
0xc8: {  	s4 =	sand.u32 $0x4000, s31;
	s1 =	sadd.s32 s1, s30  }
0xc9: {  	s0 =	sor.u32 s4, s0;
	s1 =	sshll.u32 s1, $0x11  }
0xca: {  	s0 =	sor.u32 s1, s0  }
0xcb: {  	s0 =	sadd.s32 $0x8F2B, s0  }
0xcc: {  	[sflag:s0] =	ssyncadd.remote.s32 $0x1  }
0xcd: {  	_ =	sfence.sel $0xFFFF  }
0xce: {  	[dreg:$0x0] =	wrdreg $0xFFFFFFFF;
	(pc) =	sbr.abs _section_cstart, $3  }
0xcf: {  	[dreg:$0x1] =	wrdreg $0xFFFFFFFF  }
0xd0: {  	_ =	task.clear_ibuf [dreg:s22], $0x2FFFF;
	_ =	strace $0x9FFFFFFF  }
0xd1: {  	(tm) =	ssettm $0x7FFFFFFF  }
tec
execute0_lowered:
.L_overlay_start_1:
0x0: {  	(tag) =	ssettag $0x1  }
0x1: {  	s6 =	rddreg [dreg:$0x0]  }
0x2: {  	s1 =	rddreg [dreg:$0x1]  }
0x3: {  	s0 =	rddreg [dreg:$0x2];
	s2 =	srdreg.scid  }
0x4: {  	s3 =	simm.s32 $0x0;
	s18 =	simm.s32 $0x1500;
	s9 =	sand.u32 $0x1, s2  }
0x5: {  	s19 =	simm.s32 $0x1;
	s2 =	stileid.u32;
	s7 =	smul.u32 $0x13C000, s9  }
0x6: {  	s20 =	simm.s32 $0x28;
	s21 =	simm.s32 $0x2;
	s8 =	smul.u32 $0x13C00, s2  }
0x7: {  	s22 =	simm.s32 $0x0;
	[smem:$0x7FF] =	sst s3;
	s11 =	smul.u32 $0x4F000, s2  }
0x8: {  	s10 =	sadd.s32 $0x9DBC00, s6;
	s4 =	sadd.s32 $0x8C00, s6;
	s26 =	smul.u32 $0x2710, s2  }
0x9: {  	s5 =	sadd.s32 $0x3C00, s6;
	_ =	strace $0x8000004D;
	s15 =	smul.u32 $0x1388, s9  }
0xa: {  	s23 =	sshll.u32 s2, $0x1;
	s24 =	ssub.s32 $0x2, s9;
	s16 =	smul.u32 $0x27100, s2  }
0xb: {  	s28 =	sshll.u32 s2, $0x6;
	s17 =	smul.u32 $0x13880, s9;
	s13 =	sshrl.u32 s24, $0x1  }
0xc: {  	s7 =	sadd.s32 s8, s7;
	s8 =	sor.u32 s9, s23;
	s11 =	sshrl.u32 s11, $0x2  }
0xd: {  	s13 =	ssub.s32 s24, s13;
	s15 =	sadd.s32 s15, s26;
	s29 =	sadd.s32 s16, s10  }
0xe: {  	s16 =	simm.s32 $0x80;
	s7 =	sshrl.u32 s7, $0x3;
	s25 =	smul.u32 $0x1388, s8  }
0xf: {  	s8 =	smul.u32 $0x13880, s8;
	s14 =	sadd.s32 s11, s1;
	s30 =	sadd.s32 $0x28, s15  }
0x10: {  	s11 =	sadd.s32 s17, s29;
	s17 =	simm.s32 $0x1480;
	s12 =	sadd.s32 s7, s6  }
0x11: {  	s6 =	sor.u32 $0x1C03, s28;
	s31 =	sshrl.u32 s30, $0x3;
	s11 =	sadd.s32 $0x500, s11  }
0x12: {  	s14 =	sshrl.u32 s14, $0x3;
	s7 =	sshrl.u32 s25, $0x3;
	s8 =	sadd.s32 s10, s8  }
0x13: {  	s9 =	sadd.s32 $0xC4CC00, s12;
	s10 =	smax.u32 s13, $0x1;
	s12 =	sadd.s32 $0x50, s15  }
0x14: {  	s13 =	sadd.s32 s31, s4;
	s15 =	simm.s32 $0x3;
	s7 =	sadd.s32 s4, s7  }
.LBB2_1:
0x15: {  	[spmem:s14], [sflag:s6] =	dma.local [hbm:s5], $0x2780  }
0x16: {  	_ =	swait.ge [sflag:s15], $0x2780  }
0x17: {  	[sflag:s15] =	ssyncset.done $0x0  }
0x18: {  	[sflag:s15] =	ssyncadd.s32 $0xFFFFD880  }
0x19: {  	[bflag:$0x0] =	sbarrier.arrive $0xFFFF  }
0x1a: {  	[tilespmem:s3], [sflag:$0x1] =	stream.linear.gather [hbm4b:s7+s3], $0x28, $0x38;
	[tilespmem:$0x16500] =	vst v63  }
0x1b: {  	_ = 	snop  }
0x1c: {  	[tilespmem:s16], [sflag:$0x1] =	stream.linear.gather [hbm4b:s8+s3], $0x1400, $0x38;
	[tilespmem:$0x16500] =	vst v63  }
0x1d: {  	s23 =	sadd.s32 $0x0, s13  }
0x1e: {  	[tilespmem:s17], [sflag:$0x2] =	stream.linear.gather [hbm4b:s23+s3], $0x28, $0x38;
	[tilespmem:$0x16500] =	vst v63  }
0x1f: {  	s30 =	sadd.s32 $0xFFFFFD80, s11  }
0x20: {  	[tilespmem:s18], [sflag:$0x2] =	stream.linear.gather [hbm4b:s30+s3], $0x1400, $0x38;
	[tilespmem:$0x16500] =	vst v63  }
0x21: {  	_ =	swait.ge [sflag:s19], $0x28  }
0x22: {  	[sflag:s19] =	ssyncset.done $0x0  }
0x23: {  	[sflag:s19] =	ssyncadd.s32 $0xFFFFFFD8  }
0x24: {  	_ =	swait.ge [sflag:s19], $0x1400  }
0x25: {  	[sflag:s19] =	ssyncset.done $0x0  }
0x26: {  	[sflag:s19] =	ssyncadd.s32 $0xFFFFEC00  }
0x27: {  	[spmem:s1] =	stream.indirect.scatter.add.f32 [tilespmem:s16], [sflag:$0x3], $0x80, s3, s20, $0xb8;
	[tilespmem:$0x16500] =	vst v63  }
0x28: {  	_ =	swait.ge [sflag:s15], $0x1400  }
0x29: {  	s31 =	sshrl.u32 s12, $0x3;
	[sflag:s15] =	ssyncset.done $0x0  }
0x2a: {  	s23 =	sadd.s32 s4, s31;
	[sflag:s15] =	ssyncadd.s32 $0xFFFFEC00  }
0x2b: {  	[tilespmem:s3], [sflag:$0x1] =	stream.linear.gather [hbm4b:s23+s3], $0x28, $0x38;
	[tilespmem:$0x16500] =	vst v63  }
0x2c: {  	_ = 	snop  }
0x2d: {  	[tilespmem:s16], [sflag:$0x1] =	stream.linear.gather [hbm4b:s11+s3], $0x1400, $0x38;
	[tilespmem:$0x16500] =	vst v63  }
0x2e: {  	_ =	swait.ge [sflag:s21], $0x28  }
0x2f: {  	[sflag:s21] =	ssyncset.done $0x0  }
0x30: {  	[sflag:s21] =	ssyncadd.s32 $0xFFFFFFD8  }
0x31: {  	_ =	swait.ge [sflag:s21], $0x1400  }
0x32: {  	[sflag:s21] =	ssyncset.done $0x0  }
0x33: {  	[sflag:s21] =	ssyncadd.s32 $0xFFFFEC00  }
0x34: {  	[spmem:s1] =	stream.indirect.scatter.add.f32 [tilespmem:s18], [sflag:$0x3], $0x80, s17, s20, $0xb8;
	[tilespmem:$0x16500] =	vst v63  }
0x35: {  	s25 =	simm.s32 $0xA;
	s26 =	simm.s32 $0x14;
	_ =	swait.ge [sflag:s15], $0x1400  }
0x36: {  	s24 =	sadd.s32 $0x50, s12;
	s23 =	sadd.s32 $0x500, s11;
	[sflag:s15] =	ssyncset.done $0x0  }
.LBB2_2:
0x37: {  	s28 =	sadd.s32 s25, s13  }
0x38: {  	[sflag:s15] =	ssyncadd.s32 $0xFFFFEC00;
	s25 =	smov.u32 s26;
	s29 =	sadd.s32 $0xA, s26  }
0x39: {  	[tilespmem:s17], [sflag:$0x2] =	stream.linear.gather [hbm4b:s28+s3], $0x28, $0x38;
	[tilespmem:$0x16500] =	vst v63  }
0x3a: {  	p0 =	sne.s32 s26, $0x262;
	s26 =	sadd.s32 $0xFFFFFD80, s23  }
0x3b: {  	[tilespmem:s18], [sflag:$0x2] =	stream.linear.gather [hbm4b:s26+s3], $0x1400, $0x38;
	[tilespmem:$0x16500] =	vst v63  }
0x3c: {  	_ =	swait.ge [sflag:s19], $0x28  }
0x3d: {  	[sflag:s19] =	ssyncset.done $0x0  }
0x3e: {  	[sflag:s19] =	ssyncadd.s32 $0xFFFFFFD8  }
0x3f: {  	_ =	swait.ge [sflag:s19], $0x1400  }
0x40: {  	[sflag:s19] =	ssyncset.done $0x0  }
0x41: {  	[sflag:s19] =	ssyncadd.s32 $0xFFFFEC00  }
0x42: {  	[spmem:s1] =	stream.indirect.scatter.add.f32 [tilespmem:s16], [sflag:$0x3], $0x80, s3, s20, $0xb8;
	[tilespmem:$0x16500] =	vst v63  }
0x43: {  	_ =	swait.ge [sflag:s15], $0x1400  }
0x44: {  	s26 =	sshrl.u32 s24, $0x3;
	[sflag:s15] =	ssyncset.done $0x0  }
0x45: {  	s26 =	sadd.s32 s4, s26;
	[sflag:s15] =	ssyncadd.s32 $0xFFFFEC00  }
0x46: {  	[tilespmem:s3], [sflag:$0x1] =	stream.linear.gather [hbm4b:s26+s3], $0x28, $0x38;
	[tilespmem:$0x16500] =	vst v63  }
0x47: {  	_ = 	snop  }
0x48: {  	[tilespmem:s16], [sflag:$0x1] =	stream.linear.gather [hbm4b:s23+s3], $0x1400, $0x38;
	[tilespmem:$0x16500] =	vst v63  }
0x49: {  	_ =	swait.ge [sflag:s21], $0x28  }
0x4a: {  	[sflag:s21] =	ssyncset.done $0x0  }
0x4b: {  	[sflag:s21] =	ssyncadd.s32 $0xFFFFFFD8  }
0x4c: {  	_ =	swait.ge [sflag:s21], $0x1400  }
.Ltmp0:
0x4d: {  	[sflag:s21] =	ssyncset.done $0x0;
	(pc) =	sbr.rel @p0 .LBB2_2-.Ltmp0, $4  }
0x4e: {  	[sflag:s21] =	ssyncadd.s32 $0xFFFFEC00  }
0x4f: {  	[spmem:s1] =	stream.indirect.scatter.add.f32 [tilespmem:s18], [sflag:$0x3], $0x80, s17, s20, $0xb8;
	[tilespmem:$0x16500] =	vst v63  }
0x50: {  	s24 =	sadd.s32 $0x50, s24;
	_ =	swait.ge [sflag:s15], $0x1400  }
0x51: {  	s26 =	smov.u32 s29;
	s23 =	sadd.s32 $0x500, s23;
	[sflag:s15] =	ssyncset.done $0x0  }
0x52: {  	s25 =	sadd.s32 s25, s13;
	[sflag:s15] =	ssyncadd.s32 $0xFFFFEC00  }
0x53: {  	[tilespmem:s17], [sflag:$0x2] =	stream.linear.gather [hbm4b:s25+s3], $0x28, $0x38;
	[tilespmem:$0x16500] =	vst v63  }
0x54: {  	s31 =	sadd.s32 $0xFFFFFD80, s23  }
0x55: {  	[tilespmem:s18], [sflag:$0x2] =	stream.linear.gather [hbm4b:s31+s3], $0x1400, $0x38;
	[tilespmem:$0x16500] =	vst v63  }
0x56: {  	_ =	swait.ge [sflag:s19], $0x28  }
0x57: {  	[sflag:s19] =	ssyncset.done $0x0  }
0x58: {  	[sflag:s19] =	ssyncadd.s32 $0xFFFFFFD8  }
0x59: {  	_ =	swait.ge [sflag:s19], $0x1400  }
0x5a: {  	[sflag:s19] =	ssyncset.done $0x0  }
0x5b: {  	[sflag:s19] =	ssyncadd.s32 $0xFFFFEC00  }
0x5c: {  	[spmem:s1] =	stream.indirect.scatter.add.f32 [tilespmem:s16], [sflag:$0x3], $0x80, s3, s20, $0xb8;
	[tilespmem:$0x16500] =	vst v63  }
0x5d: {  	_ =	swait.ge [sflag:s15], $0x1400  }
0x5e: {  	s24 =	sshrl.u32 s24, $0x3;
	[sflag:s15] =	ssyncset.done $0x0  }
0x5f: {  	s24 =	sadd.s32 s4, s24;
	[sflag:s15] =	ssyncadd.s32 $0xFFFFEC00  }
0x60: {  	[tilespmem:s3], [sflag:$0x1] =	stream.linear.gather [hbm4b:s24+s3], $0x28, $0x38;
	[tilespmem:$0x16500] =	vst v63  }
0x61: {  	_ = 	snop  }
0x62: {  	[tilespmem:s16], [sflag:$0x1] =	stream.linear.gather [hbm4b:s23+s3], $0x1400, $0x38;
	[tilespmem:$0x16500] =	vst v63  }
0x63: {  	_ =	swait.ge [sflag:s21], $0x28  }
0x64: {  	[sflag:s21] =	ssyncset.done $0x0  }
0x65: {  	[sflag:s21] =	ssyncadd.s32 $0xFFFFFFD8  }
0x66: {  	_ =	swait.ge [sflag:s21], $0x1400  }
0x67: {  	[sflag:s21] =	ssyncset.done $0x0  }
0x68: {  	[sflag:s21] =	ssyncadd.s32 $0xFFFFEC00  }
0x69: {  	[spmem:s1] =	stream.indirect.scatter.add.f32 [tilespmem:s18], [sflag:$0x3], $0x80, s17, s20, $0xb8;
	[tilespmem:$0x16500] =	vst v63  }
0x6a: {  	_ =	swait.ge [sflag:s15], $0x1400  }
0x6b: {  	[sflag:s15] =	ssyncset.done $0x0  }
0x6c: {  	[sflag:s15] =	ssyncadd.s32 $0xFFFFEC00  }
0x6d: {  	_ =	swait.ge [sflag:s19], $0x28  }
0x6e: {  	[sflag:s19] =	ssyncset.done $0x0  }
0x6f: {  	[sflag:s19] =	ssyncadd.s32 $0xFFFFFFD8  }
0x70: {  	_ =	swait.ge [sflag:s19], $0x1400  }
0x71: {  	[sflag:s19] =	ssyncset.done $0x0  }
0x72: {  	[sflag:s19] =	ssyncadd.s32 $0xFFFFEC00  }
0x73: {  	[spmem:s1] =	stream.indirect.scatter.add.f32 [tilespmem:s16], [sflag:$0x3], $0x80, s3, s20, $0xb8;
	[tilespmem:$0x16500] =	vst v63  }
0x74: {  	_ =	swait.ge [sflag:s15], $0x1400  }
0x75: {  	s22 =	sadd.s32 $0x1, s22;
	[sflag:s15] =	ssyncset.done $0x0  }
0x76: {  	p0 =	sne.s32 s22, s10;
	[sflag:s15] =	ssyncadd.s32 $0xFFFFEC00  }
.Ltmp1:
0x77: {  	[bflag:$0x0] =	sbarrier.arrive $0xFFFF;
	(pc) =	sbr.rel @p0 .LBB2_1-.Ltmp1, $4  }
0x78: {  	[hbm:s9], [sflag:s6] =	dma.local [spmem:s14], $0x2780  }
0x79: {  	_ =	swait.ge [sflag:s15], $0x2780  }
0x7a: {  	[sflag:s15] =	ssyncset.done $0x0  }
0x7b: {  	[sflag:s15] =	ssyncadd.s32 $0xFFFFD880  }
0x7c: {  	_ =	sfence.sel $0x180000  }
0x7d: {  	[bflag:$0x0] =	sbarrier.arrive $0xFFFF  }
0x7e: {  	p0 =	sne.s32 s2, $0x0;
	_ =	strace $0x9000004D  }
0x7f: {  	s0 =	sadd.s32 @!p0 $0x100000, s0;
	[bflag:$0x2] =	sbarrier.arrive $0xFFFF  }
0x80: {  	[sflag:s0] =	ssyncadd.tile.s32 @!p0 $0x1;
	_ =	shalt  }
.Lfunc_end2:
_tile_overlayer_lowered:
.L_overlay_start_2:
0x81: {  	(tag) =	ssettag $0x2  }
0x82: {  	s0 =	rddreg [dreg:$0x0];
	s2 =	stileid.u32  }
0x83: {  	s1 =	rddreg [dreg:$0x1];
	p0 =	sne.s32 s2, $0x0  }
0x84: {  	s3 =	rddreg [dreg:$0x2];
	[bflag:$0x3] =	sbarrier.arrive $0xFFFF;
	s2 =	simm.s32 @!p0 $0x1C03  }
0x85: {  	[timem:s3], [sflag:s2] =	dma.local @!p0 [hbm:s0], s1  }
0x86: {  	s0 =	simm.s32 @!p0 $0x3  }
0x87: {  	_ =	swait.ge @!p0 [sflag:s0], s1  }
0x88: {  	s1 =	ssub.s32 @!p0 $0x0, s1;
	[sflag:s0] =	ssyncset.done @!p0 $0x0  }
0x89: {  	[sflag:s0] =	ssyncadd.s32 @!p0 s1  }
0x8a: {  	[bflag:$0x3] =	sbarrier.arrive $0xFFFF  }
0x8b: {  	_ =	shalt  }

// kernel: kernel.16.cloned.1.call-start
scs
__scs_entry_jumppad:
0x0: {  	(pc) =	sbr.rel $0x88, $3  }
0x1: {  	(tag) =	ssettag $0x0;
	lr =	simm.s32 $0x1  }
0x2: {  	[smem:$0x3F95] =	sst lr;
	_ =	strace $0xD0000000  }
0x3: {  	_ = 	snop  }
0x4: {  	_ = 	snop  }
0x5: {  	_ = 	snop  }
0x6: {  	_ = 	snop  }
0x7: {  	_ = 	snop  }
__scs_overlays_trampoline_lowered:
0x8: {  	[smem:$0x3FA4] =	sst s0  }
0x9: {  	[smem:$0x3FA5] =	sst s1  }
0xa: {  	[smem:$0x3FA6] =	sst s2  }
0xb: {  	[smem:$0x3FA7] =	sst s3  }
0xc: {  	[smem:$0x3FA8] =	sst s4  }
0xd: {  	[smem:$0x3FA9] =	sst s5  }
0xe: {  	[smem:$0x3FAA] =	sst s6  }
0xf: {  	[smem:$0x3FAB] =	sst s7  }
0x10: {  	[smem:$0x3FAC] =	sst s8  }
0x11: {  	[smem:$0x3FAD] =	sst s9;
	s0 =	simm.s32 @!p0 $0x0  }
0x12: {  	s1 =	sld [smem:$0x3F93];
	s0 =	simm.s32 @p0 $0x1  }
0x13: {  	[smem:$0x3FAE] =	sst s0;
	s0 =	simm.s32 @!p1 $0x0  }
0x14: {  	s2 =	sld [smem:$0x3F92];
	s0 =	simm.s32 @p1 $0x1  }
0x15: {  	[smem:$0x3FAF] =	sst s0;
	s0 =	simm.s32 @!p2 $0x0  }
0x16: {  	s3 =	sld [smem:$0x3FDB];
	s0 =	simm.s32 @p2 $0x1  }
0x17: {  	s4 =	simm.s32 $0x1BF5;
	[smem:$0x3FB1] =	sst s0  }
0x18: {  	s0 =	sld [smem:$0x3F94];
	_ =	swait.ge [sflag:s4], $0x0  }
0x19: {  	s7 =	sld [smem:$0x3F95]  }
0x1a: {  	s8 =	sadd.s32 $0xFFFFE003, lr  }
0x1b: {  	s9 =	sadd.s32 $0xFFFFFEF7, lr;
	s5 =	simm.s32 $0xFFFFFFFF;
	p2 =	slt.u32 s8, $0xFFFFF086  }
0x1c: {  	p1 =	slt.u32 s9, $0xF7A;
	s5 =	simm.s32 @!p2 $0x0  }
0x1d: {  	s5 =	simm.s32 @p1 $0x1;
	p0 =	seq.s32 s7, s2  }
0x1e: {  	s7 =	smul.u32 @!p0 $0xF7A, s2;
	p2 =	seq.s32 @!p0 s5, $0x0  }
0x1f: {  	s9 =	smul.u32 $0xF7A, s1;
	s8 =	simm.s32 @!p0 $0x1BF5;
	p2 =	por !p2, p0  }
0x20: {  	[sflag:s8] =	ssyncset.s32 @!p0 $0xFFFFF086;
	s6 =	sadd.s32 @!p0 s3, s7;
	s7 =	simm.s32 @!p0 $0x108  }
0x21: {  	s3 =	sadd.s32 s3, s9;
	s6 =	sadd.s32 @!p0 $0x88, s6;
	s7 =	simm.s32 @p2 $0x1082  }
0x22: {  	[simem:s7], [sflag:s8] =	dma.local @!p0 [hbm:s6], $0xF7A  }
0x23: {  	s9 =	sor.u32 $0xD0000000, s2;
	s6 =	simm.s32 $0x108;
	_ =	swait.ge @!p0 [sflag:s8], $0x0  }
0x24: {  	s3 =	sadd.s32 $0x88, s3;
	s6 =	simm.s32 @!p1 $0x1082;
	[sflag:s4] =	ssyncset.s32 $0xFFFFF086  }
0x25: {  	[simem:s6], [sflag:s4] =	dma.local [hbm:s3], $0xF7A  }
0x26: {  	[smem:$0x3F95] =	sst s1;
	(tag) =	ssettag s2;
	_ =	strace s9  }
0x27: {  	s1 =	sld [smem:$0x3FA5]  }
0x28: {  	s2 =	sld [smem:$0x3FA6]  }
0x29: {  	s4 =	sld [smem:$0x3FA8]  }
0x2a: {  	p0 =	seq.s32 s5, $0x0;
	s5 =	sld [smem:$0x3FA9]  }
0x2b: {  	s6 =	sld [smem:$0x3FAA]  }
0x2c: {  	s7 =	sld [smem:$0x3FAB]  }
0x2d: {  	s3 =	simm.s32 $0x108;
	s8 =	sld [smem:$0x3FAC]  }
0x2e: {  	s3 =	simm.s32 @!p0 $0x1082;
	s9 =	sld [smem:$0x3FAD]  }
0x2f: {  	lr =	sadd.s32 s0, s3;
	s0 =	sld [smem:$0x3FA4]  }
0x30: {  	s3 =	sld [smem:$0x3FA7]  }
0x31: {  	[smem:$0x3FB0] =	sst s10  }
0x32: {  	s10 =	sld [smem:$0x3FAE];
	_ =	sdelay $0x3  }
0x33: {  	p0 =	seq.s32 s10, $0x1;
	s10 =	sld [smem:$0x3FB0];
	_ =	sdelay $0x3  }
0x34: {  	[smem:$0x3FB0] =	sst s10  }
0x35: {  	s10 =	sld [smem:$0x3FAF];
	_ =	sdelay $0x3  }
0x36: {  	p1 =	seq.s32 s10, $0x1;
	s10 =	sld [smem:$0x3FB0];
	_ =	sdelay $0x3  }
0x37: {  	[smem:$0x3FB0] =	sst s10  }
0x38: {  	s10 =	sld [smem:$0x3FB1]  }
0x39: {  	_ = 	snop;
	(pc) =	sbr.ind lr, $3  }
0x3a: {  	_ = 	snop  }
0x3b: {  	_ = 	snop  }
0x3c: {  	p2 =	seq.s32 s10, $0x1;
	s10 =	sld [smem:$0x3FB0]  }
0x3d: {  	_ =	shalt  }
0x3e: {  	_ =	shalt  }
0x3f: {  	_ =	shalt  }
0x40: {  	_ =	shalt  }
0x41: {  	_ =	shalt  }
0x42: {  	_ =	shalt  }
0x43: {  	_ =	shalt  }
0x44: {  	_ =	shalt  }
0x45: {  	_ =	shalt  }
0x46: {  	_ =	shalt  }
0x47: {  	_ =	shalt  }
0x48: {  	_ =	shalt  }
0x49: {  	_ =	shalt  }
0x4a: {  	_ =	shalt  }
0x4b: {  	_ =	shalt  }
0x4c: {  	_ =	shalt  }
0x4d: {  	_ =	shalt  }
0x4e: {  	_ =	shalt  }
0x4f: {  	_ =	shalt  }
0x50: {  	_ =	shalt  }
0x51: {  	_ =	shalt  }
0x52: {  	_ =	shalt  }
0x53: {  	_ =	shalt  }
0x54: {  	_ =	shalt  }
0x55: {  	_ =	shalt  }
0x56: {  	_ =	shalt  }
0x57: {  	_ =	shalt  }
0x58: {  	_ =	shalt  }
0x59: {  	_ =	shalt  }
0x5a: {  	_ =	shalt  }
0x5b: {  	_ =	shalt  }
0x5c: {  	_ =	shalt  }
0x5d: {  	_ =	shalt  }
0x5e: {  	_ =	shalt  }
0x5f: {  	_ =	shalt  }
0x60: {  	_ =	shalt  }
0x61: {  	_ =	shalt  }
0x62: {  	_ =	shalt  }
0x63: {  	_ =	shalt  }
0x64: {  	_ =	shalt  }
0x65: {  	_ =	shalt  }
0x66: {  	_ =	shalt  }
0x67: {  	_ =	shalt  }
0x68: {  	_ =	shalt  }
0x69: {  	_ =	shalt  }
0x6a: {  	_ =	shalt  }
0x6b: {  	_ =	shalt  }
0x6c: {  	_ =	shalt  }
0x6d: {  	_ =	shalt  }
0x6e: {  	_ =	shalt  }
0x6f: {  	_ =	shalt  }
0x70: {  	_ =	shalt  }
0x71: {  	_ =	shalt  }
0x72: {  	_ =	shalt  }
0x73: {  	_ =	shalt  }
0x74: {  	_ =	shalt  }
0x75: {  	_ =	shalt  }
0x76: {  	_ =	shalt  }
0x77: {  	_ =	shalt  }
0x78: {  	_ =	shalt  }
0x79: {  	_ =	shalt  }
0x7a: {  	_ =	shalt  }
0x7b: {  	_ =	shalt  }
0x7c: {  	_ =	shalt  }
0x7d: {  	_ =	shalt  }
0x7e: {  	_ =	shalt  }
0x7f: {  	_ =	shalt  }
0x80: {  	_ =	shalt  }
0x81: {  	_ =	shalt  }
0x82: {  	_ =	shalt  }
0x83: {  	_ =	shalt  }
0x84: {  	_ =	shalt  }
0x85: {  	_ =	shalt  }
0x86: {  	_ =	shalt  }
0x87: {  	_ =	shalt  }
.Lfunc_end0:
.L_simem_size_0:
called_computation.2_lowered:
.L_overlay_start_0:
0x88: {  	s2 =	sld [smem:$0x3FD9]  }
0x89: {  	s3 =	sld [smem:$0x3FFE];
	_ =	sdelay $0x1  }
0x8a: {  	s1 =	srdreg.scid  }
0x8b: {  	s0 =	sand.u32 $0x1, s1  }
0x8c: {  	s17 =	sshll.u32 s0, $0xA;
	s2 =	sadd.s32 s3, s2  }
0x8d: {  	s2 =	sadd.s32 s2, s17  }
0x8e: {  	[smem:$0x3FBC] =	sst s2  }
0x8f: {  	_ = 	snop  }
0x90: {  	s18 =	sld [smem:$0x3FD0];
	(tm) =	ssettm $0x1  }
0x91: {  	s19 =	sld [smem:$0x3FFB];
	_ =	sdelay $0x3  }
0x92: {  	_ =	strace s19  }
0x93: {  	s2 =	sld [smem:$0x3FFC];
	_ =	sdelay $0x3  }
0x94: {  	_ =	strace s2  }
0x95: {  	s2 =	sld [smem:$0x3FFD];
	_ =	sdelay $0x3  }
0x96: {  	_ =	strace s2  }
0x97: {  	_ =	strace $0x8FFFFFFF  }
0x98: {  	s20 =	sld [smem:$0x3FDB];
	_ =	sdelay $0x1  }
0x99: {  	s4 =	simm.s32 $_scs_section_size  }
0x9a: {  	s5 =	simm.s32 $_size__tile_overlayer_lowered;
	s6 =	simm.s32 $_tile_overlayer_lowered  }
0x9b: {  	s7 =	simm.s32 $0x1BFF;
	s21 =	sshll.u32 s6, $0x1;
	s4 =	sadd.s32 s4, s20  }
0x9c: {  	s22 =	simm.s32 $0x0;
	s5 =	sshll.u32 s5, $0x1;
	s6 =	sadd.s32 s21, s4  }
0x9d: {  	[timem:s22], [sflag:s7] =	dma.local [hbm:s6], s5  }
0x9e: {  	_ =	swait.ge [sflag:s7], s5  }
0x9f: {  	s5 =	ssub.s32 $0x0, s5;
	[sflag:s7] =	ssyncset.done $0x0  }
0xa0: {  	[sflag:s7] =	ssyncadd.s32 s5;
	_ =	sdelay $0x1  }
0xa1: {  	s23 =	simm.s32 $0x1B8B  }
0xa2: {  	_ =	swait.ge [sflag:s23], $0x1  }
0xa3: {  	[sflag:s23] =	ssyncset.done $0x0  }
0xa4: {  	[sflag:s23] =	ssyncadd.s32 $0xFFFFFFFF  }
0xa5: {  	s5 =	sld [smem:$0x0]  }
0xa6: {  	s6 =	sand.u32 $0xFFFFFFFE, s1  }
0xa7: {  	p0 =	sne.s32 s1, s6  }
0xa8: {  	s6 =	sshll.u32 @p0 s6, $0xE  }
0xa9: {  	s6 =	sadd.s32 @p0 $0x11B8D, s6;
	s7 =	sshll.u32 @p0 s5, $0x11  }
0xaa: {  	s6 =	sor.u32 @p0 s7, s6  }
0xab: {  	[sflag:s6] =	ssyncadd.remote.s32 @p0 $0x1;
	_ =	sdelay $0x1  }
0xac: {  	s6 =	simm.s32 @p0 $0x1B8D  }
0xad: {  	_ =	swait.eq @p0 [sflag:s6], $0x1  }
0xae: {  	[sflag:s6] =	ssyncadd.s32 @p0 $0xFFFFFFFF  }
0xaf: {  	s7 =	sshll.u32 @!p0 s1, $0xE  }
0xb0: {  	s7 =	sor.u32 @!p0 $0x4000, s7;
	s6 =	simm.s32 @!p0 $0x1B8D  }
0xb1: {  	s5 =	sshll.u32 @!p0 s5, $0x11;
	s7 =	sadd.s32 @!p0 $0x11B8D, s7;
	_ =	swait.eq @!p0 [sflag:s6], $0x1  }
0xb2: {  	s5 =	sor.u32 @!p0 s5, s7;
	[sflag:s6] =	ssyncadd.s32 @!p0 $0xFFFFFFFF  }
0xb3: {  	s25 =	simm.s32 $0x1B8E;
	s24 =	sld [smem:$0x3FFE];
	[sflag:s5] =	ssyncadd.remote.s32 @!p0 $0x1  }
0xb4: {  	s26 =	simm.s32 $execute0_lowered;
	[smem:$0x3FD2] =	sst s25  }
0xb5: {  	s6 =	sshll.u32 s26, $0x1;
	_ =	strace $0x80000049;
	[dreg:$0x1] =	wrdreg $0xFFFFFFFF  }
0xb6: {  	s28 =	simm.s32 $_size_execute0_lowered;
	s4 =	sadd.s32 s4, s6;
	[dreg:$0x0] =	wrdreg $0x0  }
0xb7: {  	s6 =	sshll.u32 s28, $0x1;
	[dreg:$0x2] =	wrdreg s4  }
0xb8: {  	[dreg:$0x3] =	wrdreg s6  }
0xb9: {  	[dreg:$0x4] =	wrdreg $0xC0  }
0xba: {  	_ =	task [dreg:s22], $0x5FFFF  }
0xbb: {  	[dreg:$0x1] =	wrdreg $0xFFFFFFFF  }
0xbc: {  	[dreg:$0x0] =	wrdreg $0x60  }
0xbd: {  	[dreg:$0x2] =	wrdreg s18  }
0xbe: {  	[dreg:$0x3] =	wrdreg s24  }
0xbf: {  	[dreg:$0x4] =	wrdreg $0xA  }
0xc0: {  	_ =	task.clear_ibuf [dreg:s22], $0x5FFFF;
	_ =	strace $0x90000049  }
0xc1: {  	s29 =	simm.s32 $0xA;
	_ =	strace $0x8000004B  }
0xc2: {  	_ =	swait.ge [sflag:s29], $0x1  }
0xc3: {  	[sflag:s29] =	ssyncadd.s32 $0xFFFFFFFF  }
0xc4: {  	_ =	strace $0x9000004B  }
0xc5: {  	_ =	sfence  }
0xc6: {  	s30 =	sld [smem:$0x0];
	_ =	sdelay $0x2  }
0xc7: {  	s31 =	sshll.u32 s1, $0xD;
	s1 =	sshrl.u32 s1, $0x2  }
0xc8: {  	s4 =	sand.u32 $0x4000, s31;
	s1 =	sadd.s32 s1, s30  }
0xc9: {  	s0 =	sor.u32 s4, s0;
	s1 =	sshll.u32 s1, $0x11  }
0xca: {  	s0 =	sor.u32 s1, s0  }
0xcb: {  	s0 =	sadd.s32 $0x8F2B, s0  }
0xcc: {  	[sflag:s0] =	ssyncadd.remote.s32 $0x1  }
0xcd: {  	_ =	sfence.sel $0xFFFF  }
0xce: {  	[dreg:$0x0] =	wrdreg $0xFFFFFFFF;
	(pc) =	sbr.abs _section_cstart, $3  }
0xcf: {  	[dreg:$0x1] =	wrdreg $0xFFFFFFFF  }
0xd0: {  	_ =	task.clear_ibuf [dreg:s22], $0x2FFFF;
	_ =	strace $0x9FFFFFFF  }
0xd1: {  	(tm) =	ssettm $0x7FFFFFFF  }
tec
execute0_lowered:
.L_overlay_start_1:
0x0: {  	(tag) =	ssettag $0x1  }
0x1: {  	s1 =	rddreg [dreg:$0x0]  }
0x2: {  	s0 =	rddreg [dreg:$0x1]  }
0x3: {  	s3 =	simm.s32 $0x0;
	s4 =	srdreg.scid;
	s2 =	stileid.u32  }
0x4: {  	s17 =	simm.s32 $0x80;
	s18 =	simm.s32 $0x28;
	s19 =	simm.s32 $0x100  }
0x5: {  	s20 =	simm.s32 $0x1500;
	s28 =	simm.s32 $0x0;
	[smem:$0x7FF] =	sst s3  }
0x6: {  	s11 =	sand.u32 $0x1, s4;
	s4 =	sadd.s32 $0x4EFC00, s0;
	s14 =	smul.u32 $0x2710, s2  }
0x7: {  	s5 =	sshll.u32 s2, $0x1;
	s12 =	sadd.s32 $0x4F9C00, s0;
	s16 =	smul.u32 $0x27100, s2  }
0x8: {  	_ =	strace $0x8000004A;
	s6 =	sor.u32 s11, s5;
	s15 =	smul.u32 $0x1388, s11  }
0x9: {  	s5 =	sadd.s32 $0x4F4C00, s0;
	s7 =	ssub.s32 $0x2, s11;
	s8 =	smul.u32 $0x1388, s6  }
0xa: {  	s0 =	sadd.s32 $0x76AC00, s0;
	s9 =	sshrl.u32 s7, $0x1;
	s10 =	smul.u32 $0x9C400, s6  }
0xb: {  	s30 =	smul.u32 $0x13880, s11;
	s13 =	ssub.s32 s7, s9;
	s29 =	sadd.s32 s15, s14  }
0xc: {  	s21 =	sshrl.u32 s8, $0x3;
	s23 =	sshrl.u32 s10, $0x3;
	s10 =	smax.u32 s13, $0x1  }
0xd: {  	s11 =	sadd.s32 $0x50, s29;
	s13 =	sadd.s32 $0x28, s29;
	s22 =	sadd.s32 s4, s21  }
0xe: {  	s24 =	sadd.s32 s5, s21;
	s25 =	sadd.s32 $0x13600, s23;
	s31 =	sshrl.u32 s13, $0x3  }
0xf: {  	s21 =	simm.s32 $0x2900;
	s23 =	simm.s32 $0x2A00;
	[dreg:$0x3] =	wrdreg s22  }
0x10: {  	[dreg:$0x4] =	wrdreg s24;
	s26 =	sadd.s32 s12, s25;
	s9 =	sadd.s32 s0, s25  }
0x11: {  	s12 =	sadd.s32 s16, s12;
	s0 =	sadd.s32 s16, s0;
	s15 =	sadd.s32 s31, s4  }
0x12: {  	s16 =	simm.s32 $0x3;
	s22 =	simm.s32 $0x2980;
	s24 =	simm.s32 $0x3E00  }
0x13: {  	s25 =	simm.s32 $0x1;
	[dreg:$0x5] =	wrdreg s26;
	s12 =	sadd.s32 s30, s12  }
0x14: {  	s13 =	sadd.s32 s30, s0;
	s0 =	sadd.s32 s31, s5;
	s26 =	simm.s32 $0x2  }
.LBB2_1:
0x15: {  	s2 =	rddreg [dreg:$0x3]  }
0x16: {  	[tilespmem:s3], [sflag:$0x3] =	stream.linear.gather [hbm4b:s2+s3], $0x28, $0x38;
	[tilespmem:$0x5200] =	vst v63  }
0x17: {  	_ =	swait.ge [sflag:s16], $0x28  }
0x18: {  	[sflag:s16] =	ssyncset.done $0x0  }
0x19: {  	s7 =	rddreg [dreg:$0x4];
	[sflag:s16] =	ssyncadd.s32 $0xFFFFFFD8  }
0x1a: {  	[tilespmem:s17], [sflag:$0x3] =	stream.linear.gather [hbm4b:s7+s3], $0x28, $0x38;
	[tilespmem:$0x5200] =	vst v63  }
0x1b: {  	_ =	swait.ge [sflag:s16], $0x28  }
0x1c: {  	[sflag:s16] =	ssyncset.done $0x0  }
0x1d: {  	[sflag:s16] =	ssyncadd.s32 $0xFFFFFFD8  }
0x1e: {  	[tilespmem:s19], [sflag:$0x1] =	stream.indirect.gather [hbm4b:s1+s18], $0x80, s3, s18, $0xb8;
	[tilespmem:$0x5200] =	vst v63  }
0x1f: {  	_ = 	snop  }
0x20: {  	[tilespmem:s20], [sflag:$0x1] =	stream.indirect.gather [hbm4b:s1+s18], $0x80, s17, s18, $0xb8;
	[tilespmem:$0x5200] =	vst v63  }
0x21: {  	_ = 	snop  }
0x22: {  	[tilespmem:s21], [sflag:$0x3] =	stream.linear.gather [hbm4b:s15+s3], $0x28, $0x38;
	[tilespmem:$0x5200] =	vst v63  }
0x23: {  	_ =	swait.ge [sflag:s16], $0x28  }
0x24: {  	[sflag:s16] =	ssyncset.done $0x0  }
0x25: {  	[sflag:s16] =	ssyncadd.s32 $0xFFFFFFD8  }
0x26: {  	[tilespmem:s22], [sflag:$0x3] =	stream.linear.gather [hbm4b:s0+s3], $0x28, $0x38;
	[tilespmem:$0x5200] =	vst v63  }
0x27: {  	_ =	swait.ge [sflag:s16], $0x28  }
0x28: {  	[sflag:s16] =	ssyncset.done $0x0  }
0x29: {  	[sflag:s16] =	ssyncadd.s32 $0xFFFFFFD8  }
0x2a: {  	[tilespmem:s23], [sflag:$0x2] =	stream.indirect.gather [hbm4b:s1+s18], $0x80, s21, s18, $0xb8;
	[tilespmem:$0x5200] =	vst v63  }
0x2b: {  	_ = 	snop  }
0x2c: {  	[tilespmem:s24], [sflag:$0x2] =	stream.indirect.gather [hbm4b:s1+s18], $0x80, s22, s18, $0xb8;
	[tilespmem:$0x5200] =	vst v63  }
0x2d: {  	_ =	swait.ge [sflag:s25], $0x1400  }
0x2e: {  	[sflag:s25] =	ssyncset.done $0x0  }
0x2f: {  	[sflag:s25] =	ssyncadd.s32 $0xFFFFEC00  }
0x30: {  	_ =	swait.ge [sflag:s25], $0x1400  }
0x31: {  	[sflag:s25] =	ssyncset.done $0x0  }
0x32: {  	s14 =	sadd.s32 $0x0, s12;
	[sflag:s25] =	ssyncadd.s32 $0xFFFFEC00  }
0x33: {  	[hbm4b:s14+s3] =	stream.linear.scatter [tilespmem:s19], [sflag:$0x3], $0x1400, $0x38;
	[tilespmem:$0x5200] =	vst v63  }
0x34: {  	_ =	swait.ge [sflag:s16], $0x1400  }
0x35: {  	[sflag:s16] =	ssyncset.done $0x0  }
0x36: {  	s29 =	sadd.s32 $0x0, s13;
	[sflag:s16] =	ssyncadd.s32 $0xFFFFEC00  }
0x37: {  	[hbm4b:s29+s3] =	stream.linear.scatter [tilespmem:s20], [sflag:$0x3], $0x1400, $0x38;
	[tilespmem:$0x5200] =	vst v63  }
0x38: {  	_ =	swait.ge [sflag:s16], $0x1400  }
0x39: {  	s30 =	sshrl.u32 s11, $0x3;
	[sflag:s16] =	ssyncset.done $0x0  }
0x3a: {  	s31 =	sadd.s32 s4, s30;
	[sflag:s16] =	ssyncadd.s32 $0xFFFFEC00  }
0x3b: {  	[tilespmem:s3], [sflag:$0x3] =	stream.linear.gather [hbm4b:s31+s3], $0x28, $0x38;
	[tilespmem:$0x5200] =	vst v63  }
0x3c: {  	_ =	swait.ge [sflag:s16], $0x28  }
0x3d: {  	[sflag:s16] =	ssyncset.done $0x0  }
0x3e: {  	s30 =	sadd.s32 s5, s30;
	[sflag:s16] =	ssyncadd.s32 $0xFFFFFFD8  }
0x3f: {  	[tilespmem:s17], [sflag:$0x3] =	stream.linear.gather [hbm4b:s30+s3], $0x28, $0x38;
	[tilespmem:$0x5200] =	vst v63  }
0x40: {  	_ =	swait.ge [sflag:s16], $0x28  }
0x41: {  	[sflag:s16] =	ssyncset.done $0x0  }
0x42: {  	[sflag:s16] =	ssyncadd.s32 $0xFFFFFFD8  }
0x43: {  	[tilespmem:s19], [sflag:$0x1] =	stream.indirect.gather [hbm4b:s1+s18], $0x80, s3, s18, $0xb8;
	[tilespmem:$0x5200] =	vst v63  }
0x44: {  	_ = 	snop  }
0x45: {  	[tilespmem:s20], [sflag:$0x1] =	stream.indirect.gather [hbm4b:s1+s18], $0x80, s17, s18, $0xb8;
	[tilespmem:$0x5200] =	vst v63  }
0x46: {  	_ =	swait.ge [sflag:s26], $0x1400  }
0x47: {  	[sflag:s26] =	ssyncset.done $0x0  }
0x48: {  	[sflag:s26] =	ssyncadd.s32 $0xFFFFEC00  }
0x49: {  	_ =	swait.ge [sflag:s26], $0x1400  }
0x4a: {  	[sflag:s26] =	ssyncset.done $0x0  }
0x4b: {  	s14 =	sadd.s32 $0x280, s14;
	[sflag:s26] =	ssyncadd.s32 $0xFFFFEC00  }
0x4c: {  	[hbm4b:s14+s3] =	stream.linear.scatter [tilespmem:s23], [sflag:$0x3], $0x1400, $0x38;
	[tilespmem:$0x5200] =	vst v63  }
0x4d: {  	_ =	swait.ge [sflag:s16], $0x1400  }
0x4e: {  	[sflag:s16] =	ssyncset.done $0x0  }
0x4f: {  	s8 =	sadd.s32 $0x280, s29;
	[sflag:s16] =	ssyncadd.s32 $0xFFFFEC00  }
0x50: {  	[hbm4b:s8+s3] =	stream.linear.scatter [tilespmem:s24], [sflag:$0x3], $0x1400, $0x38;
	[tilespmem:$0x5200] =	vst v63  }
0x51: {  	s29 =	simm.s32 $0x500;
	s31 =	smov.u32 s11;
	_ =	swait.ge [sflag:s16], $0x1400  }
0x52: {  	s30 =	sadd.s32 $0xA, s15;
	s14 =	smov.u32 s0;
	[sflag:s16] =	ssyncset.done $0x0  }
.LBB2_2:
0x53: {  	[sflag:s16] =	ssyncadd.s32 $0xFFFFEC00  }
0x54: {  	s31 =	sadd.s32 $0x50, s31;
	s14 =	sadd.s32 $0xA, s14;
	s2 =	smov.u32 s29  }
0x55: {  	[tilespmem:s21], [sflag:$0x3] =	stream.linear.gather [hbm4b:s30+s3], $0x28, $0x38;
	[tilespmem:$0x5200] =	vst v63  }
0x56: {  	p0 =	sne.s32 s29, $0x13100;
	s29 =	sadd.s32 $0x500, s29;
	_ =	swait.ge [sflag:s16], $0x28  }
0x57: {  	[sflag:s16] =	ssyncset.done $0x0  }
0x58: {  	[sflag:s16] =	ssyncadd.s32 $0xFFFFFFD8  }
0x59: {  	[tilespmem:s22], [sflag:$0x3] =	stream.linear.gather [hbm4b:s14+s3], $0x28, $0x38;
	[tilespmem:$0x5200] =	vst v63  }
0x5a: {  	_ =	swait.ge [sflag:s16], $0x28  }
0x5b: {  	[sflag:s16] =	ssyncset.done $0x0  }
0x5c: {  	[sflag:s16] =	ssyncadd.s32 $0xFFFFFFD8  }
0x5d: {  	[tilespmem:s23], [sflag:$0x2] =	stream.indirect.gather [hbm4b:s1+s18], $0x80, s21, s18, $0xb8;
	[tilespmem:$0x5200] =	vst v63  }
0x5e: {  	_ = 	snop  }
0x5f: {  	[tilespmem:s24], [sflag:$0x2] =	stream.indirect.gather [hbm4b:s1+s18], $0x80, s22, s18, $0xb8;
	[tilespmem:$0x5200] =	vst v63  }
0x60: {  	_ =	swait.ge [sflag:s25], $0x1400  }
0x61: {  	[sflag:s25] =	ssyncset.done $0x0  }
0x62: {  	[sflag:s25] =	ssyncadd.s32 $0xFFFFEC00  }
0x63: {  	_ =	swait.ge [sflag:s25], $0x1400  }
0x64: {  	[sflag:s25] =	ssyncset.done $0x0  }
0x65: {  	s6 =	sadd.s32 s2, s12;
	[sflag:s25] =	ssyncadd.s32 $0xFFFFEC00  }
0x66: {  	[hbm4b:s6+s3] =	stream.linear.scatter [tilespmem:s19], [sflag:$0x3], $0x1400, $0x38;
	[tilespmem:$0x5200] =	vst v63  }
0x67: {  	_ =	swait.ge [sflag:s16], $0x1400  }
0x68: {  	[sflag:s16] =	ssyncset.done $0x0  }
0x69: {  	s2 =	sadd.s32 s2, s13;
	[sflag:s16] =	ssyncadd.s32 $0xFFFFEC00  }
0x6a: {  	[hbm4b:s2+s3] =	stream.linear.scatter [tilespmem:s20], [sflag:$0x3], $0x1400, $0x38;
	[tilespmem:$0x5200] =	vst v63  }
0x6b: {  	_ =	swait.ge [sflag:s16], $0x1400  }
0x6c: {  	s7 =	sshrl.u32 s31, $0x3;
	[sflag:s16] =	ssyncset.done $0x0  }
0x6d: {  	s8 =	sadd.s32 s4, s7;
	[sflag:s16] =	ssyncadd.s32 $0xFFFFEC00  }
0x6e: {  	[tilespmem:s3], [sflag:$0x3] =	stream.linear.gather [hbm4b:s8+s3], $0x28, $0x38;
	[tilespmem:$0x5200] =	vst v63  }
0x6f: {  	_ =	swait.ge [sflag:s16], $0x28  }
0x70: {  	[sflag:s16] =	ssyncset.done $0x0  }
0x71: {  	s7 =	sadd.s32 s5, s7;
	[sflag:s16] =	ssyncadd.s32 $0xFFFFFFD8  }
0x72: {  	[tilespmem:s17], [sflag:$0x3] =	stream.linear.gather [hbm4b:s7+s3], $0x28, $0x38;
	[tilespmem:$0x5200] =	vst v63  }
0x73: {  	_ =	swait.ge [sflag:s16], $0x28  }
0x74: {  	[sflag:s16] =	ssyncset.done $0x0  }
0x75: {  	[sflag:s16] =	ssyncadd.s32 $0xFFFFFFD8  }
0x76: {  	[tilespmem:s19], [sflag:$0x1] =	stream.indirect.gather [hbm4b:s1+s18], $0x80, s3, s18, $0xb8;
	[tilespmem:$0x5200] =	vst v63  }
0x77: {  	_ = 	snop  }
0x78: {  	[tilespmem:s20], [sflag:$0x1] =	stream.indirect.gather [hbm4b:s1+s18], $0x80, s17, s18, $0xb8;
	[tilespmem:$0x5200] =	vst v63  }
0x79: {  	_ =	swait.ge [sflag:s26], $0x1400  }
0x7a: {  	[sflag:s26] =	ssyncset.done $0x0  }
0x7b: {  	[sflag:s26] =	ssyncadd.s32 $0xFFFFEC00  }
0x7c: {  	_ =	swait.ge [sflag:s26], $0x1400  }
0x7d: {  	[sflag:s26] =	ssyncset.done $0x0  }
0x7e: {  	s6 =	sadd.s32 $0x280, s6;
	[sflag:s26] =	ssyncadd.s32 $0xFFFFEC00  }
0x7f: {  	[hbm4b:s6+s3] =	stream.linear.scatter [tilespmem:s23], [sflag:$0x3], $0x1400, $0x38;
	[tilespmem:$0x5200] =	vst v63  }
0x80: {  	_ =	swait.ge [sflag:s16], $0x1400  }
.Ltmp0:
0x81: {  	[sflag:s16] =	ssyncset.done $0x0;
	(pc) =	sbr.rel @p0 .LBB2_2-.Ltmp0, $4  }
0x82: {  	s2 =	sadd.s32 $0x280, s2;
	[sflag:s16] =	ssyncadd.s32 $0xFFFFEC00  }
0x83: {  	[hbm4b:s2+s3] =	stream.linear.scatter [tilespmem:s24], [sflag:$0x3], $0x1400, $0x38;
	[tilespmem:$0x5200] =	vst v63  }
0x84: {  	_ =	swait.ge [sflag:s16], $0x1400  }
0x85: {  	s30 =	sadd.s32 $0xA, s30;
	[sflag:s16] =	ssyncset.done $0x0  }
0x86: {  	[sflag:s16] =	ssyncadd.s32 $0xFFFFEC00  }
0x87: {  	_ =	swait.ge [sflag:s25], $0x1400  }
0x88: {  	[sflag:s25] =	ssyncset.done $0x0  }
0x89: {  	[sflag:s25] =	ssyncadd.s32 $0xFFFFEC00  }
0x8a: {  	_ =	swait.ge [sflag:s25], $0x1400  }
0x8b: {  	[sflag:s25] =	ssyncset.done $0x0  }
0x8c: {  	s2 =	rddreg [dreg:$0x5];
	[sflag:s25] =	ssyncadd.s32 $0xFFFFEC00  }
0x8d: {  	[hbm4b:s2+s3] =	stream.linear.scatter [tilespmem:s19], [sflag:$0x3], $0x1400, $0x38;
	[tilespmem:$0x5200] =	vst v63  }
0x8e: {  	s28 =	sadd.s32 $0x1, s28;
	_ =	swait.ge [sflag:s16], $0x1400  }
0x8f: {  	p0 =	sne.s32 s28, s10;
	[sflag:s16] =	ssyncset.done $0x0  }
.Ltmp1:
0x90: {  	[sflag:s16] =	ssyncadd.s32 $0xFFFFEC00;
	(pc) =	sbr.rel @p0 .LBB2_1-.Ltmp1, $4  }
0x91: {  	[hbm4b:s9+s3] =	stream.linear.scatter [tilespmem:s20], [sflag:$0x3], $0x1400, $0x38;
	[tilespmem:$0x5200] =	vst v63  }
0x92: {  	_ =	swait.ge [sflag:s16], $0x1400  }
0x93: {  	[sflag:s16] =	ssyncset.done $0x0  }
0x94: {  	[sflag:s16] =	ssyncadd.s32 $0xFFFFEC00  }
0x95: {  	_ =	sfence.sel $0x180000  }
0x96: {  	[bflag:$0x0] =	sbarrier.arrive $0xFFFF  }
0x97: {  	_ =	strace $0x9000004A  }
0x98: {  	s0 =	stileid.u32;
	[bflag:$0x2] =	sbarrier.arrive $0xFFFF  }
0x99: {  	p0 =	sne.s32 s0, $0x0;
	s0 =	rddreg [dreg:$0x2]  }
0x9a: {  	s0 =	sadd.s32 @!p0 $0x100000, s0  }
0x9b: {  	[sflag:s0] =	ssyncadd.tile.s32 @!p0 $0x1;
	_ =	shalt  }
.Lfunc_end2:
_tile_overlayer_lowered:
.L_overlay_start_2:
0x9c: {  	(tag) =	ssettag $0x2  }
0x9d: {  	s0 =	rddreg [dreg:$0x0];
	s2 =	stileid.u32  }
0x9e: {  	s1 =	rddreg [dreg:$0x1];
	p0 =	sne.s32 s2, $0x0  }
0x9f: {  	s3 =	rddreg [dreg:$0x2];
	[bflag:$0x3] =	sbarrier.arrive $0xFFFF;
	s2 =	simm.s32 @!p0 $0x1C03  }
0xa0: {  	[timem:s3], [sflag:s2] =	dma.local @!p0 [hbm:s0], s1  }
0xa1: {  	s0 =	simm.s32 @!p0 $0x3  }
0xa2: {  	_ =	swait.ge @!p0 [sflag:s0], s1  }
0xa3: {  	s1 =	ssub.s32 @!p0 $0x0, s1;
	[sflag:s0] =	ssyncset.done @!p0 $0x0  }
0xa4: {  	[sflag:s0] =	ssyncadd.s32 @!p0 s1  }
0xa5: {  	[bflag:$0x3] =	sbarrier.arrive $0xFFFF  }
0xa6: {  	_ =	shalt  }

// kernel: kernel.19.cloned.1.call-start
scs
__scs_entry_jumppad:
0x0: {  	(pc) =	sbr.rel $0x88, $3  }
0x1: {  	(tag) =	ssettag $0x0;
	lr =	simm.s32 $0x1  }
0x2: {  	[smem:$0x3F95] =	sst lr;
	_ =	strace $0xD0000000  }
0x3: {  	_ = 	snop  }
0x4: {  	_ = 	snop  }
0x5: {  	_ = 	snop  }
0x6: {  	_ = 	snop  }
0x7: {  	_ = 	snop  }
__scs_overlays_trampoline_lowered:
0x8: {  	[smem:$0x3FA4] =	sst s0  }
0x9: {  	[smem:$0x3FA5] =	sst s1  }
0xa: {  	[smem:$0x3FA6] =	sst s2  }
0xb: {  	[smem:$0x3FA7] =	sst s3  }
0xc: {  	[smem:$0x3FA8] =	sst s4  }
0xd: {  	[smem:$0x3FA9] =	sst s5  }
0xe: {  	[smem:$0x3FAA] =	sst s6  }
0xf: {  	[smem:$0x3FAB] =	sst s7  }
0x10: {  	[smem:$0x3FAC] =	sst s8  }
0x11: {  	[smem:$0x3FAD] =	sst s9;
	s0 =	simm.s32 @!p0 $0x0  }
0x12: {  	s1 =	sld [smem:$0x3F93];
	s0 =	simm.s32 @p0 $0x1  }
0x13: {  	[smem:$0x3FAE] =	sst s0;
	s0 =	simm.s32 @!p1 $0x0  }
0x14: {  	s2 =	sld [smem:$0x3F92];
	s0 =	simm.s32 @p1 $0x1  }
0x15: {  	[smem:$0x3FAF] =	sst s0;
	s0 =	simm.s32 @!p2 $0x0  }
0x16: {  	s3 =	sld [smem:$0x3FDB];
	s0 =	simm.s32 @p2 $0x1  }
0x17: {  	s4 =	simm.s32 $0x1BF5;
	[smem:$0x3FB1] =	sst s0  }
0x18: {  	s0 =	sld [smem:$0x3F94];
	_ =	swait.ge [sflag:s4], $0x0  }
0x19: {  	s7 =	sld [smem:$0x3F95]  }
0x1a: {  	s8 =	sadd.s32 $0xFFFFE003, lr  }
0x1b: {  	s9 =	sadd.s32 $0xFFFFFEF7, lr;
	s5 =	simm.s32 $0xFFFFFFFF;
	p2 =	slt.u32 s8, $0xFFFFF086  }
0x1c: {  	p1 =	slt.u32 s9, $0xF7A;
	s5 =	simm.s32 @!p2 $0x0  }
0x1d: {  	s5 =	simm.s32 @p1 $0x1;
	p0 =	seq.s32 s7, s2  }
0x1e: {  	s7 =	smul.u32 @!p0 $0xF7A, s2;
	p2 =	seq.s32 @!p0 s5, $0x0  }
0x1f: {  	s9 =	smul.u32 $0xF7A, s1;
	s8 =	simm.s32 @!p0 $0x1BF5;
	p2 =	por !p2, p0  }
0x20: {  	[sflag:s8] =	ssyncset.s32 @!p0 $0xFFFFF086;
	s6 =	sadd.s32 @!p0 s3, s7;
	s7 =	simm.s32 @!p0 $0x108  }
0x21: {  	s3 =	sadd.s32 s3, s9;
	s6 =	sadd.s32 @!p0 $0x88, s6;
	s7 =	simm.s32 @p2 $0x1082  }
0x22: {  	[simem:s7], [sflag:s8] =	dma.local @!p0 [hbm:s6], $0xF7A  }
0x23: {  	s9 =	sor.u32 $0xD0000000, s2;
	s6 =	simm.s32 $0x108;
	_ =	swait.ge @!p0 [sflag:s8], $0x0  }
0x24: {  	s3 =	sadd.s32 $0x88, s3;
	s6 =	simm.s32 @!p1 $0x1082;
	[sflag:s4] =	ssyncset.s32 $0xFFFFF086  }
0x25: {  	[simem:s6], [sflag:s4] =	dma.local [hbm:s3], $0xF7A  }
0x26: {  	[smem:$0x3F95] =	sst s1;
	(tag) =	ssettag s2;
	_ =	strace s9  }
0x27: {  	s1 =	sld [smem:$0x3FA5]  }
0x28: {  	s2 =	sld [smem:$0x3FA6]  }
0x29: {  	s4 =	sld [smem:$0x3FA8]  }
0x2a: {  	p0 =	seq.s32 s5, $0x0;
	s5 =	sld [smem:$0x3FA9]  }
0x2b: {  	s6 =	sld [smem:$0x3FAA]  }
0x2c: {  	s7 =	sld [smem:$0x3FAB]  }
0x2d: {  	s3 =	simm.s32 $0x108;
	s8 =	sld [smem:$0x3FAC]  }
0x2e: {  	s3 =	simm.s32 @!p0 $0x1082;
	s9 =	sld [smem:$0x3FAD]  }
0x2f: {  	lr =	sadd.s32 s0, s3;
	s0 =	sld [smem:$0x3FA4]  }
0x30: {  	s3 =	sld [smem:$0x3FA7]  }
0x31: {  	[smem:$0x3FB0] =	sst s10  }
0x32: {  	s10 =	sld [smem:$0x3FAE];
	_ =	sdelay $0x3  }
0x33: {  	p0 =	seq.s32 s10, $0x1;
	s10 =	sld [smem:$0x3FB0];
	_ =	sdelay $0x3  }
0x34: {  	[smem:$0x3FB0] =	sst s10  }
0x35: {  	s10 =	sld [smem:$0x3FAF];
	_ =	sdelay $0x3  }
0x36: {  	p1 =	seq.s32 s10, $0x1;
	s10 =	sld [smem:$0x3FB0];
	_ =	sdelay $0x3  }
0x37: {  	[smem:$0x3FB0] =	sst s10  }
0x38: {  	s10 =	sld [smem:$0x3FB1]  }
0x39: {  	_ = 	snop;
	(pc) =	sbr.ind lr, $3  }
0x3a: {  	_ = 	snop  }
0x3b: {  	_ = 	snop  }
0x3c: {  	p2 =	seq.s32 s10, $0x1;
	s10 =	sld [smem:$0x3FB0]  }
0x3d: {  	_ =	shalt  }
0x3e: {  	_ =	shalt  }
0x3f: {  	_ =	shalt  }
0x40: {  	_ =	shalt  }
0x41: {  	_ =	shalt  }
0x42: {  	_ =	shalt  }
0x43: {  	_ =	shalt  }
0x44: {  	_ =	shalt  }
0x45: {  	_ =	shalt  }
0x46: {  	_ =	shalt  }
0x47: {  	_ =	shalt  }
0x48: {  	_ =	shalt  }
0x49: {  	_ =	shalt  }
0x4a: {  	_ =	shalt  }
0x4b: {  	_ =	shalt  }
0x4c: {  	_ =	shalt  }
0x4d: {  	_ =	shalt  }
0x4e: {  	_ =	shalt  }
0x4f: {  	_ =	shalt  }
0x50: {  	_ =	shalt  }
0x51: {  	_ =	shalt  }
0x52: {  	_ =	shalt  }
0x53: {  	_ =	shalt  }
0x54: {  	_ =	shalt  }
0x55: {  	_ =	shalt  }
0x56: {  	_ =	shalt  }
0x57: {  	_ =	shalt  }
0x58: {  	_ =	shalt  }
0x59: {  	_ =	shalt  }
0x5a: {  	_ =	shalt  }
0x5b: {  	_ =	shalt  }
0x5c: {  	_ =	shalt  }
0x5d: {  	_ =	shalt  }
0x5e: {  	_ =	shalt  }
0x5f: {  	_ =	shalt  }
0x60: {  	_ =	shalt  }
0x61: {  	_ =	shalt  }
0x62: {  	_ =	shalt  }
0x63: {  	_ =	shalt  }
0x64: {  	_ =	shalt  }
0x65: {  	_ =	shalt  }
0x66: {  	_ =	shalt  }
0x67: {  	_ =	shalt  }
0x68: {  	_ =	shalt  }
0x69: {  	_ =	shalt  }
0x6a: {  	_ =	shalt  }
0x6b: {  	_ =	shalt  }
0x6c: {  	_ =	shalt  }
0x6d: {  	_ =	shalt  }
0x6e: {  	_ =	shalt  }
0x6f: {  	_ =	shalt  }
0x70: {  	_ =	shalt  }
0x71: {  	_ =	shalt  }
0x72: {  	_ =	shalt  }
0x73: {  	_ =	shalt  }
0x74: {  	_ =	shalt  }
0x75: {  	_ =	shalt  }
0x76: {  	_ =	shalt  }
0x77: {  	_ =	shalt  }
0x78: {  	_ =	shalt  }
0x79: {  	_ =	shalt  }
0x7a: {  	_ =	shalt  }
0x7b: {  	_ =	shalt  }
0x7c: {  	_ =	shalt  }
0x7d: {  	_ =	shalt  }
0x7e: {  	_ =	shalt  }
0x7f: {  	_ =	shalt  }
0x80: {  	_ =	shalt  }
0x81: {  	_ =	shalt  }
0x82: {  	_ =	shalt  }
0x83: {  	_ =	shalt  }
0x84: {  	_ =	shalt  }
0x85: {  	_ =	shalt  }
0x86: {  	_ =	shalt  }
0x87: {  	_ =	shalt  }
.Lfunc_end0:
.L_simem_size_0:
called_computation.3_lowered:
.L_overlay_start_0:
0x88: {  	s2 =	sld [smem:$0x3FD9]  }
0x89: {  	s3 =	sld [smem:$0x3FFE];
	_ =	sdelay $0x1  }
0x8a: {  	s1 =	srdreg.scid  }
0x8b: {  	s0 =	sand.u32 $0x1, s1  }
0x8c: {  	s17 =	sshll.u32 s0, $0xA;
	s2 =	sadd.s32 s3, s2  }
0x8d: {  	s2 =	sadd.s32 s2, s17  }
0x8e: {  	[smem:$0x3FBC] =	sst s2  }
0x8f: {  	_ = 	snop  }
0x90: {  	(tm) =	ssettm $0x1  }
0x91: {  	s18 =	sld [smem:$0x3FFB];
	_ =	sdelay $0x3  }
0x92: {  	_ =	strace s18  }
0x93: {  	s2 =	sld [smem:$0x3FFC];
	_ =	sdelay $0x3  }
0x94: {  	_ =	strace s2  }
0x95: {  	s2 =	sld [smem:$0x3FFD];
	_ =	sdelay $0x3  }
0x96: {  	_ =	strace s2  }
0x97: {  	_ =	strace $0x8FFFFFFF  }
0x98: {  	s19 =	sld [smem:$0x3FDB];
	_ =	sdelay $0x1  }
0x99: {  	s20 =	simm.s32 $_scs_section_size  }
0x9a: {  	s4 =	simm.s32 $_size__tile_overlayer_lowered;
	s5 =	simm.s32 $_tile_overlayer_lowered  }
0x9b: {  	s6 =	simm.s32 $0x1BFF;
	s21 =	sshll.u32 s5, $0x1;
	s3 =	sadd.s32 s20, s19  }
0x9c: {  	s22 =	simm.s32 $0x0;
	s4 =	sshll.u32 s4, $0x1;
	s5 =	sadd.s32 s21, s3  }
0x9d: {  	[timem:s22], [sflag:s6] =	dma.local [hbm:s5], s4  }
0x9e: {  	_ =	swait.ge [sflag:s6], s4  }
0x9f: {  	s4 =	ssub.s32 $0x0, s4;
	[sflag:s6] =	ssyncset.done $0x0  }
0xa0: {  	[sflag:s6] =	ssyncadd.s32 s4;
	_ =	sdelay $0x1  }
0xa1: {  	s23 =	simm.s32 $0x1B8B  }
0xa2: {  	_ =	swait.ge [sflag:s23], $0x1  }
0xa3: {  	[sflag:s23] =	ssyncset.done $0x0  }
0xa4: {  	[sflag:s23] =	ssyncadd.s32 $0xFFFFFFFF  }
0xa5: {  	s4 =	sld [smem:$0x0]  }
0xa6: {  	s5 =	sand.u32 $0xFFFFFFFE, s1  }
0xa7: {  	p0 =	sne.s32 s1, s5  }
0xa8: {  	s5 =	sshll.u32 @p0 s5, $0xE  }
0xa9: {  	s5 =	sadd.s32 @p0 $0x11B8D, s5;
	s6 =	sshll.u32 @p0 s4, $0x11  }
0xaa: {  	s5 =	sor.u32 @p0 s6, s5  }
0xab: {  	[sflag:s5] =	ssyncadd.remote.s32 @p0 $0x1;
	_ =	sdelay $0x1  }
0xac: {  	s5 =	simm.s32 @p0 $0x1B8D  }
0xad: {  	_ =	swait.eq @p0 [sflag:s5], $0x1  }
0xae: {  	[sflag:s5] =	ssyncadd.s32 @p0 $0xFFFFFFFF  }
0xaf: {  	s6 =	sshll.u32 @!p0 s1, $0xE  }
0xb0: {  	s6 =	sor.u32 @!p0 $0x4000, s6;
	s5 =	simm.s32 @!p0 $0x1B8D  }
0xb1: {  	s4 =	sshll.u32 @!p0 s4, $0x11;
	s6 =	sadd.s32 @!p0 $0x11B8D, s6;
	_ =	swait.eq @!p0 [sflag:s5], $0x1  }
0xb2: {  	s4 =	sor.u32 @!p0 s4, s6;
	[sflag:s5] =	ssyncadd.s32 @!p0 $0xFFFFFFFF  }
0xb3: {  	s25 =	simm.s32 $0x1B8E;
	s24 =	sld [smem:$0x3FFE];
	[sflag:s4] =	ssyncadd.remote.s32 @!p0 $0x1  }
0xb4: {  	s26 =	simm.s32 $execute0_lowered;
	[smem:$0x3FD2] =	sst s25  }
0xb5: {  	s5 =	sshll.u32 s26, $0x1;
	_ =	strace $0x8000004F;
	[dreg:$0x1] =	wrdreg $0xFFFFFFFF  }
0xb6: {  	s28 =	simm.s32 $_size_execute0_lowered;
	s3 =	sadd.s32 s3, s5;
	[dreg:$0x0] =	wrdreg $0x0  }
0xb7: {  	s5 =	sshll.u32 s28, $0x1;
	[dreg:$0x2] =	wrdreg s3  }
0xb8: {  	[dreg:$0x3] =	wrdreg s5  }
0xb9: {  	[dreg:$0x4] =	wrdreg $0xC0  }
0xba: {  	_ =	task [dreg:s22], $0x5FFFF  }
0xbb: {  	[dreg:$0x1] =	wrdreg $0xFFFFFFFF  }
0xbc: {  	[dreg:$0x0] =	wrdreg $0x60  }
0xbd: {  	[dreg:$0x2] =	wrdreg s24  }
0xbe: {  	[dreg:$0x3] =	wrdreg $0x29000  }
0xbf: {  	[dreg:$0x4] =	wrdreg $0xA  }
0xc0: {  	_ =	task.clear_ibuf [dreg:s22], $0x5FFFF;
	_ =	strace $0x9000004F  }
0xc1: {  	s29 =	simm.s32 $0xA;
	_ =	strace $0x80000051  }
0xc2: {  	_ =	swait.ge [sflag:s29], $0x1  }
0xc3: {  	[sflag:s29] =	ssyncadd.s32 $0xFFFFFFFF  }
0xc4: {  	_ =	strace $0x90000051  }
0xc5: {  	_ =	sfence  }
0xc6: {  	s30 =	sld [smem:$0x0];
	_ =	sdelay $0x2  }
0xc7: {  	s31 =	sshll.u32 s1, $0xD;
	s1 =	sshrl.u32 s1, $0x2  }
0xc8: {  	s4 =	sand.u32 $0x4000, s31;
	s1 =	sadd.s32 s1, s30  }
0xc9: {  	s0 =	sor.u32 s4, s0;
	s1 =	sshll.u32 s1, $0x11  }
0xca: {  	s0 =	sor.u32 s1, s0  }
0xcb: {  	s0 =	sadd.s32 $0x8F2B, s0  }
0xcc: {  	[sflag:s0] =	ssyncadd.remote.s32 $0x1  }
0xcd: {  	_ =	sfence.sel $0xFFFF  }
0xce: {  	[dreg:$0x0] =	wrdreg $0xFFFFFFFF;
	(pc) =	sbr.abs _section_cstart, $3  }
0xcf: {  	[dreg:$0x1] =	wrdreg $0xFFFFFFFF  }
0xd0: {  	_ =	task.clear_ibuf [dreg:s22], $0x2FFFF;
	_ =	strace $0x9FFFFFFF  }
0xd1: {  	(tm) =	ssettm $0x7FFFFFFF  }
tec
execute0_lowered:
.L_overlay_start_1:
0x0: {  	(tag) =	ssettag $0x1  }
0x1: {  	s6 =	rddreg [dreg:$0x0]  }
0x2: {  	s1 =	rddreg [dreg:$0x1]  }
0x3: {  	s0 =	rddreg [dreg:$0x2];
	s2 =	srdreg.scid  }
0x4: {  	s3 =	simm.s32 $0x0;
	s18 =	simm.s32 $0x1500;
	s9 =	sand.u32 $0x1, s2  }
0x5: {  	s19 =	simm.s32 $0x1;
	s2 =	stileid.u32;
	s7 =	smul.u32 $0x13C000, s9  }
0x6: {  	s20 =	simm.s32 $0x28;
	s21 =	simm.s32 $0x2;
	s8 =	smul.u32 $0x13C00, s2  }
0x7: {  	s22 =	simm.s32 $0x0;
	s10 =	sadd.s32 $0x27EC00, s6;
	s11 =	smul.u32 $0x4F000, s2  }
0x8: {  	[smem:$0x7FF] =	sst s3;
	s4 =	sadd.s32 $0x4EFC00, s6;
	s26 =	smul.u32 $0x2710, s2  }
0x9: {  	s5 =	sadd.s32 $0x3C00, s6;
	_ =	strace $0x80000050;
	s15 =	smul.u32 $0x1388, s9  }
0xa: {  	s23 =	sshll.u32 s2, $0x1;
	s24 =	ssub.s32 $0x2, s9;
	s16 =	smul.u32 $0x27100, s2  }
0xb: {  	s28 =	sshll.u32 s2, $0x6;
	s17 =	smul.u32 $0x13880, s9;
	s13 =	sshrl.u32 s24, $0x1  }
0xc: {  	s7 =	sadd.s32 s8, s7;
	s8 =	sor.u32 s9, s23;
	s11 =	sshrl.u32 s11, $0x2  }
0xd: {  	s13 =	ssub.s32 s24, s13;
	s15 =	sadd.s32 s15, s26;
	s29 =	sadd.s32 s16, s10  }
0xe: {  	s16 =	simm.s32 $0x80;
	s7 =	sshrl.u32 s7, $0x3;
	s25 =	smul.u32 $0x1388, s8  }
0xf: {  	s8 =	smul.u32 $0x13880, s8;
	s14 =	sadd.s32 s11, s1;
	s30 =	sadd.s32 $0x28, s15  }
0x10: {  	s11 =	sadd.s32 s17, s29;
	s17 =	simm.s32 $0x1480;
	s12 =	sadd.s32 s7, s6  }
0x11: {  	s6 =	sor.u32 $0x1C03, s28;
	s31 =	sshrl.u32 s30, $0x3;
	s11 =	sadd.s32 $0x500, s11  }
0x12: {  	s14 =	sshrl.u32 s14, $0x3;
	s7 =	sshrl.u32 s25, $0x3;
	s8 =	sadd.s32 s10, s8  }
0x13: {  	s9 =	sadd.s32 $0xDC00, s12;
	s10 =	smax.u32 s13, $0x1;
	s12 =	sadd.s32 $0x50, s15  }
0x14: {  	s13 =	sadd.s32 s31, s4;
	s15 =	simm.s32 $0x3;
	s7 =	sadd.s32 s4, s7  }
.LBB2_1:
0x15: {  	[spmem:s14], [sflag:s6] =	dma.local [hbm:s5], $0x2780  }
0x16: {  	_ =	swait.ge [sflag:s15], $0x2780  }
0x17: {  	[sflag:s15] =	ssyncset.done $0x0  }
0x18: {  	[sflag:s15] =	ssyncadd.s32 $0xFFFFD880  }
0x19: {  	[bflag:$0x0] =	sbarrier.arrive $0xFFFF  }
0x1a: {  	[tilespmem:s3], [sflag:$0x1] =	stream.linear.gather [hbm4b:s7+s3], $0x28, $0x38;
	[tilespmem:$0x16500] =	vst v63  }
0x1b: {  	_ = 	snop  }
0x1c: {  	[tilespmem:s16], [sflag:$0x1] =	stream.linear.gather [hbm4b:s8+s3], $0x1400, $0x38;
	[tilespmem:$0x16500] =	vst v63  }
0x1d: {  	s23 =	sadd.s32 $0x0, s13  }
0x1e: {  	[tilespmem:s17], [sflag:$0x2] =	stream.linear.gather [hbm4b:s23+s3], $0x28, $0x38;
	[tilespmem:$0x16500] =	vst v63  }
0x1f: {  	s30 =	sadd.s32 $0xFFFFFD80, s11  }
0x20: {  	[tilespmem:s18], [sflag:$0x2] =	stream.linear.gather [hbm4b:s30+s3], $0x1400, $0x38;
	[tilespmem:$0x16500] =	vst v63  }
0x21: {  	_ =	swait.ge [sflag:s19], $0x28  }
0x22: {  	[sflag:s19] =	ssyncset.done $0x0  }
0x23: {  	[sflag:s19] =	ssyncadd.s32 $0xFFFFFFD8  }
0x24: {  	_ =	swait.ge [sflag:s19], $0x1400  }
0x25: {  	[sflag:s19] =	ssyncset.done $0x0  }
0x26: {  	[sflag:s19] =	ssyncadd.s32 $0xFFFFEC00  }
0x27: {  	[spmem:s1] =	stream.indirect.scatter.add.f32 [tilespmem:s16], [sflag:$0x3], $0x80, s3, s20, $0xb8;
	[tilespmem:$0x16500] =	vst v63  }
0x28: {  	_ =	swait.ge [sflag:s15], $0x1400  }
0x29: {  	s31 =	sshrl.u32 s12, $0x3;
	[sflag:s15] =	ssyncset.done $0x0  }
0x2a: {  	s23 =	sadd.s32 s4, s31;
	[sflag:s15] =	ssyncadd.s32 $0xFFFFEC00  }
0x2b: {  	[tilespmem:s3], [sflag:$0x1] =	stream.linear.gather [hbm4b:s23+s3], $0x28, $0x38;
	[tilespmem:$0x16500] =	vst v63  }
0x2c: {  	_ = 	snop  }
0x2d: {  	[tilespmem:s16], [sflag:$0x1] =	stream.linear.gather [hbm4b:s11+s3], $0x1400, $0x38;
	[tilespmem:$0x16500] =	vst v63  }
0x2e: {  	_ =	swait.ge [sflag:s21], $0x28  }
0x2f: {  	[sflag:s21] =	ssyncset.done $0x0  }
0x30: {  	[sflag:s21] =	ssyncadd.s32 $0xFFFFFFD8  }
0x31: {  	_ =	swait.ge [sflag:s21], $0x1400  }
0x32: {  	[sflag:s21] =	ssyncset.done $0x0  }
0x33: {  	[sflag:s21] =	ssyncadd.s32 $0xFFFFEC00  }
0x34: {  	[spmem:s1] =	stream.indirect.scatter.add.f32 [tilespmem:s18], [sflag:$0x3], $0x80, s17, s20, $0xb8;
	[tilespmem:$0x16500] =	vst v63  }
0x35: {  	s25 =	simm.s32 $0xA;
	s26 =	simm.s32 $0x14;
	_ =	swait.ge [sflag:s15], $0x1400  }
0x36: {  	s24 =	sadd.s32 $0x50, s12;
	s23 =	sadd.s32 $0x500, s11;
	[sflag:s15] =	ssyncset.done $0x0  }
.LBB2_2:
0x37: {  	s28 =	sadd.s32 s25, s13  }
0x38: {  	[sflag:s15] =	ssyncadd.s32 $0xFFFFEC00;
	s25 =	smov.u32 s26;
	s29 =	sadd.s32 $0xA, s26  }
0x39: {  	[tilespmem:s17], [sflag:$0x2] =	stream.linear.gather [hbm4b:s28+s3], $0x28, $0x38;
	[tilespmem:$0x16500] =	vst v63  }
0x3a: {  	p0 =	sne.s32 s26, $0x262;
	s26 =	sadd.s32 $0xFFFFFD80, s23  }
0x3b: {  	[tilespmem:s18], [sflag:$0x2] =	stream.linear.gather [hbm4b:s26+s3], $0x1400, $0x38;
	[tilespmem:$0x16500] =	vst v63  }
0x3c: {  	_ =	swait.ge [sflag:s19], $0x28  }
0x3d: {  	[sflag:s19] =	ssyncset.done $0x0  }
0x3e: {  	[sflag:s19] =	ssyncadd.s32 $0xFFFFFFD8  }
0x3f: {  	_ =	swait.ge [sflag:s19], $0x1400  }
0x40: {  	[sflag:s19] =	ssyncset.done $0x0  }
0x41: {  	[sflag:s19] =	ssyncadd.s32 $0xFFFFEC00  }
0x42: {  	[spmem:s1] =	stream.indirect.scatter.add.f32 [tilespmem:s16], [sflag:$0x3], $0x80, s3, s20, $0xb8;
	[tilespmem:$0x16500] =	vst v63  }
0x43: {  	_ =	swait.ge [sflag:s15], $0x1400  }
0x44: {  	s26 =	sshrl.u32 s24, $0x3;
	[sflag:s15] =	ssyncset.done $0x0  }
0x45: {  	s26 =	sadd.s32 s4, s26;
	[sflag:s15] =	ssyncadd.s32 $0xFFFFEC00  }
0x46: {  	[tilespmem:s3], [sflag:$0x1] =	stream.linear.gather [hbm4b:s26+s3], $0x28, $0x38;
	[tilespmem:$0x16500] =	vst v63  }
0x47: {  	_ = 	snop  }
0x48: {  	[tilespmem:s16], [sflag:$0x1] =	stream.linear.gather [hbm4b:s23+s3], $0x1400, $0x38;
	[tilespmem:$0x16500] =	vst v63  }
0x49: {  	_ =	swait.ge [sflag:s21], $0x28  }
0x4a: {  	[sflag:s21] =	ssyncset.done $0x0  }
0x4b: {  	[sflag:s21] =	ssyncadd.s32 $0xFFFFFFD8  }
0x4c: {  	_ =	swait.ge [sflag:s21], $0x1400  }
.Ltmp0:
0x4d: {  	[sflag:s21] =	ssyncset.done $0x0;
	(pc) =	sbr.rel @p0 .LBB2_2-.Ltmp0, $4  }
0x4e: {  	[sflag:s21] =	ssyncadd.s32 $0xFFFFEC00  }
0x4f: {  	[spmem:s1] =	stream.indirect.scatter.add.f32 [tilespmem:s18], [sflag:$0x3], $0x80, s17, s20, $0xb8;
	[tilespmem:$0x16500] =	vst v63  }
0x50: {  	s24 =	sadd.s32 $0x50, s24;
	_ =	swait.ge [sflag:s15], $0x1400  }
0x51: {  	s26 =	smov.u32 s29;
	s23 =	sadd.s32 $0x500, s23;
	[sflag:s15] =	ssyncset.done $0x0  }
0x52: {  	s25 =	sadd.s32 s25, s13;
	[sflag:s15] =	ssyncadd.s32 $0xFFFFEC00  }
0x53: {  	[tilespmem:s17], [sflag:$0x2] =	stream.linear.gather [hbm4b:s25+s3], $0x28, $0x38;
	[tilespmem:$0x16500] =	vst v63  }
0x54: {  	s31 =	sadd.s32 $0xFFFFFD80, s23  }
0x55: {  	[tilespmem:s18], [sflag:$0x2] =	stream.linear.gather [hbm4b:s31+s3], $0x1400, $0x38;
	[tilespmem:$0x16500] =	vst v63  }
0x56: {  	_ =	swait.ge [sflag:s19], $0x28  }
0x57: {  	[sflag:s19] =	ssyncset.done $0x0  }
0x58: {  	[sflag:s19] =	ssyncadd.s32 $0xFFFFFFD8  }
0x59: {  	_ =	swait.ge [sflag:s19], $0x1400  }
0x5a: {  	[sflag:s19] =	ssyncset.done $0x0  }
0x5b: {  	[sflag:s19] =	ssyncadd.s32 $0xFFFFEC00  }
0x5c: {  	[spmem:s1] =	stream.indirect.scatter.add.f32 [tilespmem:s16], [sflag:$0x3], $0x80, s3, s20, $0xb8;
	[tilespmem:$0x16500] =	vst v63  }
0x5d: {  	_ =	swait.ge [sflag:s15], $0x1400  }
0x5e: {  	s24 =	sshrl.u32 s24, $0x3;
	[sflag:s15] =	ssyncset.done $0x0  }
0x5f: {  	s24 =	sadd.s32 s4, s24;
	[sflag:s15] =	ssyncadd.s32 $0xFFFFEC00  }
0x60: {  	[tilespmem:s3], [sflag:$0x1] =	stream.linear.gather [hbm4b:s24+s3], $0x28, $0x38;
	[tilespmem:$0x16500] =	vst v63  }
0x61: {  	_ = 	snop  }
0x62: {  	[tilespmem:s16], [sflag:$0x1] =	stream.linear.gather [hbm4b:s23+s3], $0x1400, $0x38;
	[tilespmem:$0x16500] =	vst v63  }
0x63: {  	_ =	swait.ge [sflag:s21], $0x28  }
0x64: {  	[sflag:s21] =	ssyncset.done $0x0  }
0x65: {  	[sflag:s21] =	ssyncadd.s32 $0xFFFFFFD8  }
0x66: {  	_ =	swait.ge [sflag:s21], $0x1400  }
0x67: {  	[sflag:s21] =	ssyncset.done $0x0  }
0x68: {  	[sflag:s21] =	ssyncadd.s32 $0xFFFFEC00  }
0x69: {  	[spmem:s1] =	stream.indirect.scatter.add.f32 [tilespmem:s18], [sflag:$0x3], $0x80, s17, s20, $0xb8;
	[tilespmem:$0x16500] =	vst v63  }
0x6a: {  	_ =	swait.ge [sflag:s15], $0x1400  }
0x6b: {  	[sflag:s15] =	ssyncset.done $0x0  }
0x6c: {  	[sflag:s15] =	ssyncadd.s32 $0xFFFFEC00  }
0x6d: {  	_ =	swait.ge [sflag:s19], $0x28  }
0x6e: {  	[sflag:s19] =	ssyncset.done $0x0  }
0x6f: {  	[sflag:s19] =	ssyncadd.s32 $0xFFFFFFD8  }
0x70: {  	_ =	swait.ge [sflag:s19], $0x1400  }
0x71: {  	[sflag:s19] =	ssyncset.done $0x0  }
0x72: {  	[sflag:s19] =	ssyncadd.s32 $0xFFFFEC00  }
0x73: {  	[spmem:s1] =	stream.indirect.scatter.add.f32 [tilespmem:s16], [sflag:$0x3], $0x80, s3, s20, $0xb8;
	[tilespmem:$0x16500] =	vst v63  }
0x74: {  	_ =	swait.ge [sflag:s15], $0x1400  }
0x75: {  	s22 =	sadd.s32 $0x1, s22;
	[sflag:s15] =	ssyncset.done $0x0  }
0x76: {  	p0 =	sne.s32 s22, s10;
	[sflag:s15] =	ssyncadd.s32 $0xFFFFEC00  }
.Ltmp1:
0x77: {  	[bflag:$0x0] =	sbarrier.arrive $0xFFFF;
	(pc) =	sbr.rel @p0 .LBB2_1-.Ltmp1, $4  }
0x78: {  	[hbm:s9], [sflag:s6] =	dma.local [spmem:s14], $0x2780  }
0x79: {  	_ =	swait.ge [sflag:s15], $0x2780  }
0x7a: {  	[sflag:s15] =	ssyncset.done $0x0  }
0x7b: {  	[sflag:s15] =	ssyncadd.s32 $0xFFFFD880  }
0x7c: {  	_ =	sfence.sel $0x180000  }
0x7d: {  	[bflag:$0x0] =	sbarrier.arrive $0xFFFF  }
0x7e: {  	p0 =	sne.s32 s2, $0x0;
	_ =	strace $0x90000050  }
0x7f: {  	s0 =	sadd.s32 @!p0 $0x100000, s0;
	[bflag:$0x2] =	sbarrier.arrive $0xFFFF  }
0x80: {  	[sflag:s0] =	ssyncadd.tile.s32 @!p0 $0x1;
	_ =	shalt  }
.Lfunc_end2:
_tile_overlayer_lowered:
.L_overlay_start_2:
0x81: {  	(tag) =	ssettag $0x2  }
0x82: {  	s0 =	rddreg [dreg:$0x0];
	s2 =	stileid.u32  }
0x83: {  	s1 =	rddreg [dreg:$0x1];
	p0 =	sne.s32 s2, $0x0  }
0x84: {  	s3 =	rddreg [dreg:$0x2];
	[bflag:$0x3] =	sbarrier.arrive $0xFFFF;
	s2 =	simm.s32 @!p0 $0x1C03  }
0x85: {  	[timem:s3], [sflag:s2] =	dma.local @!p0 [hbm:s0], s1  }
0x86: {  	s0 =	simm.s32 @!p0 $0x3  }
0x87: {  	_ =	swait.ge @!p0 [sflag:s0], s1  }
0x88: {  	s1 =	ssub.s32 @!p0 $0x0, s1;
	[sflag:s0] =	ssyncset.done @!p0 $0x0  }
0x89: {  	[sflag:s0] =	ssyncadd.s32 @!p0 s1  }
0x8a: {  	[bflag:$0x3] =	sbarrier.arrive $0xFFFF  }
0x8b: {  	_ =	shalt  }

</sc_bundles>
